<compile_context>
chip_gen: v7x
topology: tpu7x:2x2x1
jax: 0.10.2.dev20260603
libtpu: 0.0.44.dev20260713+nightly
codegen_flags: <defaults>
</compile_context>

<pallas_src>
import jax
import jax.numpy as jnp
from jax import lax
from jax.experimental import pallas as pl
from jax.experimental.pallas import tpu as pltpu
from jax.experimental.pallas import tpu_sc as plsc

BATCH = 16384
FIELDS = 100
EMBED_DIM = 64

NC = 2
NS = 16
NW = NC * NS
B_PER_W = BATCH // NW
NBUF = 8
NITER = B_PER_W // NBUF

_WINS = (0, 16, 32, 48, 64, 80, 84)


def _body(x_hbm, w_hbm, out_hbm, idx_raw, idx_dbl, r0, r1, r2, r3, r4, r5,
          r6, r7, g0, g1, g2, g3, g4, g5, g6, g7, o0, o1, o2, o3, o4, o5,
          o6, o7):
    rows = (r0, r1, r2, r3, r4, r5, r6, r7)
    gsem = (g0, g1, g2, g3, g4, g5, g6, g7)
    osem = (o0, o1, o2, o3, o4, o5, o6, o7)
    wid = lax.axis_index("s") * NC + lax.axis_index("c")
    base = wid * B_PER_W

    pltpu.sync_copy(x_hbm.at[wid], idx_raw)

    def dbl(c, b):
        for st in _WINS:
            v = idx_raw[c, pl.ds(st, 16)]
            idx_dbl[b, pl.ds(st, 16)] = v + v

    def gather(j, b):
        pltpu.async_copy(w_hbm.at[idx_dbl.at[b, pl.ds(0, FIELDS)]], rows[b],
                         gsem[b])

    for b in range(NBUF):
        dbl(b, b)
        gather(b, b)

    def rnd(i, _):
        j0 = i * NBUF
        for b in range(NBUF):
            j = j0 + b
            pltpu.make_async_copy(
                w_hbm.at[idx_dbl.at[b, pl.ds(0, FIELDS)]], rows[b], gsem[b]
            ).wait()
            pltpu.async_copy(rows[b], out_hbm.at[base + j], osem[b])
        for b in range(NBUF):
            j = j0 + b
            pltpu.make_async_copy(rows[b], out_hbm.at[base + j], osem[b]).wait()

            @pl.when(i + 1 < NITER)
            def _():
                dbl(j + NBUF, b)
                gather(j + NBUF, b)

        return 0

    lax.fori_loop(0, NITER, rnd, 0)


@jax.jit
def kernel(x, weight):
    x3 = x.reshape(NW, B_PER_W, FIELDS)
    mesh = plsc.VectorSubcoreMesh(core_axis_name="c", subcore_axis_name="s")
    out = pl.kernel(
        _body,
        mesh=mesh,
        out_type=jax.ShapeDtypeStruct((BATCH, FIELDS, EMBED_DIM), jnp.float32),
        scratch_types=[
            pltpu.VMEM((B_PER_W, FIELDS), jnp.int32),
            pltpu.VMEM((NBUF, FIELDS), jnp.int32),
        ] + [pltpu.VMEM((FIELDS, EMBED_DIM), jnp.float32) for _ in range(NBUF)]
        + [pltpu.SemaphoreType.DMA for _ in range(2 * NBUF)],
        compiler_params=pltpu.CompilerParams(use_tc_tiling_on_sc=False),
    )(x3, weight)
    return out

# --- scband reference (transcript-rebuilt; emitter-appended) ---
"""Pipeline reference for scband-model-from-another-op-51745765982822 (READ-ONLY COPY).

The authoritative reference and input builder live on the scoring server;
editing this copy changes nothing except your own understanding.
"""

import jax, jax.numpy as jnp
import numpy as np

NUM_EMBEDDINGS = 1000000
EMBED_DIM = 64
BATCH = 16384
FIELDS = 100

def setup_inputs(seed: int = 0) -> dict:
    key = jax.random.key(seed)
    k1, k2 = jax.random.split(key)
    # forward does add = x + x before lookup, so indices must stay < num_embeddings after doubling
    x = jax.random.randint(k1, (BATCH, FIELDS), 0, NUM_EMBEDDINGS // 2, dtype=jnp.int32)
    # embedding table initialized with torch.rand -> uniform [0, 1)
    weight = jax.random.uniform(k2, (NUM_EMBEDDINGS, EMBED_DIM), dtype=jnp.float32)
    return {"x": x, "weight": weight}

def reference(x, weight):
    # faithful translation of ModelFromAnotherOp.forward:
    #   add = torch.add(x, x); output = embedding(add)
    add = x + x
    output = jnp.take(weight, add, axis=0)
    return output

if __name__ == "__main__":
    import jax
    _d = setup_inputs()
    print(jax.jit(kernel)(*tuple(_d.values())))

</pallas_src>

<mosaic_0001>
#map = affine_map<(d0, d1) -> (0, 0, 0)>
#map1 = affine_map<(d0, d1) -> (0, 0)>
module attributes {stable_mosaic.version = 14 : i64} {
  func.func @_body(%arg0: i32, %arg1: i32, %arg2: memref<32x512x100xi32, #tpu.memory_space<hbm>>, %arg3: memref<1000000x64xf32, #tpu.memory_space<hbm>>, %arg4: memref<16384x100x64xf32, #tpu.memory_space<hbm>>, %arg5: memref<512x100xi32, #tpu.memory_space<vmem>>, %arg6: memref<8x100xi32, #tpu.memory_space<vmem>>, %arg7: memref<100x64xf32, #tpu.memory_space<vmem>>, %arg8: memref<100x64xf32, #tpu.memory_space<vmem>>, %arg9: memref<100x64xf32, #tpu.memory_space<vmem>>, %arg10: memref<100x64xf32, #tpu.memory_space<vmem>>, %arg11: memref<100x64xf32, #tpu.memory_space<vmem>>, %arg12: memref<100x64xf32, #tpu.memory_space<vmem>>, %arg13: memref<100x64xf32, #tpu.memory_space<vmem>>, %arg14: memref<100x64xf32, #tpu.memory_space<vmem>>, %arg15: memref<!tpu.dma_semaphore, #tpu.memory_space<semaphore_mem>>, %arg16: memref<!tpu.dma_semaphore, #tpu.memory_space<semaphore_mem>>, %arg17: memref<!tpu.dma_semaphore, #tpu.memory_space<semaphore_mem>>, %arg18: memref<!tpu.dma_semaphore, #tpu.memory_space<semaphore_mem>>, %arg19: memref<!tpu.dma_semaphore, #tpu.memory_space<semaphore_mem>>, %arg20: memref<!tpu.dma_semaphore, #tpu.memory_space<semaphore_mem>>, %arg21: memref<!tpu.dma_semaphore, #tpu.memory_space<semaphore_mem>>, %arg22: memref<!tpu.dma_semaphore, #tpu.memory_space<semaphore_mem>>, %arg23: memref<!tpu.dma_semaphore, #tpu.memory_space<semaphore_mem>>, %arg24: memref<!tpu.dma_semaphore, #tpu.memory_space<semaphore_mem>>, %arg25: memref<!tpu.dma_semaphore, #tpu.memory_space<semaphore_mem>>, %arg26: memref<!tpu.dma_semaphore, #tpu.memory_space<semaphore_mem>>, %arg27: memref<!tpu.dma_semaphore, #tpu.memory_space<semaphore_mem>>, %arg28: memref<!tpu.dma_semaphore, #tpu.memory_space<semaphore_mem>>, %arg29: memref<!tpu.dma_semaphore, #tpu.memory_space<semaphore_mem>>, %arg30: memref<!tpu.dma_semaphore, #tpu.memory_space<semaphore_mem>>) attributes {dimension_semantics = [#tpu.dimension_semantics<core_parallel>, #tpu.dimension_semantics<subcore_parallel>], iteration_bounds = array<i64: 2, 16>, scalar_prefetch = 0 : i64, scratch_operands = 26 : i64, tpu.core_type = #tpu.core_type<sc_vector_subcore>, window_params = [{transform_indices = #map}, {transform_indices = #map1}, {transform_indices = #map}]} {
    %mul3A = arith.constant 2 : i32
    %mul3A_0 = arith.muli %arg1, %mul3A : i32
    %add3A = arith.addi %mul3A_0, %arg0 : i32
    %mul3A_1 = arith.constant 512 : i32
    %mul3A_2 = arith.muli %add3A, %mul3A_1 : i32
    "tpu.region"() ({
      %run_scoped3A = tpu.sem_alloc : memref<!tpu.dma_semaphore, #tpu.memory_space<semaphore_mem>>
      %dma_start3A_734 = arith.constant 0 : i32
      %dma_start3A_735 = arith.constant 0 : i32
      %dma_start3A_736 = tpu.memref_slice %arg2[%add3A, %dma_start3A_734, %dma_start3A_735] : memref<32x512x100xi32, #tpu.memory_space<hbm>> -> memref<1x512x100xi32, #tpu.memory_space<hbm>>
      %dma_start3A_737 = tpu.memref_squeeze %dma_start3A_736 : memref<1x512x100xi32, #tpu.memory_space<hbm>> -> memref<512x100xi32, #tpu.memory_space<hbm>>
      %dma_start3A_738 = arith.constant 0 : i32
      %dma_start3A_739 = arith.constant 0 : i32
      %dma_start3A_740 = tpu.memref_slice %arg2[%add3A, %dma_start3A_738, %dma_start3A_739] : memref<32x512x100xi32, #tpu.memory_space<hbm>> -> memref<1x512x100xi32, #tpu.memory_space<hbm>>
      %dma_start3A_741 = tpu.memref_squeeze %dma_start3A_740 : memref<1x512x100xi32, #tpu.memory_space<hbm>> -> memref<512x100xi32, #tpu.memory_space<hbm>>
      tpu.enqueue_dma source(%dma_start3A_741 : memref<512x100xi32, #tpu.memory_space<hbm>>) target(%arg5 : memref<512x100xi32, #tpu.memory_space<vmem>>) target_semaphore(%run_scoped3A : memref<!tpu.dma_semaphore, #tpu.memory_space<semaphore_mem>>)
      %dma_wait3A = arith.constant 0 : i32
      %dma_wait3A_742 = arith.constant 0 : i32
      %dma_wait3A_743 = tpu.memref_slice %arg2[%add3A, %dma_wait3A, %dma_wait3A_742] : memref<32x512x100xi32, #tpu.memory_space<hbm>> -> memref<1x512x100xi32, #tpu.memory_space<hbm>>
      %dma_wait3A_744 = tpu.memref_squeeze %dma_wait3A_743 : memref<1x512x100xi32, #tpu.memory_space<hbm>> -> memref<512x100xi32, #tpu.memory_space<hbm>>
      %dma_wait3A_745 = arith.constant 0 : i32
      %dma_wait3A_746 = arith.constant 0 : i32
      %dma_wait3A_747 = tpu.memref_slice %arg2[%add3A, %dma_wait3A_745, %dma_wait3A_746] : memref<32x512x100xi32, #tpu.memory_space<hbm>> -> memref<1x512x100xi32, #tpu.memory_space<hbm>>
      %dma_wait3A_748 = tpu.memref_squeeze %dma_wait3A_747 : memref<1x512x100xi32, #tpu.memory_space<hbm>> -> memref<512x100xi32, #tpu.memory_space<hbm>>
      tpu.wait_dma2 semaphore(%run_scoped3A : memref<!tpu.dma_semaphore, #tpu.memory_space<semaphore_mem>>) src(%dma_wait3A_748 : memref<512x100xi32, #tpu.memory_space<hbm>>) dst(%arg5 : memref<512x100xi32, #tpu.memory_space<vmem>>)
      tpu.yield
    }) : () -> ()
    %get3A = arith.constant 0 : i32
    %get3A_3 = arith.index_cast %get3A : i32 to index
    %get3A_4 = arith.constant 0 : index
    %get3A_5 = tpu.vector_load %arg5[%get3A_3, %get3A_4] {strides = array<i32>} : memref<512x100xi32, #tpu.memory_space<vmem>>, vector<1x16xi32>,
    %get3A_6 = vector.shape_cast %get3A_5 : vector<1x16xi32> to vector<16xi32>
    %add3A_7 = arith.addi %get3A_6, %get3A_6 : vector<16xi32>
    %swap3A = arith.constant 0 : i32
    %swap3A_8 = arith.index_cast %swap3A : i32 to index
    %swap3A_9 = arith.constant 0 : index
    %swap3A_10 = tpu.vector_load %arg6[%swap3A_8, %swap3A_9] {strides = array<i32>} : memref<8x100xi32, #tpu.memory_space<vmem>>, vector<1x16xi32>,
    %swap3A_11 = vector.shape_cast %swap3A_10 : vector<1x16xi32> to vector<16xi32>
    %swap3A_12 = vector.shape_cast %add3A_7 : vector<16xi32> to vector<1x16xi32>
    tpu.vector_store %arg6[%swap3A_8, %swap3A_9], %swap3A_12 {strides = array<i32>} : memref<8x100xi32, #tpu.memory_space<vmem>>, vector<1x16xi32>,
    %get3A_13 = arith.constant 0 : i32
    %get3A_14 = arith.index_cast %get3A_13 : i32 to index
    %get3A_15 = arith.constant 16 : index
    %get3A_16 = tpu.vector_load %arg5[%get3A_14, %get3A_15] {strides = array<i32>} : memref<512x100xi32, #tpu.memory_space<vmem>>, vector<1x16xi32>,
    %get3A_17 = vector.shape_cast %get3A_16 : vector<1x16xi32> to vector<16xi32>
    %add3A_18 = arith.addi %get3A_17, %get3A_17 : vector<16xi32>
    %swap3A_19 = arith.constant 0 : i32
    %swap3A_20 = arith.index_cast %swap3A_19 : i32 to index
    %swap3A_21 = arith.constant 16 : index
    %swap3A_22 = tpu.vector_load %arg6[%swap3A_20, %swap3A_21] {strides = array<i32>} : memref<8x100xi32, #tpu.memory_space<vmem>>, vector<1x16xi32>,
    %swap3A_23 = vector.shape_cast %swap3A_22 : vector<1x16xi32> to vector<16xi32>
    %swap3A_24 = vector.shape_cast %add3A_18 : vector<16xi32> to vector<1x16xi32>
    tpu.vector_store %arg6[%swap3A_20, %swap3A_21], %swap3A_24 {strides = array<i32>} : memref<8x100xi32, #tpu.memory_space<vmem>>, vector<1x16xi32>,
    %get3A_25 = arith.constant 0 : i32
    %get3A_26 = arith.index_cast %get3A_25 : i32 to index
    %get3A_27 = arith.constant 32 : index
    %get3A_28 = tpu.vector_load %arg5[%get3A_26, %get3A_27] {strides = array<i32>} : memref<512x100xi32, #tpu.memory_space<vmem>>, vector<1x16xi32>,
    %get3A_29 = vector.shape_cast %get3A_28 : vector<1x16xi32> to vector<16xi32>
    %add3A_30 = arith.addi %get3A_29, %get3A_29 : vector<16xi32>
    %swap3A_31 = arith.constant 0 : i32
    %swap3A_32 = arith.index_cast %swap3A_31 : i32 to index
    %swap3A_33 = arith.constant 32 : index
    %swap3A_34 = tpu.vector_load %arg6[%swap3A_32, %swap3A_33] {strides = array<i32>} : memref<8x100xi32, #tpu.memory_space<vmem>>, vector<1x16xi32>,
    %swap3A_35 = vector.shape_cast %swap3A_34 : vector<1x16xi32> to vector<16xi32>
    %swap3A_36 = vector.shape_cast %add3A_30 : vector<16xi32> to vector<1x16xi32>
    tpu.vector_store %arg6[%swap3A_32, %swap3A_33], %swap3A_36 {strides = array<i32>} : memref<8x100xi32, #tpu.memory_space<vmem>>, vector<1x16xi32>,
    %get3A_37 = arith.constant 0 : i32
    %get3A_38 = arith.index_cast %get3A_37 : i32 to index
    %get3A_39 = arith.constant 48 : index
    %get3A_40 = tpu.vector_load %arg5[%get3A_38, %get3A_39] {strides = array<i32>} : memref<512x100xi32, #tpu.memory_space<vmem>>, vector<1x16xi32>,
    %get3A_41 = vector.shape_cast %get3A_40 : vector<1x16xi32> to vector<16xi32>
    %add3A_42 = arith.addi %get3A_41, %get3A_41 : vector<16xi32>
    %swap3A_43 = arith.constant 0 : i32
    %swap3A_44 = arith.index_cast %swap3A_43 : i32 to index
    %swap3A_45 = arith.constant 48 : index
    %swap3A_46 = tpu.vector_load %arg6[%swap3A_44, %swap3A_45] {strides = array<i32>} : memref<8x100xi32, #tpu.memory_space<vmem>>, vector<1x16xi32>,
    %swap3A_47 = vector.shape_cast %swap3A_46 : vector<1x16xi32> to vector<16xi32>
    %swap3A_48 = vector.shape_cast %add3A_42 : vector<16xi32> to vector<1x16xi32>
    tpu.vector_store %arg6[%swap3A_44, %swap3A_45], %swap3A_48 {strides = array<i32>} : memref<8x100xi32, #tpu.memory_space<vmem>>, vector<1x16xi32>,
    %get3A_49 = arith.constant 0 : i32
    %get3A_50 = arith.index_cast %get3A_49 : i32 to index
    %get3A_51 = arith.constant 64 : index
    %get3A_52 = tpu.vector_load %arg5[%get3A_50, %get3A_51] {strides = array<i32>} : memref<512x100xi32, #tpu.memory_space<vmem>>, vector<1x16xi32>,
    %get3A_53 = vector.shape_cast %get3A_52 : vector<1x16xi32> to vector<16xi32>
    %add3A_54 = arith.addi %get3A_53, %get3A_53 : vector<16xi32>
    %swap3A_55 = arith.constant 0 : i32
    %swap3A_56 = arith.index_cast %swap3A_55 : i32 to index
    %swap3A_57 = arith.constant 64 : index
    %swap3A_58 = tpu.vector_load %arg6[%swap3A_56, %swap3A_57] {strides = array<i32>} : memref<8x100xi32, #tpu.memory_space<vmem>>, vector<1x16xi32>,
    %swap3A_59 = vector.shape_cast %swap3A_58 : vector<1x16xi32> to vector<16xi32>
    %swap3A_60 = vector.shape_cast %add3A_54 : vector<16xi32> to vector<1x16xi32>
    tpu.vector_store %arg6[%swap3A_56, %swap3A_57], %swap3A_60 {strides = array<i32>} : memref<8x100xi32, #tpu.memory_space<vmem>>, vector<1x16xi32>,
    %get3A_61 = arith.constant 0 : i32
    %get3A_62 = arith.index_cast %get3A_61 : i32 to index
    %get3A_63 = arith.constant 80 : index
    %get3A_64 = tpu.vector_load %arg5[%get3A_62, %get3A_63] {strides = array<i32>} : memref<512x100xi32, #tpu.memory_space<vmem>>, vector<1x16xi32>,
    %get3A_65 = vector.shape_cast %get3A_64 : vector<1x16xi32> to vector<16xi32>
    %add3A_66 = arith.addi %get3A_65, %get3A_65 : vector<16xi32>
    %swap3A_67 = arith.constant 0 : i32
    %swap3A_68 = arith.index_cast %swap3A_67 : i32 to index
    %swap3A_69 = arith.constant 80 : index
    %swap3A_70 = tpu.vector_load %arg6[%swap3A_68, %swap3A_69] {strides = array<i32>} : memref<8x100xi32, #tpu.memory_space<vmem>>, vector<1x16xi32>,
    %swap3A_71 = vector.shape_cast %swap3A_70 : vector<1x16xi32> to vector<16xi32>
    %swap3A_72 = vector.shape_cast %add3A_66 : vector<16xi32> to vector<1x16xi32>
    tpu.vector_store %arg6[%swap3A_68, %swap3A_69], %swap3A_72 {strides = array<i32>} : memref<8x100xi32, #tpu.memory_space<vmem>>, vector<1x16xi32>,
    %get3A_73 = arith.constant 0 : i32
    %get3A_74 = arith.index_cast %get3A_73 : i32 to index
    %get3A_75 = arith.constant 84 : index
    %get3A_76 = tpu.vector_load %arg5[%get3A_74, %get3A_75] {strides = array<i32>} : memref<512x100xi32, #tpu.memory_space<vmem>>, vector<1x16xi32>,
    %get3A_77 = vector.shape_cast %get3A_76 : vector<1x16xi32> to vector<16xi32>
    %add3A_78 = arith.addi %get3A_77, %get3A_77 : vector<16xi32>
    %swap3A_79 = arith.constant 0 : i32
    %swap3A_80 = arith.index_cast %swap3A_79 : i32 to index
    %swap3A_81 = arith.constant 84 : index
    %swap3A_82 = tpu.vector_load %arg6[%swap3A_80, %swap3A_81] {strides = array<i32>} : memref<8x100xi32, #tpu.memory_space<vmem>>, vector<1x16xi32>,
    %swap3A_83 = vector.shape_cast %swap3A_82 : vector<1x16xi32> to vector<16xi32>
    %swap3A_84 = vector.shape_cast %add3A_78 : vector<16xi32> to vector<1x16xi32>
    tpu.vector_store %arg6[%swap3A_80, %swap3A_81], %swap3A_84 {strides = array<i32>} : memref<8x100xi32, #tpu.memory_space<vmem>>, vector<1x16xi32>,
    %dma_start3A = arith.constant 0 : i32
    %dma_start3A_85 = arith.constant 0 : i32
    %dma_start3A_86 = tpu.memref_slice %arg6[%dma_start3A, %dma_start3A_85] : memref<8x100xi32, #tpu.memory_space<vmem>> -> memref<1x100xi32, #tpu.memory_space<vmem>>
    %dma_start3A_87 = tpu.memref_squeeze %dma_start3A_86 : memref<1x100xi32, #tpu.memory_space<vmem>> -> memref<100xi32, #tpu.memory_space<vmem>>
    %dma_start3A_88 = arith.constant 0 : i32
    %dma_start3A_89 = arith.constant 0 : i32
    %dma_start3A_90 = tpu.memref_slice %arg3[%dma_start3A_88, %dma_start3A_89] : memref<1000000x64xf32, #tpu.memory_space<hbm>> -> memref<1000000x64xf32, #tpu.memory_space<hbm>>
    tpu.enqueue_indirect_dma source(%dma_start3A_90 : memref<1000000x64xf32, #tpu.memory_space<hbm>>) target(%arg7 : memref<100x64xf32, #tpu.memory_space<vmem>>) offsets(%dma_start3A_87 : memref<100xi32, #tpu.memory_space<vmem>>) semaphore(%arg15 : memref<!tpu.dma_semaphore, #tpu.memory_space<semaphore_mem>>)
    %get3A_91 = arith.constant 1 : i32
    %get3A_92 = arith.index_cast %get3A_91 : i32 to index
    %get3A_93 = arith.constant 0 : index
    %get3A_94 = tpu.vector_load %arg5[%get3A_92, %get3A_93] {strides = array<i32>} : memref<512x100xi32, #tpu.memory_space<vmem>>, vector<1x16xi32>,
    %get3A_95 = vector.shape_cast %get3A_94 : vector<1x16xi32> to vector<16xi32>
    %add3A_96 = arith.addi %get3A_95, %get3A_95 : vector<16xi32>
    %swap3A_97 = arith.constant 1 : i32
    %swap3A_98 = arith.index_cast %swap3A_97 : i32 to index
    %swap3A_99 = arith.constant 0 : index
    %swap3A_100 = tpu.vector_load %arg6[%swap3A_98, %swap3A_99] {strides = array<i32>} : memref<8x100xi32, #tpu.memory_space<vmem>>, vector<1x16xi32>,
    %swap3A_101 = vector.shape_cast %swap3A_100 : vector<1x16xi32> to vector<16xi32>
    %swap3A_102 = vector.shape_cast %add3A_96 : vector<16xi32> to vector<1x16xi32>
    tpu.vector_store %arg6[%swap3A_98, %swap3A_99], %swap3A_102 {strides = array<i32>} : memref<8x100xi32, #tpu.memory_space<vmem>>, vector<1x16xi32>,
    %get3A_103 = arith.constant 1 : i32
    %get3A_104 = arith.index_cast %get3A_103 : i32 to index
    %get3A_105 = arith.constant 16 : index
    %get3A_106 = tpu.vector_load %arg5[%get3A_104, %get3A_105] {strides = array<i32>} : memref<512x100xi32, #tpu.memory_space<vmem>>, vector<1x16xi32>,
    %get3A_107 = vector.shape_cast %get3A_106 : vector<1x16xi32> to vector<16xi32>
    %add3A_108 = arith.addi %get3A_107, %get3A_107 : vector<16xi32>
    %swap3A_109 = arith.constant 1 : i32
    %swap3A_110 = arith.index_cast %swap3A_109 : i32 to index
    %swap3A_111 = arith.constant 16 : index
    %swap3A_112 = tpu.vector_load %arg6[%swap3A_110, %swap3A_111] {strides = array<i32>} : memref<8x100xi32, #tpu.memory_space<vmem>>, vector<1x16xi32>,
    %swap3A_113 = vector.shape_cast %swap3A_112 : vector<1x16xi32> to vector<16xi32>
    %swap3A_114 = vector.shape_cast %add3A_108 : vector<16xi32> to vector<1x16xi32>
    tpu.vector_store %arg6[%swap3A_110, %swap3A_111], %swap3A_114 {strides = array<i32>} : memref<8x100xi32, #tpu.memory_space<vmem>>, vector<1x16xi32>,
    %get3A_115 = arith.constant 1 : i32
    %get3A_116 = arith.index_cast %get3A_115 : i32 to index
    %get3A_117 = arith.constant 32 : index
    %get3A_118 = tpu.vector_load %arg5[%get3A_116, %get3A_117] {strides = array<i32>} : memref<512x100xi32, #tpu.memory_space<vmem>>, vector<1x16xi32>,
    %get3A_119 = vector.shape_cast %get3A_118 : vector<1x16xi32> to vector<16xi32>
    %add3A_120 = arith.addi %get3A_119, %get3A_119 : vector<16xi32>
    %swap3A_121 = arith.constant 1 : i32
    %swap3A_122 = arith.index_cast %swap3A_121 : i32 to index
    %swap3A_123 = arith.constant 32 : index
    %swap3A_124 = tpu.vector_load %arg6[%swap3A_122, %swap3A_123] {strides = array<i32>} : memref<8x100xi32, #tpu.memory_space<vmem>>, vector<1x16xi32>,
    %swap3A_125 = vector.shape_cast %swap3A_124 : vector<1x16xi32> to vector<16xi32>
    %swap3A_126 = vector.shape_cast %add3A_120 : vector<16xi32> to vector<1x16xi32>
    tpu.vector_store %arg6[%swap3A_122, %swap3A_123], %swap3A_126 {strides = array<i32>} : memref<8x100xi32, #tpu.memory_space<vmem>>, vector<1x16xi32>,
    %get3A_127 = arith.constant 1 : i32
    %get3A_128 = arith.index_cast %get3A_127 : i32 to index
    %get3A_129 = arith.constant 48 : index
    %get3A_130 = tpu.vector_load %arg5[%get3A_128, %get3A_129] {strides = array<i32>} : memref<512x100xi32, #tpu.memory_space<vmem>>, vector<1x16xi32>,
    %get3A_131 = vector.shape_cast %get3A_130 : vector<1x16xi32> to vector<16xi32>
    %add3A_132 = arith.addi %get3A_131, %get3A_131 : vector<16xi32>
    %swap3A_133 = arith.constant 1 : i32
    %swap3A_134 = arith.index_cast %swap3A_133 : i32 to index
    %swap3A_135 = arith.constant 48 : index
    %swap3A_136 = tpu.vector_load %arg6[%swap3A_134, %swap3A_135] {strides = array<i32>} : memref<8x100xi32, #tpu.memory_space<vmem>>, vector<1x16xi32>,
    %swap3A_137 = vector.shape_cast %swap3A_136 : vector<1x16xi32> to vector<16xi32>
    %swap3A_138 = vector.shape_cast %add3A_132 : vector<16xi32> to vector<1x16xi32>
    tpu.vector_store %arg6[%swap3A_134, %swap3A_135], %swap3A_138 {strides = array<i32>} : memref<8x100xi32, #tpu.memory_space<vmem>>, vector<1x16xi32>,
    %get3A_139 = arith.constant 1 : i32
    %get3A_140 = arith.index_cast %get3A_139 : i32 to index
    %get3A_141 = arith.constant 64 : index
    %get3A_142 = tpu.vector_load %arg5[%get3A_140, %get3A_141] {strides = array<i32>} : memref<512x100xi32, #tpu.memory_space<vmem>>, vector<1x16xi32>,
    %get3A_143 = vector.shape_cast %get3A_142 : vector<1x16xi32> to vector<16xi32>
    %add3A_144 = arith.addi %get3A_143, %get3A_143 : vector<16xi32>
    %swap3A_145 = arith.constant 1 : i32
    %swap3A_146 = arith.index_cast %swap3A_145 : i32 to index
    %swap3A_147 = arith.constant 64 : index
    %swap3A_148 = tpu.vector_load %arg6[%swap3A_146, %swap3A_147] {strides = array<i32>} : memref<8x100xi32, #tpu.memory_space<vmem>>, vector<1x16xi32>,
    %swap3A_149 = vector.shape_cast %swap3A_148 : vector<1x16xi32> to vector<16xi32>
    %swap3A_150 = vector.shape_cast %add3A_144 : vector<16xi32> to vector<1x16xi32>
    tpu.vector_store %arg6[%swap3A_146, %swap3A_147], %swap3A_150 {strides = array<i32>} : memref<8x100xi32, #tpu.memory_space<vmem>>, vector<1x16xi32>,
    %get3A_151 = arith.constant 1 : i32
    %get3A_152 = arith.index_cast %get3A_151 : i32 to index
    %get3A_153 = arith.constant 80 : index
    %get3A_154 = tpu.vector_load %arg5[%get3A_152, %get3A_153] {strides = array<i32>} : memref<512x100xi32, #tpu.memory_space<vmem>>, vector<1x16xi32>,
    %get3A_155 = vector.shape_cast %get3A_154 : vector<1x16xi32> to vector<16xi32>
    %add3A_156 = arith.addi %get3A_155, %get3A_155 : vector<16xi32>
    %swap3A_157 = arith.constant 1 : i32
    %swap3A_158 = arith.index_cast %swap3A_157 : i32 to index
    %swap3A_159 = arith.constant 80 : index
    %swap3A_160 = tpu.vector_load %arg6[%swap3A_158, %swap3A_159] {strides = array<i32>} : memref<8x100xi32, #tpu.memory_space<vmem>>, vector<1x16xi32>,
    %swap3A_161 = vector.shape_cast %swap3A_160 : vector<1x16xi32> to vector<16xi32>
    %swap3A_162 = vector.shape_cast %add3A_156 : vector<16xi32> to vector<1x16xi32>
    tpu.vector_store %arg6[%swap3A_158, %swap3A_159], %swap3A_162 {strides = array<i32>} : memref<8x100xi32, #tpu.memory_space<vmem>>, vector<1x16xi32>,
    %get3A_163 = arith.constant 1 : i32
    %get3A_164 = arith.index_cast %get3A_163 : i32 to index
    %get3A_165 = arith.constant 84 : index
    %get3A_166 = tpu.vector_load %arg5[%get3A_164, %get3A_165] {strides = array<i32>} : memref<512x100xi32, #tpu.memory_space<vmem>>, vector<1x16xi32>,
    %get3A_167 = vector.shape_cast %get3A_166 : vector<1x16xi32> to vector<16xi32>
    %add3A_168 = arith.addi %get3A_167, %get3A_167 : vector<16xi32>
    %swap3A_169 = arith.constant 1 : i32
    %swap3A_170 = arith.index_cast %swap3A_169 : i32 to index
    %swap3A_171 = arith.constant 84 : index
    %swap3A_172 = tpu.vector_load %arg6[%swap3A_170, %swap3A_171] {strides = array<i32>} : memref<8x100xi32, #tpu.memory_space<vmem>>, vector<1x16xi32>,
    %swap3A_173 = vector.shape_cast %swap3A_172 : vector<1x16xi32> to vector<16xi32>
    %swap3A_174 = vector.shape_cast %add3A_168 : vector<16xi32> to vector<1x16xi32>
    tpu.vector_store %arg6[%swap3A_170, %swap3A_171], %swap3A_174 {strides = array<i32>} : memref<8x100xi32, #tpu.memory_space<vmem>>, vector<1x16xi32>,
    %dma_start3A_175 = arith.constant 1 : i32
    %dma_start3A_176 = arith.constant 0 : i32
    %dma_start3A_177 = tpu.memref_slice %arg6[%dma_start3A_175, %dma_start3A_176] : memref<8x100xi32, #tpu.memory_space<vmem>> -> memref<1x100xi32, #tpu.memory_space<vmem>>
    %dma_start3A_178 = tpu.memref_squeeze %dma_start3A_177 : memref<1x100xi32, #tpu.memory_space<vmem>> -> memref<100xi32, #tpu.memory_space<vmem>>
    %dma_start3A_179 = arith.constant 0 : i32
    %dma_start3A_180 = arith.constant 0 : i32
    %dma_start3A_181 = tpu.memref_slice %arg3[%dma_start3A_179, %dma_start3A_180] : memref<1000000x64xf32, #tpu.memory_space<hbm>> -> memref<1000000x64xf32, #tpu.memory_space<hbm>>
    tpu.enqueue_indirect_dma source(%dma_start3A_181 : memref<1000000x64xf32, #tpu.memory_space<hbm>>) target(%arg8 : memref<100x64xf32, #tpu.memory_space<vmem>>) offsets(%dma_start3A_178 : memref<100xi32, #tpu.memory_space<vmem>>) semaphore(%arg16 : memref<!tpu.dma_semaphore, #tpu.memory_space<semaphore_mem>>)
    %get3A_182 = arith.constant 2 : i32
    %get3A_183 = arith.index_cast %get3A_182 : i32 to index
    %get3A_184 = arith.constant 0 : index
    %get3A_185 = tpu.vector_load %arg5[%get3A_183, %get3A_184] {strides = array<i32>} : memref<512x100xi32, #tpu.memory_space<vmem>>, vector<1x16xi32>,
    %get3A_186 = vector.shape_cast %get3A_185 : vector<1x16xi32> to vector<16xi32>
    %add3A_187 = arith.addi %get3A_186, %get3A_186 : vector<16xi32>
    %swap3A_188 = arith.constant 2 : i32
    %swap3A_189 = arith.index_cast %swap3A_188 : i32 to index
    %swap3A_190 = arith.constant 0 : index
    %swap3A_191 = tpu.vector_load %arg6[%swap3A_189, %swap3A_190] {strides = array<i32>} : memref<8x100xi32, #tpu.memory_space<vmem>>, vector<1x16xi32>,
    %swap3A_192 = vector.shape_cast %swap3A_191 : vector<1x16xi32> to vector<16xi32>
    %swap3A_193 = vector.shape_cast %add3A_187 : vector<16xi32> to vector<1x16xi32>
    tpu.vector_store %arg6[%swap3A_189, %swap3A_190], %swap3A_193 {strides = array<i32>} : memref<8x100xi32, #tpu.memory_space<vmem>>, vector<1x16xi32>,
    %get3A_194 = arith.constant 2 : i32
    %get3A_195 = arith.index_cast %get3A_194 : i32 to index
    %get3A_196 = arith.constant 16 : index
    %get3A_197 = tpu.vector_load %arg5[%get3A_195, %get3A_196] {strides = array<i32>} : memref<512x100xi32, #tpu.memory_space<vmem>>, vector<1x16xi32>,
    %get3A_198 = vector.shape_cast %get3A_197 : vector<1x16xi32> to vector<16xi32>
    %add3A_199 = arith.addi %get3A_198, %get3A_198 : vector<16xi32>
    %swap3A_200 = arith.constant 2 : i32
    %swap3A_201 = arith.index_cast %swap3A_200 : i32 to index
    %swap3A_202 = arith.constant 16 : index
    %swap3A_203 = tpu.vector_load %arg6[%swap3A_201, %swap3A_202] {strides = array<i32>} : memref<8x100xi32, #tpu.memory_space<vmem>>, vector<1x16xi32>,
    %swap3A_204 = vector.shape_cast %swap3A_203 : vector<1x16xi32> to vector<16xi32>
    %swap3A_205 = vector.shape_cast %add3A_199 : vector<16xi32> to vector<1x16xi32>
    tpu.vector_store %arg6[%swap3A_201, %swap3A_202], %swap3A_205 {strides = array<i32>} : memref<8x100xi32, #tpu.memory_space<vmem>>, vector<1x16xi32>,
    %get3A_206 = arith.constant 2 : i32
    %get3A_207 = arith.index_cast %get3A_206 : i32 to index
    %get3A_208 = arith.constant 32 : index
    %get3A_209 = tpu.vector_load %arg5[%get3A_207, %get3A_208] {strides = array<i32>} : memref<512x100xi32, #tpu.memory_space<vmem>>, vector<1x16xi32>,
    %get3A_210 = vector.shape_cast %get3A_209 : vector<1x16xi32> to vector<16xi32>
    %add3A_211 = arith.addi %get3A_210, %get3A_210 : vector<16xi32>
    %swap3A_212 = arith.constant 2 : i32
    %swap3A_213 = arith.index_cast %swap3A_212 : i32 to index
    %swap3A_214 = arith.constant 32 : index
    %swap3A_215 = tpu.vector_load %arg6[%swap3A_213, %swap3A_214] {strides = array<i32>} : memref<8x100xi32, #tpu.memory_space<vmem>>, vector<1x16xi32>,
    %swap3A_216 = vector.shape_cast %swap3A_215 : vector<1x16xi32> to vector<16xi32>
    %swap3A_217 = vector.shape_cast %add3A_211 : vector<16xi32> to vector<1x16xi32>
    tpu.vector_store %arg6[%swap3A_213, %swap3A_214], %swap3A_217 {strides = array<i32>} : memref<8x100xi32, #tpu.memory_space<vmem>>, vector<1x16xi32>,
    %get3A_218 = arith.constant 2 : i32
    %get3A_219 = arith.index_cast %get3A_218 : i32 to index
    %get3A_220 = arith.constant 48 : index
    %get3A_221 = tpu.vector_load %arg5[%get3A_219, %get3A_220] {strides = array<i32>} : memref<512x100xi32, #tpu.memory_space<vmem>>, vector<1x16xi32>,
    %get3A_222 = vector.shape_cast %get3A_221 : vector<1x16xi32> to vector<16xi32>
    %add3A_223 = arith.addi %get3A_222, %get3A_222 : vector<16xi32>
    %swap3A_224 = arith.constant 2 : i32
    %swap3A_225 = arith.index_cast %swap3A_224 : i32 to index
    %swap3A_226 = arith.constant 48 : index
    %swap3A_227 = tpu.vector_load %arg6[%swap3A_225, %swap3A_226] {strides = array<i32>} : memref<8x100xi32, #tpu.memory_space<vmem>>, vector<1x16xi32>,
    %swap3A_228 = vector.shape_cast %swap3A_227 : vector<1x16xi32> to vector<16xi32>
    %swap3A_229 = vector.shape_cast %add3A_223 : vector<16xi32> to vector<1x16xi32>
    tpu.vector_store %arg6[%swap3A_225, %swap3A_226], %swap3A_229 {strides = array<i32>} : memref<8x100xi32, #tpu.memory_space<vmem>>, vector<1x16xi32>,
    %get3A_230 = arith.constant 2 : i32
    %get3A_231 = arith.index_cast %get3A_230 : i32 to index
    %get3A_232 = arith.constant 64 : index
    %get3A_233 = tpu.vector_load %arg5[%get3A_231, %get3A_232] {strides = array<i32>} : memref<512x100xi32, #tpu.memory_space<vmem>>, vector<1x16xi32>,
    %get3A_234 = vector.shape_cast %get3A_233 : vector<1x16xi32> to vector<16xi32>
    %add3A_235 = arith.addi %get3A_234, %get3A_234 : vector<16xi32>
    %swap3A_236 = arith.constant 2 : i32
    %swap3A_237 = arith.index_cast %swap3A_236 : i32 to index
    %swap3A_238 = arith.constant 64 : index
    %swap3A_239 = tpu.vector_load %arg6[%swap3A_237, %swap3A_238] {strides = array<i32>} : memref<8x100xi32, #tpu.memory_space<vmem>>, vector<1x16xi32>,
    %swap3A_240 = vector.shape_cast %swap3A_239 : vector<1x16xi32> to vector<16xi32>
    %swap3A_241 = vector.shape_cast %add3A_235 : vector<16xi32> to vector<1x16xi32>
    tpu.vector_store %arg6[%swap3A_237, %swap3A_238], %swap3A_241 {strides = array<i32>} : memref<8x100xi32, #tpu.memory_space<vmem>>, vector<1x16xi32>,
    %get3A_242 = arith.constant 2 : i32
    %get3A_243 = arith.index_cast %get3A_242 : i32 to index
    %get3A_244 = arith.constant 80 : index
    %get3A_245 = tpu.vector_load %arg5[%get3A_243, %get3A_244] {strides = array<i32>} : memref<512x100xi32, #tpu.memory_space<vmem>>, vector<1x16xi32>,
    %get3A_246 = vector.shape_cast %get3A_245 : vector<1x16xi32> to vector<16xi32>
    %add3A_247 = arith.addi %get3A_246, %get3A_246 : vector<16xi32>
    %swap3A_248 = arith.constant 2 : i32
    %swap3A_249 = arith.index_cast %swap3A_248 : i32 to index
    %swap3A_250 = arith.constant 80 : index
    %swap3A_251 = tpu.vector_load %arg6[%swap3A_249, %swap3A_250] {strides = array<i32>} : memref<8x100xi32, #tpu.memory_space<vmem>>, vector<1x16xi32>,
    %swap3A_252 = vector.shape_cast %swap3A_251 : vector<1x16xi32> to vector<16xi32>
    %swap3A_253 = vector.shape_cast %add3A_247 : vector<16xi32> to vector<1x16xi32>
    tpu.vector_store %arg6[%swap3A_249, %swap3A_250], %swap3A_253 {strides = array<i32>} : memref<8x100xi32, #tpu.memory_space<vmem>>, vector<1x16xi32>,
    %get3A_254 = arith.constant 2 : i32
    %get3A_255 = arith.index_cast %get3A_254 : i32 to index
    %get3A_256 = arith.constant 84 : index
    %get3A_257 = tpu.vector_load %arg5[%get3A_255, %get3A_256] {strides = array<i32>} : memref<512x100xi32, #tpu.memory_space<vmem>>, vector<1x16xi32>,
    %get3A_258 = vector.shape_cast %get3A_257 : vector<1x16xi32> to vector<16xi32>
    %add3A_259 = arith.addi %get3A_258, %get3A_258 : vector<16xi32>
    %swap3A_260 = arith.constant 2 : i32
    %swap3A_261 = arith.index_cast %swap3A_260 : i32 to index
    %swap3A_262 = arith.constant 84 : index
    %swap3A_263 = tpu.vector_load %arg6[%swap3A_261, %swap3A_262] {strides = array<i32>} : memref<8x100xi32, #tpu.memory_space<vmem>>, vector<1x16xi32>,
    %swap3A_264 = vector.shape_cast %swap3A_263 : vector<1x16xi32> to vector<16xi32>
    %swap3A_265 = vector.shape_cast %add3A_259 : vector<16xi32> to vector<1x16xi32>
    tpu.vector_store %arg6[%swap3A_261, %swap3A_262], %swap3A_265 {strides = array<i32>} : memref<8x100xi32, #tpu.memory_space<vmem>>, vector<1x16xi32>,
    %dma_start3A_266 = arith.constant 2 : i32
    %dma_start3A_267 = arith.constant 0 : i32
    %dma_start3A_268 = tpu.memref_slice %arg6[%dma_start3A_266, %dma_start3A_267] : memref<8x100xi32, #tpu.memory_space<vmem>> -> memref<1x100xi32, #tpu.memory_space<vmem>>
    %dma_start3A_269 = tpu.memref_squeeze %dma_start3A_268 : memref<1x100xi32, #tpu.memory_space<vmem>> -> memref<100xi32, #tpu.memory_space<vmem>>
    %dma_start3A_270 = arith.constant 0 : i32
    %dma_start3A_271 = arith.constant 0 : i32
    %dma_start3A_272 = tpu.memref_slice %arg3[%dma_start3A_270, %dma_start3A_271] : memref<1000000x64xf32, #tpu.memory_space<hbm>> -> memref<1000000x64xf32, #tpu.memory_space<hbm>>
    tpu.enqueue_indirect_dma source(%dma_start3A_272 : memref<1000000x64xf32, #tpu.memory_space<hbm>>) target(%arg9 : memref<100x64xf32, #tpu.memory_space<vmem>>) offsets(%dma_start3A_269 : memref<100xi32, #tpu.memory_space<vmem>>) semaphore(%arg17 : memref<!tpu.dma_semaphore, #tpu.memory_space<semaphore_mem>>)
    %get3A_273 = arith.constant 3 : i32
    %get3A_274 = arith.index_cast %get3A_273 : i32 to index
    %get3A_275 = arith.constant 0 : index
    %get3A_276 = tpu.vector_load %arg5[%get3A_274, %get3A_275] {strides = array<i32>} : memref<512x100xi32, #tpu.memory_space<vmem>>, vector<1x16xi32>,
    %get3A_277 = vector.shape_cast %get3A_276 : vector<1x16xi32> to vector<16xi32>
    %add3A_278 = arith.addi %get3A_277, %get3A_277 : vector<16xi32>
    %swap3A_279 = arith.constant 3 : i32
    %swap3A_280 = arith.index_cast %swap3A_279 : i32 to index
    %swap3A_281 = arith.constant 0 : index
    %swap3A_282 = tpu.vector_load %arg6[%swap3A_280, %swap3A_281] {strides = array<i32>} : memref<8x100xi32, #tpu.memory_space<vmem>>, vector<1x16xi32>,
    %swap3A_283 = vector.shape_cast %swap3A_282 : vector<1x16xi32> to vector<16xi32>
    %swap3A_284 = vector.shape_cast %add3A_278 : vector<16xi32> to vector<1x16xi32>
    tpu.vector_store %arg6[%swap3A_280, %swap3A_281], %swap3A_284 {strides = array<i32>} : memref<8x100xi32, #tpu.memory_space<vmem>>, vector<1x16xi32>,
    %get3A_285 = arith.constant 3 : i32
    %get3A_286 = arith.index_cast %get3A_285 : i32 to index
    %get3A_287 = arith.constant 16 : index
    %get3A_288 = tpu.vector_load %arg5[%get3A_286, %get3A_287] {strides = array<i32>} : memref<512x100xi32, #tpu.memory_space<vmem>>, vector<1x16xi32>,
    %get3A_289 = vector.shape_cast %get3A_288 : vector<1x16xi32> to vector<16xi32>
    %add3A_290 = arith.addi %get3A_289, %get3A_289 : vector<16xi32>
    %swap3A_291 = arith.constant 3 : i32
    %swap3A_292 = arith.index_cast %swap3A_291 : i32 to index
    %swap3A_293 = arith.constant 16 : index
    %swap3A_294 = tpu.vector_load %arg6[%swap3A_292, %swap3A_293] {strides = array<i32>} : memref<8x100xi32, #tpu.memory_space<vmem>>, vector<1x16xi32>,
    %swap3A_295 = vector.shape_cast %swap3A_294 : vector<1x16xi32> to vector<16xi32>
    %swap3A_296 = vector.shape_cast %add3A_290 : vector<16xi32> to vector<1x16xi32>
    tpu.vector_store %arg6[%swap3A_292, %swap3A_293], %swap3A_296 {strides = array<i32>} : memref<8x100xi32, #tpu.memory_space<vmem>>, vector<1x16xi32>,
    %get3A_297 = arith.constant 3 : i32
    %get3A_298 = arith.index_cast %get3A_297 : i32 to index
    %get3A_299 = arith.constant 32 : index
    %get3A_300 = tpu.vector_load %arg5[%get3A_298, %get3A_299] {strides = array<i32>} : memref<512x100xi32, #tpu.memory_space<vmem>>, vector<1x16xi32>,
    %get3A_301 = vector.shape_cast %get3A_300 : vector<1x16xi32> to vector<16xi32>
    %add3A_302 = arith.addi %get3A_301, %get3A_301 : vector<16xi32>
    %swap3A_303 = arith.constant 3 : i32
    %swap3A_304 = arith.index_cast %swap3A_303 : i32 to index
    %swap3A_305 = arith.constant 32 : index
    %swap3A_306 = tpu.vector_load %arg6[%swap3A_304, %swap3A_305] {strides = array<i32>} : memref<8x100xi32, #tpu.memory_space<vmem>>, vector<1x16xi32>,
    %swap3A_307 = vector.shape_cast %swap3A_306 : vector<1x16xi32> to vector<16xi32>
    %swap3A_308 = vector.shape_cast %add3A_302 : vector<16xi32> to vector<1x16xi32>
    tpu.vector_store %arg6[%swap3A_304, %swap3A_305], %swap3A_308 {strides = array<i32>} : memref<8x100xi32, #tpu.memory_space<vmem>>, vector<1x16xi32>,
    %get3A_309 = arith.constant 3 : i32
    %get3A_310 = arith.index_cast %get3A_309 : i32 to index
    %get3A_311 = arith.constant 48 : index
    %get3A_312 = tpu.vector_load %arg5[%get3A_310, %get3A_311] {strides = array<i32>} : memref<512x100xi32, #tpu.memory_space<vmem>>, vector<1x16xi32>,
    %get3A_313 = vector.shape_cast %get3A_312 : vector<1x16xi32> to vector<16xi32>
    %add3A_314 = arith.addi %get3A_313, %get3A_313 : vector<16xi32>
    %swap3A_315 = arith.constant 3 : i32
    %swap3A_316 = arith.index_cast %swap3A_315 : i32 to index
    %swap3A_317 = arith.constant 48 : index
    %swap3A_318 = tpu.vector_load %arg6[%swap3A_316, %swap3A_317] {strides = array<i32>} : memref<8x100xi32, #tpu.memory_space<vmem>>, vector<1x16xi32>,
    %swap3A_319 = vector.shape_cast %swap3A_318 : vector<1x16xi32> to vector<16xi32>
    %swap3A_320 = vector.shape_cast %add3A_314 : vector<16xi32> to vector<1x16xi32>
    tpu.vector_store %arg6[%swap3A_316, %swap3A_317], %swap3A_320 {strides = array<i32>} : memref<8x100xi32, #tpu.memory_space<vmem>>, vector<1x16xi32>,
    %get3A_321 = arith.constant 3 : i32
    %get3A_322 = arith.index_cast %get3A_321 : i32 to index
    %get3A_323 = arith.constant 64 : index
    %get3A_324 = tpu.vector_load %arg5[%get3A_322, %get3A_323] {strides = array<i32>} : memref<512x100xi32, #tpu.memory_space<vmem>>, vector<1x16xi32>,
    %get3A_325 = vector.shape_cast %get3A_324 : vector<1x16xi32> to vector<16xi32>
    %add3A_326 = arith.addi %get3A_325, %get3A_325 : vector<16xi32>
    %swap3A_327 = arith.constant 3 : i32
    %swap3A_328 = arith.index_cast %swap3A_327 : i32 to index
    %swap3A_329 = arith.constant 64 : index
    %swap3A_330 = tpu.vector_load %arg6[%swap3A_328, %swap3A_329] {strides = array<i32>} : memref<8x100xi32, #tpu.memory_space<vmem>>, vector<1x16xi32>,
    %swap3A_331 = vector.shape_cast %swap3A_330 : vector<1x16xi32> to vector<16xi32>
    %swap3A_332 = vector.shape_cast %add3A_326 : vector<16xi32> to vector<1x16xi32>
    tpu.vector_store %arg6[%swap3A_328, %swap3A_329], %swap3A_332 {strides = array<i32>} : memref<8x100xi32, #tpu.memory_space<vmem>>, vector<1x16xi32>,
    %get3A_333 = arith.constant 3 : i32
    %get3A_334 = arith.index_cast %get3A_333 : i32 to index
    %get3A_335 = arith.constant 80 : index
    %get3A_336 = tpu.vector_load %arg5[%get3A_334, %get3A_335] {strides = array<i32>} : memref<512x100xi32, #tpu.memory_space<vmem>>, vector<1x16xi32>,
    %get3A_337 = vector.shape_cast %get3A_336 : vector<1x16xi32> to vector<16xi32>
    %add3A_338 = arith.addi %get3A_337, %get3A_337 : vector<16xi32>
    %swap3A_339 = arith.constant 3 : i32
    %swap3A_340 = arith.index_cast %swap3A_339 : i32 to index
    %swap3A_341 = arith.constant 80 : index
    %swap3A_342 = tpu.vector_load %arg6[%swap3A_340, %swap3A_341] {strides = array<i32>} : memref<8x100xi32, #tpu.memory_space<vmem>>, vector<1x16xi32>,
    %swap3A_343 = vector.shape_cast %swap3A_342 : vector<1x16xi32> to vector<16xi32>
    %swap3A_344 = vector.shape_cast %add3A_338 : vector<16xi32> to vector<1x16xi32>
    tpu.vector_store %arg6[%swap3A_340, %swap3A_341], %swap3A_344 {strides = array<i32>} : memref<8x100xi32, #tpu.memory_space<vmem>>, vector<1x16xi32>,
    %get3A_345 = arith.constant 3 : i32
    %get3A_346 = arith.index_cast %get3A_345 : i32 to index
    %get3A_347 = arith.constant 84 : index
    %get3A_348 = tpu.vector_load %arg5[%get3A_346, %get3A_347] {strides = array<i32>} : memref<512x100xi32, #tpu.memory_space<vmem>>, vector<1x16xi32>,
    %get3A_349 = vector.shape_cast %get3A_348 : vector<1x16xi32> to vector<16xi32>
    %add3A_350 = arith.addi %get3A_349, %get3A_349 : vector<16xi32>
    %swap3A_351 = arith.constant 3 : i32
    %swap3A_352 = arith.index_cast %swap3A_351 : i32 to index
    %swap3A_353 = arith.constant 84 : index
    %swap3A_354 = tpu.vector_load %arg6[%swap3A_352, %swap3A_353] {strides = array<i32>} : memref<8x100xi32, #tpu.memory_space<vmem>>, vector<1x16xi32>,
    %swap3A_355 = vector.shape_cast %swap3A_354 : vector<1x16xi32> to vector<16xi32>
    %swap3A_356 = vector.shape_cast %add3A_350 : vector<16xi32> to vector<1x16xi32>
    tpu.vector_store %arg6[%swap3A_352, %swap3A_353], %swap3A_356 {strides = array<i32>} : memref<8x100xi32, #tpu.memory_space<vmem>>, vector<1x16xi32>,
    %dma_start3A_357 = arith.constant 3 : i32
    %dma_start3A_358 = arith.constant 0 : i32
    %dma_start3A_359 = tpu.memref_slice %arg6[%dma_start3A_357, %dma_start3A_358] : memref<8x100xi32, #tpu.memory_space<vmem>> -> memref<1x100xi32, #tpu.memory_space<vmem>>
    %dma_start3A_360 = tpu.memref_squeeze %dma_start3A_359 : memref<1x100xi32, #tpu.memory_space<vmem>> -> memref<100xi32, #tpu.memory_space<vmem>>
    %dma_start3A_361 = arith.constant 0 : i32
    %dma_start3A_362 = arith.constant 0 : i32
    %dma_start3A_363 = tpu.memref_slice %arg3[%dma_start3A_361, %dma_start3A_362] : memref<1000000x64xf32, #tpu.memory_space<hbm>> -> memref<1000000x64xf32, #tpu.memory_space<hbm>>
    tpu.enqueue_indirect_dma source(%dma_start3A_363 : memref<1000000x64xf32, #tpu.memory_space<hbm>>) target(%arg10 : memref<100x64xf32, #tpu.memory_space<vmem>>) offsets(%dma_start3A_360 : memref<100xi32, #tpu.memory_space<vmem>>) semaphore(%arg18 : memref<!tpu.dma_semaphore, #tpu.memory_space<semaphore_mem>>)
    %get3A_364 = arith.constant 4 : i32
    %get3A_365 = arith.index_cast %get3A_364 : i32 to index
    %get3A_366 = arith.constant 0 : index
    %get3A_367 = tpu.vector_load %arg5[%get3A_365, %get3A_366] {strides = array<i32>} : memref<512x100xi32, #tpu.memory_space<vmem>>, vector<1x16xi32>,
    %get3A_368 = vector.shape_cast %get3A_367 : vector<1x16xi32> to vector<16xi32>
    %add3A_369 = arith.addi %get3A_368, %get3A_368 : vector<16xi32>
    %swap3A_370 = arith.constant 4 : i32
    %swap3A_371 = arith.index_cast %swap3A_370 : i32 to index
    %swap3A_372 = arith.constant 0 : index
    %swap3A_373 = tpu.vector_load %arg6[%swap3A_371, %swap3A_372] {strides = array<i32>} : memref<8x100xi32, #tpu.memory_space<vmem>>, vector<1x16xi32>,
    %swap3A_374 = vector.shape_cast %swap3A_373 : vector<1x16xi32> to vector<16xi32>
    %swap3A_375 = vector.shape_cast %add3A_369 : vector<16xi32> to vector<1x16xi32>
    tpu.vector_store %arg6[%swap3A_371, %swap3A_372], %swap3A_375 {strides = array<i32>} : memref<8x100xi32, #tpu.memory_space<vmem>>, vector<1x16xi32>,
    %get3A_376 = arith.constant 4 : i32
    %get3A_377 = arith.index_cast %get3A_376 : i32 to index
    %get3A_378 = arith.constant 16 : index
    %get3A_379 = tpu.vector_load %arg5[%get3A_377, %get3A_378] {strides = array<i32>} : memref<512x100xi32, #tpu.memory_space<vmem>>, vector<1x16xi32>,
    %get3A_380 = vector.shape_cast %get3A_379 : vector<1x16xi32> to vector<16xi32>
    %add3A_381 = arith.addi %get3A_380, %get3A_380 : vector<16xi32>
    %swap3A_382 = arith.constant 4 : i32
    %swap3A_383 = arith.index_cast %swap3A_382 : i32 to index
    %swap3A_384 = arith.constant 16 : index
    %swap3A_385 = tpu.vector_load %arg6[%swap3A_383, %swap3A_384] {strides = array<i32>} : memref<8x100xi32, #tpu.memory_space<vmem>>, vector<1x16xi32>,
    %swap3A_386 = vector.shape_cast %swap3A_385 : vector<1x16xi32> to vector<16xi32>
    %swap3A_387 = vector.shape_cast %add3A_381 : vector<16xi32> to vector<1x16xi32>
    tpu.vector_store %arg6[%swap3A_383, %swap3A_384], %swap3A_387 {strides = array<i32>} : memref<8x100xi32, #tpu.memory_space<vmem>>, vector<1x16xi32>,
    %get3A_388 = arith.constant 4 : i32
    %get3A_389 = arith.index_cast %get3A_388 : i32 to index
    %get3A_390 = arith.constant 32 : index
    %get3A_391 = tpu.vector_load %arg5[%get3A_389, %get3A_390] {strides = array<i32>} : memref<512x100xi32, #tpu.memory_space<vmem>>, vector<1x16xi32>,
    %get3A_392 = vector.shape_cast %get3A_391 : vector<1x16xi32> to vector<16xi32>
    %add3A_393 = arith.addi %get3A_392, %get3A_392 : vector<16xi32>
    %swap3A_394 = arith.constant 4 : i32
    %swap3A_395 = arith.index_cast %swap3A_394 : i32 to index
    %swap3A_396 = arith.constant 32 : index
    %swap3A_397 = tpu.vector_load %arg6[%swap3A_395, %swap3A_396] {strides = array<i32>} : memref<8x100xi32, #tpu.memory_space<vmem>>, vector<1x16xi32>,
    %swap3A_398 = vector.shape_cast %swap3A_397 : vector<1x16xi32> to vector<16xi32>
    %swap3A_399 = vector.shape_cast %add3A_393 : vector<16xi32> to vector<1x16xi32>
    tpu.vector_store %arg6[%swap3A_395, %swap3A_396], %swap3A_399 {strides = array<i32>} : memref<8x100xi32, #tpu.memory_space<vmem>>, vector<1x16xi32>,
    %get3A_400 = arith.constant 4 : i32
    %get3A_401 = arith.index_cast %get3A_400 : i32 to index
    %get3A_402 = arith.constant 48 : index
    %get3A_403 = tpu.vector_load %arg5[%get3A_401, %get3A_402] {strides = array<i32>} : memref<512x100xi32, #tpu.memory_space<vmem>>, vector<1x16xi32>,
    %get3A_404 = vector.shape_cast %get3A_403 : vector<1x16xi32> to vector<16xi32>
    %add3A_405 = arith.addi %get3A_404, %get3A_404 : vector<16xi32>
    %swap3A_406 = arith.constant 4 : i32
    %swap3A_407 = arith.index_cast %swap3A_406 : i32 to index
    %swap3A_408 = arith.constant 48 : index
    %swap3A_409 = tpu.vector_load %arg6[%swap3A_407, %swap3A_408] {strides = array<i32>} : memref<8x100xi32, #tpu.memory_space<vmem>>, vector<1x16xi32>,
    %swap3A_410 = vector.shape_cast %swap3A_409 : vector<1x16xi32> to vector<16xi32>
    %swap3A_411 = vector.shape_cast %add3A_405 : vector<16xi32> to vector<1x16xi32>
    tpu.vector_store %arg6[%swap3A_407, %swap3A_408], %swap3A_411 {strides = array<i32>} : memref<8x100xi32, #tpu.memory_space<vmem>>, vector<1x16xi32>,
    %get3A_412 = arith.constant 4 : i32
    %get3A_413 = arith.index_cast %get3A_412 : i32 to index
    %get3A_414 = arith.constant 64 : index
    %get3A_415 = tpu.vector_load %arg5[%get3A_413, %get3A_414] {strides = array<i32>} : memref<512x100xi32, #tpu.memory_space<vmem>>, vector<1x16xi32>,
    %get3A_416 = vector.shape_cast %get3A_415 : vector<1x16xi32> to vector<16xi32>
    %add3A_417 = arith.addi %get3A_416, %get3A_416 : vector<16xi32>
    %swap3A_418 = arith.constant 4 : i32
    %swap3A_419 = arith.index_cast %swap3A_418 : i32 to index
    %swap3A_420 = arith.constant 64 : index
    %swap3A_421 = tpu.vector_load %arg6[%swap3A_419, %swap3A_420] {strides = array<i32>} : memref<8x100xi32, #tpu.memory_space<vmem>>, vector<1x16xi32>,
    %swap3A_422 = vector.shape_cast %swap3A_421 : vector<1x16xi32> to vector<16xi32>
    %swap3A_423 = vector.shape_cast %add3A_417 : vector<16xi32> to vector<1x16xi32>
    tpu.vector_store %arg6[%swap3A_419, %swap3A_420], %swap3A_423 {strides = array<i32>} : memref<8x100xi32, #tpu.memory_space<vmem>>, vector<1x16xi32>,
    %get3A_424 = arith.constant 4 : i32
    %get3A_425 = arith.index_cast %get3A_424 : i32 to index
    %get3A_426 = arith.constant 80 : index
    %get3A_427 = tpu.vector_load %arg5[%get3A_425, %get3A_426] {strides = array<i32>} : memref<512x100xi32, #tpu.memory_space<vmem>>, vector<1x16xi32>,
    %get3A_428 = vector.shape_cast %get3A_427 : vector<1x16xi32> to vector<16xi32>
    %add3A_429 = arith.addi %get3A_428, %get3A_428 : vector<16xi32>
    %swap3A_430 = arith.constant 4 : i32
    %swap3A_431 = arith.index_cast %swap3A_430 : i32 to index
    %swap3A_432 = arith.constant 80 : index
    %swap3A_433 = tpu.vector_load %arg6[%swap3A_431, %swap3A_432] {strides = array<i32>} : memref<8x100xi32, #tpu.memory_space<vmem>>, vector<1x16xi32>,
    %swap3A_434 = vector.shape_cast %swap3A_433 : vector<1x16xi32> to vector<16xi32>
    %swap3A_435 = vector.shape_cast %add3A_429 : vector<16xi32> to vector<1x16xi32>
    tpu.vector_store %arg6[%swap3A_431, %swap3A_432], %swap3A_435 {strides = array<i32>} : memref<8x100xi32, #tpu.memory_space<vmem>>, vector<1x16xi32>,
    %get3A_436 = arith.constant 4 : i32
    %get3A_437 = arith.index_cast %get3A_436 : i32 to index
    %get3A_438 = arith.constant 84 : index
    %get3A_439 = tpu.vector_load %arg5[%get3A_437, %get3A_438] {strides = array<i32>} : memref<512x100xi32, #tpu.memory_space<vmem>>, vector<1x16xi32>,
    %get3A_440 = vector.shape_cast %get3A_439 : vector<1x16xi32> to vector<16xi32>
    %add3A_441 = arith.addi %get3A_440, %get3A_440 : vector<16xi32>
    %swap3A_442 = arith.constant 4 : i32
    %swap3A_443 = arith.index_cast %swap3A_442 : i32 to index
    %swap3A_444 = arith.constant 84 : index
    %swap3A_445 = tpu.vector_load %arg6[%swap3A_443, %swap3A_444] {strides = array<i32>} : memref<8x100xi32, #tpu.memory_space<vmem>>, vector<1x16xi32>,
    %swap3A_446 = vector.shape_cast %swap3A_445 : vector<1x16xi32> to vector<16xi32>
    %swap3A_447 = vector.shape_cast %add3A_441 : vector<16xi32> to vector<1x16xi32>
    tpu.vector_store %arg6[%swap3A_443, %swap3A_444], %swap3A_447 {strides = array<i32>} : memref<8x100xi32, #tpu.memory_space<vmem>>, vector<1x16xi32>,
    %dma_start3A_448 = arith.constant 4 : i32
    %dma_start3A_449 = arith.constant 0 : i32
    %dma_start3A_450 = tpu.memref_slice %arg6[%dma_start3A_448, %dma_start3A_449] : memref<8x100xi32, #tpu.memory_space<vmem>> -> memref<1x100xi32, #tpu.memory_space<vmem>>
    %dma_start3A_451 = tpu.memref_squeeze %dma_start3A_450 : memref<1x100xi32, #tpu.memory_space<vmem>> -> memref<100xi32, #tpu.memory_space<vmem>>
    %dma_start3A_452 = arith.constant 0 : i32
    %dma_start3A_453 = arith.constant 0 : i32
    %dma_start3A_454 = tpu.memref_slice %arg3[%dma_start3A_452, %dma_start3A_453] : memref<1000000x64xf32, #tpu.memory_space<hbm>> -> memref<1000000x64xf32, #tpu.memory_space<hbm>>
    tpu.enqueue_indirect_dma source(%dma_start3A_454 : memref<1000000x64xf32, #tpu.memory_space<hbm>>) target(%arg11 : memref<100x64xf32, #tpu.memory_space<vmem>>) offsets(%dma_start3A_451 : memref<100xi32, #tpu.memory_space<vmem>>) semaphore(%arg19 : memref<!tpu.dma_semaphore, #tpu.memory_space<semaphore_mem>>)
    %get3A_455 = arith.constant 5 : i32
    %get3A_456 = arith.index_cast %get3A_455 : i32 to index
    %get3A_457 = arith.constant 0 : index
    %get3A_458 = tpu.vector_load %arg5[%get3A_456, %get3A_457] {strides = array<i32>} : memref<512x100xi32, #tpu.memory_space<vmem>>, vector<1x16xi32>,
    %get3A_459 = vector.shape_cast %get3A_458 : vector<1x16xi32> to vector<16xi32>
    %add3A_460 = arith.addi %get3A_459, %get3A_459 : vector<16xi32>
    %swap3A_461 = arith.constant 5 : i32
    %swap3A_462 = arith.index_cast %swap3A_461 : i32 to index
    %swap3A_463 = arith.constant 0 : index
    %swap3A_464 = tpu.vector_load %arg6[%swap3A_462, %swap3A_463] {strides = array<i32>} : memref<8x100xi32, #tpu.memory_space<vmem>>, vector<1x16xi32>,
    %swap3A_465 = vector.shape_cast %swap3A_464 : vector<1x16xi32> to vector<16xi32>
    %swap3A_466 = vector.shape_cast %add3A_460 : vector<16xi32> to vector<1x16xi32>
    tpu.vector_store %arg6[%swap3A_462, %swap3A_463], %swap3A_466 {strides = array<i32>} : memref<8x100xi32, #tpu.memory_space<vmem>>, vector<1x16xi32>,
    %get3A_467 = arith.constant 5 : i32
    %get3A_468 = arith.index_cast %get3A_467 : i32 to index
    %get3A_469 = arith.constant 16 : index
    %get3A_470 = tpu.vector_load %arg5[%get3A_468, %get3A_469] {strides = array<i32>} : memref<512x100xi32, #tpu.memory_space<vmem>>, vector<1x16xi32>,
    %get3A_471 = vector.shape_cast %get3A_470 : vector<1x16xi32> to vector<16xi32>
    %add3A_472 = arith.addi %get3A_471, %get3A_471 : vector<16xi32>
    %swap3A_473 = arith.constant 5 : i32
    %swap3A_474 = arith.index_cast %swap3A_473 : i32 to index
    %swap3A_475 = arith.constant 16 : index
    %swap3A_476 = tpu.vector_load %arg6[%swap3A_474, %swap3A_475] {strides = array<i32>} : memref<8x100xi32, #tpu.memory_space<vmem>>, vector<1x16xi32>,
    %swap3A_477 = vector.shape_cast %swap3A_476 : vector<1x16xi32> to vector<16xi32>
    %swap3A_478 = vector.shape_cast %add3A_472 : vector<16xi32> to vector<1x16xi32>
    tpu.vector_store %arg6[%swap3A_474, %swap3A_475], %swap3A_478 {strides = array<i32>} : memref<8x100xi32, #tpu.memory_space<vmem>>, vector<1x16xi32>,
    %get3A_479 = arith.constant 5 : i32
    %get3A_480 = arith.index_cast %get3A_479 : i32 to index
    %get3A_481 = arith.constant 32 : index
    %get3A_482 = tpu.vector_load %arg5[%get3A_480, %get3A_481] {strides = array<i32>} : memref<512x100xi32, #tpu.memory_space<vmem>>, vector<1x16xi32>,
    %get3A_483 = vector.shape_cast %get3A_482 : vector<1x16xi32> to vector<16xi32>
    %add3A_484 = arith.addi %get3A_483, %get3A_483 : vector<16xi32>
    %swap3A_485 = arith.constant 5 : i32
    %swap3A_486 = arith.index_cast %swap3A_485 : i32 to index
    %swap3A_487 = arith.constant 32 : index
    %swap3A_488 = tpu.vector_load %arg6[%swap3A_486, %swap3A_487] {strides = array<i32>} : memref<8x100xi32, #tpu.memory_space<vmem>>, vector<1x16xi32>,
    %swap3A_489 = vector.shape_cast %swap3A_488 : vector<1x16xi32> to vector<16xi32>
    %swap3A_490 = vector.shape_cast %add3A_484 : vector<16xi32> to vector<1x16xi32>
    tpu.vector_store %arg6[%swap3A_486, %swap3A_487], %swap3A_490 {strides = array<i32>} : memref<8x100xi32, #tpu.memory_space<vmem>>, vector<1x16xi32>,
    %get3A_491 = arith.constant 5 : i32
    %get3A_492 = arith.index_cast %get3A_491 : i32 to index
    %get3A_493 = arith.constant 48 : index
    %get3A_494 = tpu.vector_load %arg5[%get3A_492, %get3A_493] {strides = array<i32>} : memref<512x100xi32, #tpu.memory_space<vmem>>, vector<1x16xi32>,
    %get3A_495 = vector.shape_cast %get3A_494 : vector<1x16xi32> to vector<16xi32>
    %add3A_496 = arith.addi %get3A_495, %get3A_495 : vector<16xi32>
    %swap3A_497 = arith.constant 5 : i32
    %swap3A_498 = arith.index_cast %swap3A_497 : i32 to index
    %swap3A_499 = arith.constant 48 : index
    %swap3A_500 = tpu.vector_load %arg6[%swap3A_498, %swap3A_499] {strides = array<i32>} : memref<8x100xi32, #tpu.memory_space<vmem>>, vector<1x16xi32>,
    %swap3A_501 = vector.shape_cast %swap3A_500 : vector<1x16xi32> to vector<16xi32>
    %swap3A_502 = vector.shape_cast %add3A_496 : vector<16xi32> to vector<1x16xi32>
    tpu.vector_store %arg6[%swap3A_498, %swap3A_499], %swap3A_502 {strides = array<i32>} : memref<8x100xi32, #tpu.memory_space<vmem>>, vector<1x16xi32>,
    %get3A_503 = arith.constant 5 : i32
    %get3A_504 = arith.index_cast %get3A_503 : i32 to index
    %get3A_505 = arith.constant 64 : index
    %get3A_506 = tpu.vector_load %arg5[%get3A_504, %get3A_505] {strides = array<i32>} : memref<512x100xi32, #tpu.memory_space<vmem>>, vector<1x16xi32>,
    %get3A_507 = vector.shape_cast %get3A_506 : vector<1x16xi32> to vector<16xi32>
    %add3A_508 = arith.addi %get3A_507, %get3A_507 : vector<16xi32>
    %swap3A_509 = arith.constant 5 : i32
    %swap3A_510 = arith.index_cast %swap3A_509 : i32 to index
    %swap3A_511 = arith.constant 64 : index
    %swap3A_512 = tpu.vector_load %arg6[%swap3A_510, %swap3A_511] {strides = array<i32>} : memref<8x100xi32, #tpu.memory_space<vmem>>, vector<1x16xi32>,
    %swap3A_513 = vector.shape_cast %swap3A_512 : vector<1x16xi32> to vector<16xi32>
    %swap3A_514 = vector.shape_cast %add3A_508 : vector<16xi32> to vector<1x16xi32>
    tpu.vector_store %arg6[%swap3A_510, %swap3A_511], %swap3A_514 {strides = array<i32>} : memref<8x100xi32, #tpu.memory_space<vmem>>, vector<1x16xi32>,
    %get3A_515 = arith.constant 5 : i32
    %get3A_516 = arith.index_cast %get3A_515 : i32 to index
    %get3A_517 = arith.constant 80 : index
    %get3A_518 = tpu.vector_load %arg5[%get3A_516, %get3A_517] {strides = array<i32>} : memref<512x100xi32, #tpu.memory_space<vmem>>, vector<1x16xi32>,
    %get3A_519 = vector.shape_cast %get3A_518 : vector<1x16xi32> to vector<16xi32>
    %add3A_520 = arith.addi %get3A_519, %get3A_519 : vector<16xi32>
    %swap3A_521 = arith.constant 5 : i32
    %swap3A_522 = arith.index_cast %swap3A_521 : i32 to index
    %swap3A_523 = arith.constant 80 : index
    %swap3A_524 = tpu.vector_load %arg6[%swap3A_522, %swap3A_523] {strides = array<i32>} : memref<8x100xi32, #tpu.memory_space<vmem>>, vector<1x16xi32>,
    %swap3A_525 = vector.shape_cast %swap3A_524 : vector<1x16xi32> to vector<16xi32>
    %swap3A_526 = vector.shape_cast %add3A_520 : vector<16xi32> to vector<1x16xi32>
    tpu.vector_store %arg6[%swap3A_522, %swap3A_523], %swap3A_526 {strides = array<i32>} : memref<8x100xi32, #tpu.memory_space<vmem>>, vector<1x16xi32>,
    %get3A_527 = arith.constant 5 : i32
    %get3A_528 = arith.index_cast %get3A_527 : i32 to index
    %get3A_529 = arith.constant 84 : index
    %get3A_530 = tpu.vector_load %arg5[%get3A_528, %get3A_529] {strides = array<i32>} : memref<512x100xi32, #tpu.memory_space<vmem>>, vector<1x16xi32>,
    %get3A_531 = vector.shape_cast %get3A_530 : vector<1x16xi32> to vector<16xi32>
    %add3A_532 = arith.addi %get3A_531, %get3A_531 : vector<16xi32>
    %swap3A_533 = arith.constant 5 : i32
    %swap3A_534 = arith.index_cast %swap3A_533 : i32 to index
    %swap3A_535 = arith.constant 84 : index
    %swap3A_536 = tpu.vector_load %arg6[%swap3A_534, %swap3A_535] {strides = array<i32>} : memref<8x100xi32, #tpu.memory_space<vmem>>, vector<1x16xi32>,
    %swap3A_537 = vector.shape_cast %swap3A_536 : vector<1x16xi32> to vector<16xi32>
    %swap3A_538 = vector.shape_cast %add3A_532 : vector<16xi32> to vector<1x16xi32>
    tpu.vector_store %arg6[%swap3A_534, %swap3A_535], %swap3A_538 {strides = array<i32>} : memref<8x100xi32, #tpu.memory_space<vmem>>, vector<1x16xi32>,
    %dma_start3A_539 = arith.constant 5 : i32
    %dma_start3A_540 = arith.constant 0 : i32
    %dma_start3A_541 = tpu.memref_slice %arg6[%dma_start3A_539, %dma_start3A_540] : memref<8x100xi32, #tpu.memory_space<vmem>> -> memref<1x100xi32, #tpu.memory_space<vmem>>
    %dma_start3A_542 = tpu.memref_squeeze %dma_start3A_541 : memref<1x100xi32, #tpu.memory_space<vmem>> -> memref<100xi32, #tpu.memory_space<vmem>>
    %dma_start3A_543 = arith.constant 0 : i32
    %dma_start3A_544 = arith.constant 0 : i32
    %dma_start3A_545 = tpu.memref_slice %arg3[%dma_start3A_543, %dma_start3A_544] : memref<1000000x64xf32, #tpu.memory_space<hbm>> -> memref<1000000x64xf32, #tpu.memory_space<hbm>>
    tpu.enqueue_indirect_dma source(%dma_start3A_545 : memref<1000000x64xf32, #tpu.memory_space<hbm>>) target(%arg12 : memref<100x64xf32, #tpu.memory_space<vmem>>) offsets(%dma_start3A_542 : memref<100xi32, #tpu.memory_space<vmem>>) semaphore(%arg20 : memref<!tpu.dma_semaphore, #tpu.memory_space<semaphore_mem>>)
    %get3A_546 = arith.constant 6 : i32
    %get3A_547 = arith.index_cast %get3A_546 : i32 to index
    %get3A_548 = arith.constant 0 : index
    %get3A_549 = tpu.vector_load %arg5[%get3A_547, %get3A_548] {strides = array<i32>} : memref<512x100xi32, #tpu.memory_space<vmem>>, vector<1x16xi32>,
    %get3A_550 = vector.shape_cast %get3A_549 : vector<1x16xi32> to vector<16xi32>
    %add3A_551 = arith.addi %get3A_550, %get3A_550 : vector<16xi32>
    %swap3A_552 = arith.constant 6 : i32
    %swap3A_553 = arith.index_cast %swap3A_552 : i32 to index
    %swap3A_554 = arith.constant 0 : index
    %swap3A_555 = tpu.vector_load %arg6[%swap3A_553, %swap3A_554] {strides = array<i32>} : memref<8x100xi32, #tpu.memory_space<vmem>>, vector<1x16xi32>,
    %swap3A_556 = vector.shape_cast %swap3A_555 : vector<1x16xi32> to vector<16xi32>
    %swap3A_557 = vector.shape_cast %add3A_551 : vector<16xi32> to vector<1x16xi32>
    tpu.vector_store %arg6[%swap3A_553, %swap3A_554], %swap3A_557 {strides = array<i32>} : memref<8x100xi32, #tpu.memory_space<vmem>>, vector<1x16xi32>,
    %get3A_558 = arith.constant 6 : i32
    %get3A_559 = arith.index_cast %get3A_558 : i32 to index
    %get3A_560 = arith.constant 16 : index
    %get3A_561 = tpu.vector_load %arg5[%get3A_559, %get3A_560] {strides = array<i32>} : memref<512x100xi32, #tpu.memory_space<vmem>>, vector<1x16xi32>,
    %get3A_562 = vector.shape_cast %get3A_561 : vector<1x16xi32> to vector<16xi32>
    %add3A_563 = arith.addi %get3A_562, %get3A_562 : vector<16xi32>
    %swap3A_564 = arith.constant 6 : i32
    %swap3A_565 = arith.index_cast %swap3A_564 : i32 to index
    %swap3A_566 = arith.constant 16 : index
    %swap3A_567 = tpu.vector_load %arg6[%swap3A_565, %swap3A_566] {strides = array<i32>} : memref<8x100xi32, #tpu.memory_space<vmem>>, vector<1x16xi32>,
    %swap3A_568 = vector.shape_cast %swap3A_567 : vector<1x16xi32> to vector<16xi32>
    %swap3A_569 = vector.shape_cast %add3A_563 : vector<16xi32> to vector<1x16xi32>
    tpu.vector_store %arg6[%swap3A_565, %swap3A_566], %swap3A_569 {strides = array<i32>} : memref<8x100xi32, #tpu.memory_space<vmem>>, vector<1x16xi32>,
    %get3A_570 = arith.constant 6 : i32
    %get3A_571 = arith.index_cast %get3A_570 : i32 to index
    %get3A_572 = arith.constant 32 : index
    %get3A_573 = tpu.vector_load %arg5[%get3A_571, %get3A_572] {strides = array<i32>} : memref<512x100xi32, #tpu.memory_space<vmem>>, vector<1x16xi32>,
    %get3A_574 = vector.shape_cast %get3A_573 : vector<1x16xi32> to vector<16xi32>
    %add3A_575 = arith.addi %get3A_574, %get3A_574 : vector<16xi32>
    %swap3A_576 = arith.constant 6 : i32
    %swap3A_577 = arith.index_cast %swap3A_576 : i32 to index
    %swap3A_578 = arith.constant 32 : index
    %swap3A_579 = tpu.vector_load %arg6[%swap3A_577, %swap3A_578] {strides = array<i32>} : memref<8x100xi32, #tpu.memory_space<vmem>>, vector<1x16xi32>,
    %swap3A_580 = vector.shape_cast %swap3A_579 : vector<1x16xi32> to vector<16xi32>
    %swap3A_581 = vector.shape_cast %add3A_575 : vector<16xi32> to vector<1x16xi32>
    tpu.vector_store %arg6[%swap3A_577, %swap3A_578], %swap3A_581 {strides = array<i32>} : memref<8x100xi32, #tpu.memory_space<vmem>>, vector<1x16xi32>,
    %get3A_582 = arith.constant 6 : i32
    %get3A_583 = arith.index_cast %get3A_582 : i32 to index
    %get3A_584 = arith.constant 48 : index
    %get3A_585 = tpu.vector_load %arg5[%get3A_583, %get3A_584] {strides = array<i32>} : memref<512x100xi32, #tpu.memory_space<vmem>>, vector<1x16xi32>,
    %get3A_586 = vector.shape_cast %get3A_585 : vector<1x16xi32> to vector<16xi32>
    %add3A_587 = arith.addi %get3A_586, %get3A_586 : vector<16xi32>
    %swap3A_588 = arith.constant 6 : i32
    %swap3A_589 = arith.index_cast %swap3A_588 : i32 to index
    %swap3A_590 = arith.constant 48 : index
    %swap3A_591 = tpu.vector_load %arg6[%swap3A_589, %swap3A_590] {strides = array<i32>} : memref<8x100xi32, #tpu.memory_space<vmem>>, vector<1x16xi32>,
    %swap3A_592 = vector.shape_cast %swap3A_591 : vector<1x16xi32> to vector<16xi32>
    %swap3A_593 = vector.shape_cast %add3A_587 : vector<16xi32> to vector<1x16xi32>
    tpu.vector_store %arg6[%swap3A_589, %swap3A_590], %swap3A_593 {strides = array<i32>} : memref<8x100xi32, #tpu.memory_space<vmem>>, vector<1x16xi32>,
    %get3A_594 = arith.constant 6 : i32
    %get3A_595 = arith.index_cast %get3A_594 : i32 to index
    %get3A_596 = arith.constant 64 : index
    %get3A_597 = tpu.vector_load %arg5[%get3A_595, %get3A_596] {strides = array<i32>} : memref<512x100xi32, #tpu.memory_space<vmem>>, vector<1x16xi32>,
    %get3A_598 = vector.shape_cast %get3A_597 : vector<1x16xi32> to vector<16xi32>
    %add3A_599 = arith.addi %get3A_598, %get3A_598 : vector<16xi32>
    %swap3A_600 = arith.constant 6 : i32
    %swap3A_601 = arith.index_cast %swap3A_600 : i32 to index
    %swap3A_602 = arith.constant 64 : index
    %swap3A_603 = tpu.vector_load %arg6[%swap3A_601, %swap3A_602] {strides = array<i32>} : memref<8x100xi32, #tpu.memory_space<vmem>>, vector<1x16xi32>,
    %swap3A_604 = vector.shape_cast %swap3A_603 : vector<1x16xi32> to vector<16xi32>
    %swap3A_605 = vector.shape_cast %add3A_599 : vector<16xi32> to vector<1x16xi32>
    tpu.vector_store %arg6[%swap3A_601, %swap3A_602], %swap3A_605 {strides = array<i32>} : memref<8x100xi32, #tpu.memory_space<vmem>>, vector<1x16xi32>,
    %get3A_606 = arith.constant 6 : i32
    %get3A_607 = arith.index_cast %get3A_606 : i32 to index
    %get3A_608 = arith.constant 80 : index
    %get3A_609 = tpu.vector_load %arg5[%get3A_607, %get3A_608] {strides = array<i32>} : memref<512x100xi32, #tpu.memory_space<vmem>>, vector<1x16xi32>,
    %get3A_610 = vector.shape_cast %get3A_609 : vector<1x16xi32> to vector<16xi32>
    %add3A_611 = arith.addi %get3A_610, %get3A_610 : vector<16xi32>
    %swap3A_612 = arith.constant 6 : i32
    %swap3A_613 = arith.index_cast %swap3A_612 : i32 to index
    %swap3A_614 = arith.constant 80 : index
    %swap3A_615 = tpu.vector_load %arg6[%swap3A_613, %swap3A_614] {strides = array<i32>} : memref<8x100xi32, #tpu.memory_space<vmem>>, vector<1x16xi32>,
    %swap3A_616 = vector.shape_cast %swap3A_615 : vector<1x16xi32> to vector<16xi32>
    %swap3A_617 = vector.shape_cast %add3A_611 : vector<16xi32> to vector<1x16xi32>
    tpu.vector_store %arg6[%swap3A_613, %swap3A_614], %swap3A_617 {strides = array<i32>} : memref<8x100xi32, #tpu.memory_space<vmem>>, vector<1x16xi32>,
    %get3A_618 = arith.constant 6 : i32
    %get3A_619 = arith.index_cast %get3A_618 : i32 to index
    %get3A_620 = arith.constant 84 : index
    %get3A_621 = tpu.vector_load %arg5[%get3A_619, %get3A_620] {strides = array<i32>} : memref<512x100xi32, #tpu.memory_space<vmem>>, vector<1x16xi32>,
    %get3A_622 = vector.shape_cast %get3A_621 : vector<1x16xi32> to vector<16xi32>
    %add3A_623 = arith.addi %get3A_622, %get3A_622 : vector<16xi32>
    %swap3A_624 = arith.constant 6 : i32
    %swap3A_625 = arith.index_cast %swap3A_624 : i32 to index
    %swap3A_626 = arith.constant 84 : index
    %swap3A_627 = tpu.vector_load %arg6[%swap3A_625, %swap3A_626] {strides = array<i32>} : memref<8x100xi32, #tpu.memory_space<vmem>>, vector<1x16xi32>,
    %swap3A_628 = vector.shape_cast %swap3A_627 : vector<1x16xi32> to vector<16xi32>
    %swap3A_629 = vector.shape_cast %add3A_623 : vector<16xi32> to vector<1x16xi32>
    tpu.vector_store %arg6[%swap3A_625, %swap3A_626], %swap3A_629 {strides = array<i32>} : memref<8x100xi32, #tpu.memory_space<vmem>>, vector<1x16xi32>,
    %dma_start3A_630 = arith.constant 6 : i32
    %dma_start3A_631 = arith.constant 0 : i32
    %dma_start3A_632 = tpu.memref_slice %arg6[%dma_start3A_630, %dma_start3A_631] : memref<8x100xi32, #tpu.memory_space<vmem>> -> memref<1x100xi32, #tpu.memory_space<vmem>>
    %dma_start3A_633 = tpu.memref_squeeze %dma_start3A_632 : memref<1x100xi32, #tpu.memory_space<vmem>> -> memref<100xi32, #tpu.memory_space<vmem>>
    %dma_start3A_634 = arith.constant 0 : i32
    %dma_start3A_635 = arith.constant 0 : i32
    %dma_start3A_636 = tpu.memref_slice %arg3[%dma_start3A_634, %dma_start3A_635] : memref<1000000x64xf32, #tpu.memory_space<hbm>> -> memref<1000000x64xf32, #tpu.memory_space<hbm>>
    tpu.enqueue_indirect_dma source(%dma_start3A_636 : memref<1000000x64xf32, #tpu.memory_space<hbm>>) target(%arg13 : memref<100x64xf32, #tpu.memory_space<vmem>>) offsets(%dma_start3A_633 : memref<100xi32, #tpu.memory_space<vmem>>) semaphore(%arg21 : memref<!tpu.dma_semaphore, #tpu.memory_space<semaphore_mem>>)
    %get3A_637 = arith.constant 7 : i32
    %get3A_638 = arith.index_cast %get3A_637 : i32 to index
    %get3A_639 = arith.constant 0 : index
    %get3A_640 = tpu.vector_load %arg5[%get3A_638, %get3A_639] {strides = array<i32>} : memref<512x100xi32, #tpu.memory_space<vmem>>, vector<1x16xi32>,
    %get3A_641 = vector.shape_cast %get3A_640 : vector<1x16xi32> to vector<16xi32>
    %add3A_642 = arith.addi %get3A_641, %get3A_641 : vector<16xi32>
    %swap3A_643 = arith.constant 7 : i32
    %swap3A_644 = arith.index_cast %swap3A_643 : i32 to index
    %swap3A_645 = arith.constant 0 : index
    %swap3A_646 = tpu.vector_load %arg6[%swap3A_644, %swap3A_645] {strides = array<i32>} : memref<8x100xi32, #tpu.memory_space<vmem>>, vector<1x16xi32>,
    %swap3A_647 = vector.shape_cast %swap3A_646 : vector<1x16xi32> to vector<16xi32>
    %swap3A_648 = vector.shape_cast %add3A_642 : vector<16xi32> to vector<1x16xi32>
    tpu.vector_store %arg6[%swap3A_644, %swap3A_645], %swap3A_648 {strides = array<i32>} : memref<8x100xi32, #tpu.memory_space<vmem>>, vector<1x16xi32>,
    %get3A_649 = arith.constant 7 : i32
    %get3A_650 = arith.index_cast %get3A_649 : i32 to index
    %get3A_651 = arith.constant 16 : index
    %get3A_652 = tpu.vector_load %arg5[%get3A_650, %get3A_651] {strides = array<i32>} : memref<512x100xi32, #tpu.memory_space<vmem>>, vector<1x16xi32>,
    %get3A_653 = vector.shape_cast %get3A_652 : vector<1x16xi32> to vector<16xi32>
    %add3A_654 = arith.addi %get3A_653, %get3A_653 : vector<16xi32>
    %swap3A_655 = arith.constant 7 : i32
    %swap3A_656 = arith.index_cast %swap3A_655 : i32 to index
    %swap3A_657 = arith.constant 16 : index
    %swap3A_658 = tpu.vector_load %arg6[%swap3A_656, %swap3A_657] {strides = array<i32>} : memref<8x100xi32, #tpu.memory_space<vmem>>, vector<1x16xi32>,
    %swap3A_659 = vector.shape_cast %swap3A_658 : vector<1x16xi32> to vector<16xi32>
    %swap3A_660 = vector.shape_cast %add3A_654 : vector<16xi32> to vector<1x16xi32>
    tpu.vector_store %arg6[%swap3A_656, %swap3A_657], %swap3A_660 {strides = array<i32>} : memref<8x100xi32, #tpu.memory_space<vmem>>, vector<1x16xi32>,
    %get3A_661 = arith.constant 7 : i32
    %get3A_662 = arith.index_cast %get3A_661 : i32 to index
    %get3A_663 = arith.constant 32 : index
    %get3A_664 = tpu.vector_load %arg5[%get3A_662, %get3A_663] {strides = array<i32>} : memref<512x100xi32, #tpu.memory_space<vmem>>, vector<1x16xi32>,
    %get3A_665 = vector.shape_cast %get3A_664 : vector<1x16xi32> to vector<16xi32>
    %add3A_666 = arith.addi %get3A_665, %get3A_665 : vector<16xi32>
    %swap3A_667 = arith.constant 7 : i32
    %swap3A_668 = arith.index_cast %swap3A_667 : i32 to index
    %swap3A_669 = arith.constant 32 : index
    %swap3A_670 = tpu.vector_load %arg6[%swap3A_668, %swap3A_669] {strides = array<i32>} : memref<8x100xi32, #tpu.memory_space<vmem>>, vector<1x16xi32>,
    %swap3A_671 = vector.shape_cast %swap3A_670 : vector<1x16xi32> to vector<16xi32>
    %swap3A_672 = vector.shape_cast %add3A_666 : vector<16xi32> to vector<1x16xi32>
    tpu.vector_store %arg6[%swap3A_668, %swap3A_669], %swap3A_672 {strides = array<i32>} : memref<8x100xi32, #tpu.memory_space<vmem>>, vector<1x16xi32>,
    %get3A_673 = arith.constant 7 : i32
    %get3A_674 = arith.index_cast %get3A_673 : i32 to index
    %get3A_675 = arith.constant 48 : index
    %get3A_676 = tpu.vector_load %arg5[%get3A_674, %get3A_675] {strides = array<i32>} : memref<512x100xi32, #tpu.memory_space<vmem>>, vector<1x16xi32>,
    %get3A_677 = vector.shape_cast %get3A_676 : vector<1x16xi32> to vector<16xi32>
    %add3A_678 = arith.addi %get3A_677, %get3A_677 : vector<16xi32>
    %swap3A_679 = arith.constant 7 : i32
    %swap3A_680 = arith.index_cast %swap3A_679 : i32 to index
    %swap3A_681 = arith.constant 48 : index
    %swap3A_682 = tpu.vector_load %arg6[%swap3A_680, %swap3A_681] {strides = array<i32>} : memref<8x100xi32, #tpu.memory_space<vmem>>, vector<1x16xi32>,
    %swap3A_683 = vector.shape_cast %swap3A_682 : vector<1x16xi32> to vector<16xi32>
    %swap3A_684 = vector.shape_cast %add3A_678 : vector<16xi32> to vector<1x16xi32>
    tpu.vector_store %arg6[%swap3A_680, %swap3A_681], %swap3A_684 {strides = array<i32>} : memref<8x100xi32, #tpu.memory_space<vmem>>, vector<1x16xi32>,
    %get3A_685 = arith.constant 7 : i32
    %get3A_686 = arith.index_cast %get3A_685 : i32 to index
    %get3A_687 = arith.constant 64 : index
    %get3A_688 = tpu.vector_load %arg5[%get3A_686, %get3A_687] {strides = array<i32>} : memref<512x100xi32, #tpu.memory_space<vmem>>, vector<1x16xi32>,
    %get3A_689 = vector.shape_cast %get3A_688 : vector<1x16xi32> to vector<16xi32>
    %add3A_690 = arith.addi %get3A_689, %get3A_689 : vector<16xi32>
    %swap3A_691 = arith.constant 7 : i32
    %swap3A_692 = arith.index_cast %swap3A_691 : i32 to index
    %swap3A_693 = arith.constant 64 : index
    %swap3A_694 = tpu.vector_load %arg6[%swap3A_692, %swap3A_693] {strides = array<i32>} : memref<8x100xi32, #tpu.memory_space<vmem>>, vector<1x16xi32>,
    %swap3A_695 = vector.shape_cast %swap3A_694 : vector<1x16xi32> to vector<16xi32>
    %swap3A_696 = vector.shape_cast %add3A_690 : vector<16xi32> to vector<1x16xi32>
    tpu.vector_store %arg6[%swap3A_692, %swap3A_693], %swap3A_696 {strides = array<i32>} : memref<8x100xi32, #tpu.memory_space<vmem>>, vector<1x16xi32>,
    %get3A_697 = arith.constant 7 : i32
    %get3A_698 = arith.index_cast %get3A_697 : i32 to index
    %get3A_699 = arith.constant 80 : index
    %get3A_700 = tpu.vector_load %arg5[%get3A_698, %get3A_699] {strides = array<i32>} : memref<512x100xi32, #tpu.memory_space<vmem>>, vector<1x16xi32>,
    %get3A_701 = vector.shape_cast %get3A_700 : vector<1x16xi32> to vector<16xi32>
    %add3A_702 = arith.addi %get3A_701, %get3A_701 : vector<16xi32>
    %swap3A_703 = arith.constant 7 : i32
    %swap3A_704 = arith.index_cast %swap3A_703 : i32 to index
    %swap3A_705 = arith.constant 80 : index
    %swap3A_706 = tpu.vector_load %arg6[%swap3A_704, %swap3A_705] {strides = array<i32>} : memref<8x100xi32, #tpu.memory_space<vmem>>, vector<1x16xi32>,
    %swap3A_707 = vector.shape_cast %swap3A_706 : vector<1x16xi32> to vector<16xi32>
    %swap3A_708 = vector.shape_cast %add3A_702 : vector<16xi32> to vector<1x16xi32>
    tpu.vector_store %arg6[%swap3A_704, %swap3A_705], %swap3A_708 {strides = array<i32>} : memref<8x100xi32, #tpu.memory_space<vmem>>, vector<1x16xi32>,
    %get3A_709 = arith.constant 7 : i32
    %get3A_710 = arith.index_cast %get3A_709 : i32 to index
    %get3A_711 = arith.constant 84 : index
    %get3A_712 = tpu.vector_load %arg5[%get3A_710, %get3A_711] {strides = array<i32>} : memref<512x100xi32, #tpu.memory_space<vmem>>, vector<1x16xi32>,
    %get3A_713 = vector.shape_cast %get3A_712 : vector<1x16xi32> to vector<16xi32>
    %add3A_714 = arith.addi %get3A_713, %get3A_713 : vector<16xi32>
    %swap3A_715 = arith.constant 7 : i32
    %swap3A_716 = arith.index_cast %swap3A_715 : i32 to index
    %swap3A_717 = arith.constant 84 : index
    %swap3A_718 = tpu.vector_load %arg6[%swap3A_716, %swap3A_717] {strides = array<i32>} : memref<8x100xi32, #tpu.memory_space<vmem>>, vector<1x16xi32>,
    %swap3A_719 = vector.shape_cast %swap3A_718 : vector<1x16xi32> to vector<16xi32>
    %swap3A_720 = vector.shape_cast %add3A_714 : vector<16xi32> to vector<1x16xi32>
    tpu.vector_store %arg6[%swap3A_716, %swap3A_717], %swap3A_720 {strides = array<i32>} : memref<8x100xi32, #tpu.memory_space<vmem>>, vector<1x16xi32>,
    %dma_start3A_721 = arith.constant 7 : i32
    %dma_start3A_722 = arith.constant 0 : i32
    %dma_start3A_723 = tpu.memref_slice %arg6[%dma_start3A_721, %dma_start3A_722] : memref<8x100xi32, #tpu.memory_space<vmem>> -> memref<1x100xi32, #tpu.memory_space<vmem>>
    %dma_start3A_724 = tpu.memref_squeeze %dma_start3A_723 : memref<1x100xi32, #tpu.memory_space<vmem>> -> memref<100xi32, #tpu.memory_space<vmem>>
    %dma_start3A_725 = arith.constant 0 : i32
    %dma_start3A_726 = arith.constant 0 : i32
    %dma_start3A_727 = tpu.memref_slice %arg3[%dma_start3A_725, %dma_start3A_726] : memref<1000000x64xf32, #tpu.memory_space<hbm>> -> memref<1000000x64xf32, #tpu.memory_space<hbm>>
    tpu.enqueue_indirect_dma source(%dma_start3A_727 : memref<1000000x64xf32, #tpu.memory_space<hbm>>) target(%arg14 : memref<100x64xf32, #tpu.memory_space<vmem>>) offsets(%dma_start3A_724 : memref<100xi32, #tpu.memory_space<vmem>>) semaphore(%arg22 : memref<!tpu.dma_semaphore, #tpu.memory_space<semaphore_mem>>)
    %scan3A = arith.constant 0 : i32
    %scan3A_728 = arith.constant 0 : i32
    %scan3A_729 = arith.constant 64 : i32
    %scan3A_730 = arith.addi %scan3A_728, %scan3A_729 : i32
    %scan3A_731 = arith.constant 1 : i32
    %scan3A_732 = scf.for %scan3A_734 = %scan3A_728 to %scan3A_730 step %scan3A_731 iter_args(%scan3A_735 = %scan3A) -> (i32)  : i32 {
      %mul3A_736 = arith.constant 8 : i32
      %mul3A_737 = arith.muli %scan3A_734, %mul3A_736 : i32
      %add3A_738 = arith.constant 0 : i32
      %add3A_739 = arith.addi %mul3A_737, %add3A_738 : i32
      %dma_wait3A = arith.constant 0 : i32
      %dma_wait3A_740 = arith.constant 0 : i32
      %dma_wait3A_741 = tpu.memref_slice %arg6[%dma_wait3A, %dma_wait3A_740] : memref<8x100xi32, #tpu.memory_space<vmem>> -> memref<1x100xi32, #tpu.memory_space<vmem>>
      %dma_wait3A_742 = tpu.memref_squeeze %dma_wait3A_741 : memref<1x100xi32, #tpu.memory_space<vmem>> -> memref<100xi32, #tpu.memory_space<vmem>>
      %dma_wait3A_743 = arith.constant 0 : i32
      %dma_wait3A_744 = arith.constant 0 : i32
      %dma_wait3A_745 = tpu.memref_slice %arg3[%dma_wait3A_743, %dma_wait3A_744] : memref<1000000x64xf32, #tpu.memory_space<hbm>> -> memref<1000000x64xf32, #tpu.memory_space<hbm>>
      tpu.wait_indirect_dma semaphore(%arg15 : memref<!tpu.dma_semaphore, #tpu.memory_space<semaphore_mem>>) src(%dma_wait3A_745 : memref<1000000x64xf32, #tpu.memory_space<hbm>>) dst(%arg7 : memref<100x64xf32, #tpu.memory_space<vmem>>)
      %add3A_746 = arith.addi %mul3A_2, %add3A_739 : i32
      %dma_start3A_747 = arith.constant 0 : i32
      %dma_start3A_748 = arith.constant 0 : i32
      %dma_start3A_749 = tpu.memref_slice %arg4[%add3A_746, %dma_start3A_747, %dma_start3A_748] : memref<16384x100x64xf32, #tpu.memory_space<hbm>> -> memref<1x100x64xf32, #tpu.memory_space<hbm>>
      %dma_start3A_750 = tpu.memref_squeeze %dma_start3A_749 : memref<1x100x64xf32, #tpu.memory_space<hbm>> -> memref<100x64xf32, #tpu.memory_space<hbm>>
      %dma_start3A_751 = arith.constant 0 : i32
      %dma_start3A_752 = arith.constant 0 : i32
      %dma_start3A_753 = tpu.memref_slice %arg4[%add3A_746, %dma_start3A_751, %dma_start3A_752] : memref<16384x100x64xf32, #tpu.memory_space<hbm>> -> memref<1x100x64xf32, #tpu.memory_space<hbm>>
      %dma_start3A_754 = tpu.memref_squeeze %dma_start3A_753 : memref<1x100x64xf32, #tpu.memory_space<hbm>> -> memref<100x64xf32, #tpu.memory_space<hbm>>
      tpu.enqueue_dma source(%arg7 : memref<100x64xf32, #tpu.memory_space<vmem>>) target(%dma_start3A_754 : memref<100x64xf32, #tpu.memory_space<hbm>>) target_semaphore(%arg23 : memref<!tpu.dma_semaphore, #tpu.memory_space<semaphore_mem>>)
      %add3A_755 = arith.constant 1 : i32
      %add3A_756 = arith.addi %mul3A_737, %add3A_755 : i32
      %dma_wait3A_757 = arith.constant 1 : i32
      %dma_wait3A_758 = arith.constant 0 : i32
      %dma_wait3A_759 = tpu.memref_slice %arg6[%dma_wait3A_757, %dma_wait3A_758] : memref<8x100xi32, #tpu.memory_space<vmem>> -> memref<1x100xi32, #tpu.memory_space<vmem>>
      %dma_wait3A_760 = tpu.memref_squeeze %dma_wait3A_759 : memref<1x100xi32, #tpu.memory_space<vmem>> -> memref<100xi32, #tpu.memory_space<vmem>>
      %dma_wait3A_761 = arith.constant 0 : i32
      %dma_wait3A_762 = arith.constant 0 : i32
      %dma_wait3A_763 = tpu.memref_slice %arg3[%dma_wait3A_761, %dma_wait3A_762] : memref<1000000x64xf32, #tpu.memory_space<hbm>> -> memref<1000000x64xf32, #tpu.memory_space<hbm>>
      tpu.wait_indirect_dma semaphore(%arg16 : memref<!tpu.dma_semaphore, #tpu.memory_space<semaphore_mem>>) src(%dma_wait3A_763 : memref<1000000x64xf32, #tpu.memory_space<hbm>>) dst(%arg8 : memref<100x64xf32, #tpu.memory_space<vmem>>)
      %add3A_764 = arith.addi %mul3A_2, %add3A_756 : i32
      %dma_start3A_765 = arith.constant 0 : i32
      %dma_start3A_766 = arith.constant 0 : i32
      %dma_start3A_767 = tpu.memref_slice %arg4[%add3A_764, %dma_start3A_765, %dma_start3A_766] : memref<16384x100x64xf32, #tpu.memory_space<hbm>> -> memref<1x100x64xf32, #tpu.memory_space<hbm>>
      %dma_start3A_768 = tpu.memref_squeeze %dma_start3A_767 : memref<1x100x64xf32, #tpu.memory_space<hbm>> -> memref<100x64xf32, #tpu.memory_space<hbm>>
      %dma_start3A_769 = arith.constant 0 : i32
      %dma_start3A_770 = arith.constant 0 : i32
      %dma_start3A_771 = tpu.memref_slice %arg4[%add3A_764, %dma_start3A_769, %dma_start3A_770] : memref<16384x100x64xf32, #tpu.memory_space<hbm>> -> memref<1x100x64xf32, #tpu.memory_space<hbm>>
      %dma_start3A_772 = tpu.memref_squeeze %dma_start3A_771 : memref<1x100x64xf32, #tpu.memory_space<hbm>> -> memref<100x64xf32, #tpu.memory_space<hbm>>
      tpu.enqueue_dma source(%arg8 : memref<100x64xf32, #tpu.memory_space<vmem>>) target(%dma_start3A_772 : memref<100x64xf32, #tpu.memory_space<hbm>>) target_semaphore(%arg24 : memref<!tpu.dma_semaphore, #tpu.memory_space<semaphore_mem>>)
      %add3A_773 = arith.constant 2 : i32
      %add3A_774 = arith.addi %mul3A_737, %add3A_773 : i32
      %dma_wait3A_775 = arith.constant 2 : i32
      %dma_wait3A_776 = arith.constant 0 : i32
      %dma_wait3A_777 = tpu.memref_slice %arg6[%dma_wait3A_775, %dma_wait3A_776] : memref<8x100xi32, #tpu.memory_space<vmem>> -> memref<1x100xi32, #tpu.memory_space<vmem>>
      %dma_wait3A_778 = tpu.memref_squeeze %dma_wait3A_777 : memref<1x100xi32, #tpu.memory_space<vmem>> -> memref<100xi32, #tpu.memory_space<vmem>>
      %dma_wait3A_779 = arith.constant 0 : i32
      %dma_wait3A_780 = arith.constant 0 : i32
      %dma_wait3A_781 = tpu.memref_slice %arg3[%dma_wait3A_779, %dma_wait3A_780] : memref<1000000x64xf32, #tpu.memory_space<hbm>> -> memref<1000000x64xf32, #tpu.memory_space<hbm>>
      tpu.wait_indirect_dma semaphore(%arg17 : memref<!tpu.dma_semaphore, #tpu.memory_space<semaphore_mem>>) src(%dma_wait3A_781 : memref<1000000x64xf32, #tpu.memory_space<hbm>>) dst(%arg9 : memref<100x64xf32, #tpu.memory_space<vmem>>)
      %add3A_782 = arith.addi %mul3A_2, %add3A_774 : i32
      %dma_start3A_783 = arith.constant 0 : i32
      %dma_start3A_784 = arith.constant 0 : i32
      %dma_start3A_785 = tpu.memref_slice %arg4[%add3A_782, %dma_start3A_783, %dma_start3A_784] : memref<16384x100x64xf32, #tpu.memory_space<hbm>> -> memref<1x100x64xf32, #tpu.memory_space<hbm>>
      %dma_start3A_786 = tpu.memref_squeeze %dma_start3A_785 : memref<1x100x64xf32, #tpu.memory_space<hbm>> -> memref<100x64xf32, #tpu.memory_space<hbm>>
      %dma_start3A_787 = arith.constant 0 : i32
      %dma_start3A_788 = arith.constant 0 : i32
      %dma_start3A_789 = tpu.memref_slice %arg4[%add3A_782, %dma_start3A_787, %dma_start3A_788] : memref<16384x100x64xf32, #tpu.memory_space<hbm>> -> memref<1x100x64xf32, #tpu.memory_space<hbm>>
      %dma_start3A_790 = tpu.memref_squeeze %dma_start3A_789 : memref<1x100x64xf32, #tpu.memory_space<hbm>> -> memref<100x64xf32, #tpu.memory_space<hbm>>
      tpu.enqueue_dma source(%arg9 : memref<100x64xf32, #tpu.memory_space<vmem>>) target(%dma_start3A_790 : memref<100x64xf32, #tpu.memory_space<hbm>>) target_semaphore(%arg25 : memref<!tpu.dma_semaphore, #tpu.memory_space<semaphore_mem>>)
      %add3A_791 = arith.constant 3 : i32
      %add3A_792 = arith.addi %mul3A_737, %add3A_791 : i32
      %dma_wait3A_793 = arith.constant 3 : i32
      %dma_wait3A_794 = arith.constant 0 : i32
      %dma_wait3A_795 = tpu.memref_slice %arg6[%dma_wait3A_793, %dma_wait3A_794] : memref<8x100xi32, #tpu.memory_space<vmem>> -> memref<1x100xi32, #tpu.memory_space<vmem>>
      %dma_wait3A_796 = tpu.memref_squeeze %dma_wait3A_795 : memref<1x100xi32, #tpu.memory_space<vmem>> -> memref<100xi32, #tpu.memory_space<vmem>>
      %dma_wait3A_797 = arith.constant 0 : i32
      %dma_wait3A_798 = arith.constant 0 : i32
      %dma_wait3A_799 = tpu.memref_slice %arg3[%dma_wait3A_797, %dma_wait3A_798] : memref<1000000x64xf32, #tpu.memory_space<hbm>> -> memref<1000000x64xf32, #tpu.memory_space<hbm>>
      tpu.wait_indirect_dma semaphore(%arg18 : memref<!tpu.dma_semaphore, #tpu.memory_space<semaphore_mem>>) src(%dma_wait3A_799 : memref<1000000x64xf32, #tpu.memory_space<hbm>>) dst(%arg10 : memref<100x64xf32, #tpu.memory_space<vmem>>)
      %add3A_800 = arith.addi %mul3A_2, %add3A_792 : i32
      %dma_start3A_801 = arith.constant 0 : i32
      %dma_start3A_802 = arith.constant 0 : i32
      %dma_start3A_803 = tpu.memref_slice %arg4[%add3A_800, %dma_start3A_801, %dma_start3A_802] : memref<16384x100x64xf32, #tpu.memory_space<hbm>> -> memref<1x100x64xf32, #tpu.memory_space<hbm>>
      %dma_start3A_804 = tpu.memref_squeeze %dma_start3A_803 : memref<1x100x64xf32, #tpu.memory_space<hbm>> -> memref<100x64xf32, #tpu.memory_space<hbm>>
      %dma_start3A_805 = arith.constant 0 : i32
      %dma_start3A_806 = arith.constant 0 : i32
      %dma_start3A_807 = tpu.memref_slice %arg4[%add3A_800, %dma_start3A_805, %dma_start3A_806] : memref<16384x100x64xf32, #tpu.memory_space<hbm>> -> memref<1x100x64xf32, #tpu.memory_space<hbm>>
      %dma_start3A_808 = tpu.memref_squeeze %dma_start3A_807 : memref<1x100x64xf32, #tpu.memory_space<hbm>> -> memref<100x64xf32, #tpu.memory_space<hbm>>
      tpu.enqueue_dma source(%arg10 : memref<100x64xf32, #tpu.memory_space<vmem>>) target(%dma_start3A_808 : memref<100x64xf32, #tpu.memory_space<hbm>>) target_semaphore(%arg26 : memref<!tpu.dma_semaphore, #tpu.memory_space<semaphore_mem>>)
      %add3A_809 = arith.constant 4 : i32
      %add3A_810 = arith.addi %mul3A_737, %add3A_809 : i32
      %dma_wait3A_811 = arith.constant 4 : i32
      %dma_wait3A_812 = arith.constant 0 : i32
      %dma_wait3A_813 = tpu.memref_slice %arg6[%dma_wait3A_811, %dma_wait3A_812] : memref<8x100xi32, #tpu.memory_space<vmem>> -> memref<1x100xi32, #tpu.memory_space<vmem>>
      %dma_wait3A_814 = tpu.memref_squeeze %dma_wait3A_813 : memref<1x100xi32, #tpu.memory_space<vmem>> -> memref<100xi32, #tpu.memory_space<vmem>>
      %dma_wait3A_815 = arith.constant 0 : i32
      %dma_wait3A_816 = arith.constant 0 : i32
      %dma_wait3A_817 = tpu.memref_slice %arg3[%dma_wait3A_815, %dma_wait3A_816] : memref<1000000x64xf32, #tpu.memory_space<hbm>> -> memref<1000000x64xf32, #tpu.memory_space<hbm>>
      tpu.wait_indirect_dma semaphore(%arg19 : memref<!tpu.dma_semaphore, #tpu.memory_space<semaphore_mem>>) src(%dma_wait3A_817 : memref<1000000x64xf32, #tpu.memory_space<hbm>>) dst(%arg11 : memref<100x64xf32, #tpu.memory_space<vmem>>)
      %add3A_818 = arith.addi %mul3A_2, %add3A_810 : i32
      %dma_start3A_819 = arith.constant 0 : i32
      %dma_start3A_820 = arith.constant 0 : i32
      %dma_start3A_821 = tpu.memref_slice %arg4[%add3A_818, %dma_start3A_819, %dma_start3A_820] : memref<16384x100x64xf32, #tpu.memory_space<hbm>> -> memref<1x100x64xf32, #tpu.memory_space<hbm>>
      %dma_start3A_822 = tpu.memref_squeeze %dma_start3A_821 : memref<1x100x64xf32, #tpu.memory_space<hbm>> -> memref<100x64xf32, #tpu.memory_space<hbm>>
      %dma_start3A_823 = arith.constant 0 : i32
      %dma_start3A_824 = arith.constant 0 : i32
      %dma_start3A_825 = tpu.memref_slice %arg4[%add3A_818, %dma_start3A_823, %dma_start3A_824] : memref<16384x100x64xf32, #tpu.memory_space<hbm>> -> memref<1x100x64xf32, #tpu.memory_space<hbm>>
      %dma_start3A_826 = tpu.memref_squeeze %dma_start3A_825 : memref<1x100x64xf32, #tpu.memory_space<hbm>> -> memref<100x64xf32, #tpu.memory_space<hbm>>
      tpu.enqueue_dma source(%arg11 : memref<100x64xf32, #tpu.memory_space<vmem>>) target(%dma_start3A_826 : memref<100x64xf32, #tpu.memory_space<hbm>>) target_semaphore(%arg27 : memref<!tpu.dma_semaphore, #tpu.memory_space<semaphore_mem>>)
      %add3A_827 = arith.constant 5 : i32
      %add3A_828 = arith.addi %mul3A_737, %add3A_827 : i32
      %dma_wait3A_829 = arith.constant 5 : i32
      %dma_wait3A_830 = arith.constant 0 : i32
      %dma_wait3A_831 = tpu.memref_slice %arg6[%dma_wait3A_829, %dma_wait3A_830] : memref<8x100xi32, #tpu.memory_space<vmem>> -> memref<1x100xi32, #tpu.memory_space<vmem>>
      %dma_wait3A_832 = tpu.memref_squeeze %dma_wait3A_831 : memref<1x100xi32, #tpu.memory_space<vmem>> -> memref<100xi32, #tpu.memory_space<vmem>>
      %dma_wait3A_833 = arith.constant 0 : i32
      %dma_wait3A_834 = arith.constant 0 : i32
      %dma_wait3A_835 = tpu.memref_slice %arg3[%dma_wait3A_833, %dma_wait3A_834] : memref<1000000x64xf32, #tpu.memory_space<hbm>> -> memref<1000000x64xf32, #tpu.memory_space<hbm>>
      tpu.wait_indirect_dma semaphore(%arg20 : memref<!tpu.dma_semaphore, #tpu.memory_space<semaphore_mem>>) src(%dma_wait3A_835 : memref<1000000x64xf32, #tpu.memory_space<hbm>>) dst(%arg12 : memref<100x64xf32, #tpu.memory_space<vmem>>)
      %add3A_836 = arith.addi %mul3A_2, %add3A_828 : i32
      %dma_start3A_837 = arith.constant 0 : i32
      %dma_start3A_838 = arith.constant 0 : i32
      %dma_start3A_839 = tpu.memref_slice %arg4[%add3A_836, %dma_start3A_837, %dma_start3A_838] : memref<16384x100x64xf32, #tpu.memory_space<hbm>> -> memref<1x100x64xf32, #tpu.memory_space<hbm>>
      %dma_start3A_840 = tpu.memref_squeeze %dma_start3A_839 : memref<1x100x64xf32, #tpu.memory_space<hbm>> -> memref<100x64xf32, #tpu.memory_space<hbm>>
      %dma_start3A_841 = arith.constant 0 : i32
      %dma_start3A_842 = arith.constant 0 : i32
      %dma_start3A_843 = tpu.memref_slice %arg4[%add3A_836, %dma_start3A_841, %dma_start3A_842] : memref<16384x100x64xf32, #tpu.memory_space<hbm>> -> memref<1x100x64xf32, #tpu.memory_space<hbm>>
      %dma_start3A_844 = tpu.memref_squeeze %dma_start3A_843 : memref<1x100x64xf32, #tpu.memory_space<hbm>> -> memref<100x64xf32, #tpu.memory_space<hbm>>
      tpu.enqueue_dma source(%arg12 : memref<100x64xf32, #tpu.memory_space<vmem>>) target(%dma_start3A_844 : memref<100x64xf32, #tpu.memory_space<hbm>>) target_semaphore(%arg28 : memref<!tpu.dma_semaphore, #tpu.memory_space<semaphore_mem>>)
      %add3A_845 = arith.constant 6 : i32
      %add3A_846 = arith.addi %mul3A_737, %add3A_845 : i32
      %dma_wait3A_847 = arith.constant 6 : i32
      %dma_wait3A_848 = arith.constant 0 : i32
      %dma_wait3A_849 = tpu.memref_slice %arg6[%dma_wait3A_847, %dma_wait3A_848] : memref<8x100xi32, #tpu.memory_space<vmem>> -> memref<1x100xi32, #tpu.memory_space<vmem>>
      %dma_wait3A_850 = tpu.memref_squeeze %dma_wait3A_849 : memref<1x100xi32, #tpu.memory_space<vmem>> -> memref<100xi32, #tpu.memory_space<vmem>>
      %dma_wait3A_851 = arith.constant 0 : i32
      %dma_wait3A_852 = arith.constant 0 : i32
      %dma_wait3A_853 = tpu.memref_slice %arg3[%dma_wait3A_851, %dma_wait3A_852] : memref<1000000x64xf32, #tpu.memory_space<hbm>> -> memref<1000000x64xf32, #tpu.memory_space<hbm>>
      tpu.wait_indirect_dma semaphore(%arg21 : memref<!tpu.dma_semaphore, #tpu.memory_space<semaphore_mem>>) src(%dma_wait3A_853 : memref<1000000x64xf32, #tpu.memory_space<hbm>>) dst(%arg13 : memref<100x64xf32, #tpu.memory_space<vmem>>)
      %add3A_854 = arith.addi %mul3A_2, %add3A_846 : i32
      %dma_start3A_855 = arith.constant 0 : i32
      %dma_start3A_856 = arith.constant 0 : i32
      %dma_start3A_857 = tpu.memref_slice %arg4[%add3A_854, %dma_start3A_855, %dma_start3A_856] : memref<16384x100x64xf32, #tpu.memory_space<hbm>> -> memref<1x100x64xf32, #tpu.memory_space<hbm>>
      %dma_start3A_858 = tpu.memref_squeeze %dma_start3A_857 : memref<1x100x64xf32, #tpu.memory_space<hbm>> -> memref<100x64xf32, #tpu.memory_space<hbm>>
      %dma_start3A_859 = arith.constant 0 : i32
      %dma_start3A_860 = arith.constant 0 : i32
      %dma_start3A_861 = tpu.memref_slice %arg4[%add3A_854, %dma_start3A_859, %dma_start3A_860] : memref<16384x100x64xf32, #tpu.memory_space<hbm>> -> memref<1x100x64xf32, #tpu.memory_space<hbm>>
      %dma_start3A_862 = tpu.memref_squeeze %dma_start3A_861 : memref<1x100x64xf32, #tpu.memory_space<hbm>> -> memref<100x64xf32, #tpu.memory_space<hbm>>
      tpu.enqueue_dma source(%arg13 : memref<100x64xf32, #tpu.memory_space<vmem>>) target(%dma_start3A_862 : memref<100x64xf32, #tpu.memory_space<hbm>>) target_semaphore(%arg29 : memref<!tpu.dma_semaphore, #tpu.memory_space<semaphore_mem>>)
      %add3A_863 = arith.constant 7 : i32
      %add3A_864 = arith.addi %mul3A_737, %add3A_863 : i32
      %dma_wait3A_865 = arith.constant 7 : i32
      %dma_wait3A_866 = arith.constant 0 : i32
      %dma_wait3A_867 = tpu.memref_slice %arg6[%dma_wait3A_865, %dma_wait3A_866] : memref<8x100xi32, #tpu.memory_space<vmem>> -> memref<1x100xi32, #tpu.memory_space<vmem>>
      %dma_wait3A_868 = tpu.memref_squeeze %dma_wait3A_867 : memref<1x100xi32, #tpu.memory_space<vmem>> -> memref<100xi32, #tpu.memory_space<vmem>>
      %dma_wait3A_869 = arith.constant 0 : i32
      %dma_wait3A_870 = arith.constant 0 : i32
      %dma_wait3A_871 = tpu.memref_slice %arg3[%dma_wait3A_869, %dma_wait3A_870] : memref<1000000x64xf32, #tpu.memory_space<hbm>> -> memref<1000000x64xf32, #tpu.memory_space<hbm>>
      tpu.wait_indirect_dma semaphore(%arg22 : memref<!tpu.dma_semaphore, #tpu.memory_space<semaphore_mem>>) src(%dma_wait3A_871 : memref<1000000x64xf32, #tpu.memory_space<hbm>>) dst(%arg14 : memref<100x64xf32, #tpu.memory_space<vmem>>)
      %add3A_872 = arith.addi %mul3A_2, %add3A_864 : i32
      %dma_start3A_873 = arith.constant 0 : i32
      %dma_start3A_874 = arith.constant 0 : i32
      %dma_start3A_875 = tpu.memref_slice %arg4[%add3A_872, %dma_start3A_873, %dma_start3A_874] : memref<16384x100x64xf32, #tpu.memory_space<hbm>> -> memref<1x100x64xf32, #tpu.memory_space<hbm>>
      %dma_start3A_876 = tpu.memref_squeeze %dma_start3A_875 : memref<1x100x64xf32, #tpu.memory_space<hbm>> -> memref<100x64xf32, #tpu.memory_space<hbm>>
      %dma_start3A_877 = arith.constant 0 : i32
      %dma_start3A_878 = arith.constant 0 : i32
      %dma_start3A_879 = tpu.memref_slice %arg4[%add3A_872, %dma_start3A_877, %dma_start3A_878] : memref<16384x100x64xf32, #tpu.memory_space<hbm>> -> memref<1x100x64xf32, #tpu.memory_space<hbm>>
      %dma_start3A_880 = tpu.memref_squeeze %dma_start3A_879 : memref<1x100x64xf32, #tpu.memory_space<hbm>> -> memref<100x64xf32, #tpu.memory_space<hbm>>
      tpu.enqueue_dma source(%arg14 : memref<100x64xf32, #tpu.memory_space<vmem>>) target(%dma_start3A_880 : memref<100x64xf32, #tpu.memory_space<hbm>>) target_semaphore(%arg30 : memref<!tpu.dma_semaphore, #tpu.memory_space<semaphore_mem>>)
      %add3A_881 = arith.constant 0 : i32
      %add3A_882 = arith.addi %mul3A_737, %add3A_881 : i32
      %add3A_883 = arith.addi %mul3A_2, %add3A_882 : i32
      %dma_wait3A_884 = arith.constant 0 : i32
      %dma_wait3A_885 = arith.constant 0 : i32
      %dma_wait3A_886 = tpu.memref_slice %arg4[%add3A_883, %dma_wait3A_884, %dma_wait3A_885] : memref<16384x100x64xf32, #tpu.memory_space<hbm>> -> memref<1x100x64xf32, #tpu.memory_space<hbm>>
      %dma_wait3A_887 = tpu.memref_squeeze %dma_wait3A_886 : memref<1x100x64xf32, #tpu.memory_space<hbm>> -> memref<100x64xf32, #tpu.memory_space<hbm>>
      %dma_wait3A_888 = arith.constant 0 : i32
      %dma_wait3A_889 = arith.constant 0 : i32
      %dma_wait3A_890 = tpu.memref_slice %arg4[%add3A_883, %dma_wait3A_888, %dma_wait3A_889] : memref<16384x100x64xf32, #tpu.memory_space<hbm>> -> memref<1x100x64xf32, #tpu.memory_space<hbm>>
      %dma_wait3A_891 = tpu.memref_squeeze %dma_wait3A_890 : memref<1x100x64xf32, #tpu.memory_space<hbm>> -> memref<100x64xf32, #tpu.memory_space<hbm>>
      tpu.wait_dma2 semaphore(%arg23 : memref<!tpu.dma_semaphore, #tpu.memory_space<semaphore_mem>>) src(%arg7 : memref<100x64xf32, #tpu.memory_space<vmem>>) dst(%dma_wait3A_891 : memref<100x64xf32, #tpu.memory_space<hbm>>)
      %add3A_892 = arith.constant 1 : i32
      %add3A_893 = arith.addi %scan3A_734, %add3A_892 : i32
      %lt3A = arith.constant 64 : i32
      %lt3A_894 = arith.cmpi slt, %add3A_893, %lt3A : i32
      %convert_element_type3A = arith.extui %lt3A_894 : i1 to i32
      %cond3A = arith.constant 0 : i32
      %cond3A_895 = arith.cmpi ne, %convert_element_type3A, %cond3A : i32
      scf.if %cond3A_895 {
        %add3A_1023 = arith.constant 8 : i32
        %add3A_1024 = arith.addi %add3A_882, %add3A_1023 : i32
        %get3A_1025 = arith.index_cast %add3A_1024 : i32 to index
        %get3A_1026 = arith.constant 0 : index
        %get3A_1027 = tpu.vector_load %arg5[%get3A_1025, %get3A_1026] {strides = array<i32>} : memref<512x100xi32, #tpu.memory_space<vmem>>, vector<1x16xi32>,
        %get3A_1028 = vector.shape_cast %get3A_1027 : vector<1x16xi32> to vector<16xi32>
        %add3A_1029 = arith.addi %get3A_1028, %get3A_1028 : vector<16xi32>
        %swap3A_1030 = arith.constant 0 : i32
        %swap3A_1031 = arith.index_cast %swap3A_1030 : i32 to index
        %swap3A_1032 = arith.constant 0 : index
        %swap3A_1033 = tpu.vector_load %arg6[%swap3A_1031, %swap3A_1032] {strides = array<i32>} : memref<8x100xi32, #tpu.memory_space<vmem>>, vector<1x16xi32>,
        %swap3A_1034 = vector.shape_cast %swap3A_1033 : vector<1x16xi32> to vector<16xi32>
        %swap3A_1035 = vector.shape_cast %add3A_1029 : vector<16xi32> to vector<1x16xi32>
        tpu.vector_store %arg6[%swap3A_1031, %swap3A_1032], %swap3A_1035 {strides = array<i32>} : memref<8x100xi32, #tpu.memory_space<vmem>>, vector<1x16xi32>,
        %get3A_1036 = arith.index_cast %add3A_1024 : i32 to index
        %get3A_1037 = arith.constant 16 : index
        %get3A_1038 = tpu.vector_load %arg5[%get3A_1036, %get3A_1037] {strides = array<i32>} : memref<512x100xi32, #tpu.memory_space<vmem>>, vector<1x16xi32>,
        %get3A_1039 = vector.shape_cast %get3A_1038 : vector<1x16xi32> to vector<16xi32>
        %add3A_1040 = arith.addi %get3A_1039, %get3A_1039 : vector<16xi32>
        %swap3A_1041 = arith.constant 0 : i32
        %swap3A_1042 = arith.index_cast %swap3A_1041 : i32 to index
        %swap3A_1043 = arith.constant 16 : index
        %swap3A_1044 = tpu.vector_load %arg6[%swap3A_1042, %swap3A_1043] {strides = array<i32>} : memref<8x100xi32, #tpu.memory_space<vmem>>, vector<1x16xi32>,
        %swap3A_1045 = vector.shape_cast %swap3A_1044 : vector<1x16xi32> to vector<16xi32>
        %swap3A_1046 = vector.shape_cast %add3A_1040 : vector<16xi32> to vector<1x16xi32>
        tpu.vector_store %arg6[%swap3A_1042, %swap3A_1043], %swap3A_1046 {strides = array<i32>} : memref<8x100xi32, #tpu.memory_space<vmem>>, vector<1x16xi32>,
        %get3A_1047 = arith.index_cast %add3A_1024 : i32 to index
        %get3A_1048 = arith.constant 32 : index
        %get3A_1049 = tpu.vector_load %arg5[%get3A_1047, %get3A_1048] {strides = array<i32>} : memref<512x100xi32, #tpu.memory_space<vmem>>, vector<1x16xi32>,
        %get3A_1050 = vector.shape_cast %get3A_1049 : vector<1x16xi32> to vector<16xi32>
        %add3A_1051 = arith.addi %get3A_1050, %get3A_1050 : vector<16xi32>
        %swap3A_1052 = arith.constant 0 : i32
        %swap3A_1053 = arith.index_cast %swap3A_1052 : i32 to index
        %swap3A_1054 = arith.constant 32 : index
        %swap3A_1055 = tpu.vector_load %arg6[%swap3A_1053, %swap3A_1054] {strides = array<i32>} : memref<8x100xi32, #tpu.memory_space<vmem>>, vector<1x16xi32>,
        %swap3A_1056 = vector.shape_cast %swap3A_1055 : vector<1x16xi32> to vector<16xi32>
        %swap3A_1057 = vector.shape_cast %add3A_1051 : vector<16xi32> to vector<1x16xi32>
        tpu.vector_store %arg6[%swap3A_1053, %swap3A_1054], %swap3A_1057 {strides = array<i32>} : memref<8x100xi32, #tpu.memory_space<vmem>>, vector<1x16xi32>,
        %get3A_1058 = arith.index_cast %add3A_1024 : i32 to index
        %get3A_1059 = arith.constant 48 : index
        %get3A_1060 = tpu.vector_load %arg5[%get3A_1058, %get3A_1059] {strides = array<i32>} : memref<512x100xi32, #tpu.memory_space<vmem>>, vector<1x16xi32>,
        %get3A_1061 = vector.shape_cast %get3A_1060 : vector<1x16xi32> to vector<16xi32>
        %add3A_1062 = arith.addi %get3A_1061, %get3A_1061 : vector<16xi32>
        %swap3A_1063 = arith.constant 0 : i32
        %swap3A_1064 = arith.index_cast %swap3A_1063 : i32 to index
        %swap3A_1065 = arith.constant 48 : index
        %swap3A_1066 = tpu.vector_load %arg6[%swap3A_1064, %swap3A_1065] {strides = array<i32>} : memref<8x100xi32, #tpu.memory_space<vmem>>, vector<1x16xi32>,
        %swap3A_1067 = vector.shape_cast %swap3A_1066 : vector<1x16xi32> to vector<16xi32>
        %swap3A_1068 = vector.shape_cast %add3A_1062 : vector<16xi32> to vector<1x16xi32>
        tpu.vector_store %arg6[%swap3A_1064, %swap3A_1065], %swap3A_1068 {strides = array<i32>} : memref<8x100xi32, #tpu.memory_space<vmem>>, vector<1x16xi32>,
        %get3A_1069 = arith.index_cast %add3A_1024 : i32 to index
        %get3A_1070 = arith.constant 64 : index
        %get3A_1071 = tpu.vector_load %arg5[%get3A_1069, %get3A_1070] {strides = array<i32>} : memref<512x100xi32, #tpu.memory_space<vmem>>, vector<1x16xi32>,
        %get3A_1072 = vector.shape_cast %get3A_1071 : vector<1x16xi32> to vector<16xi32>
        %add3A_1073 = arith.addi %get3A_1072, %get3A_1072 : vector<16xi32>
        %swap3A_1074 = arith.constant 0 : i32
        %swap3A_1075 = arith.index_cast %swap3A_1074 : i32 to index
        %swap3A_1076 = arith.constant 64 : index
        %swap3A_1077 = tpu.vector_load %arg6[%swap3A_1075, %swap3A_1076] {strides = array<i32>} : memref<8x100xi32, #tpu.memory_space<vmem>>, vector<1x16xi32>,
        %swap3A_1078 = vector.shape_cast %swap3A_1077 : vector<1x16xi32> to vector<16xi32>
        %swap3A_1079 = vector.shape_cast %add3A_1073 : vector<16xi32> to vector<1x16xi32>
        tpu.vector_store %arg6[%swap3A_1075, %swap3A_1076], %swap3A_1079 {strides = array<i32>} : memref<8x100xi32, #tpu.memory_space<vmem>>, vector<1x16xi32>,
        %get3A_1080 = arith.index_cast %add3A_1024 : i32 to index
        %get3A_1081 = arith.constant 80 : index
        %get3A_1082 = tpu.vector_load %arg5[%get3A_1080, %get3A_1081] {strides = array<i32>} : memref<512x100xi32, #tpu.memory_space<vmem>>, vector<1x16xi32>,
        %get3A_1083 = vector.shape_cast %get3A_1082 : vector<1x16xi32> to vector<16xi32>
        %add3A_1084 = arith.addi %get3A_1083, %get3A_1083 : vector<16xi32>
        %swap3A_1085 = arith.constant 0 : i32
        %swap3A_1086 = arith.index_cast %swap3A_1085 : i32 to index
        %swap3A_1087 = arith.constant 80 : index
        %swap3A_1088 = tpu.vector_load %arg6[%swap3A_1086, %swap3A_1087] {strides = array<i32>} : memref<8x100xi32, #tpu.memory_space<vmem>>, vector<1x16xi32>,
        %swap3A_1089 = vector.shape_cast %swap3A_1088 : vector<1x16xi32> to vector<16xi32>
        %swap3A_1090 = vector.shape_cast %add3A_1084 : vector<16xi32> to vector<1x16xi32>
        tpu.vector_store %arg6[%swap3A_1086, %swap3A_1087], %swap3A_1090 {strides = array<i32>} : memref<8x100xi32, #tpu.memory_space<vmem>>, vector<1x16xi32>,
        %get3A_1091 = arith.index_cast %add3A_1024 : i32 to index
        %get3A_1092 = arith.constant 84 : index
        %get3A_1093 = tpu.vector_load %arg5[%get3A_1091, %get3A_1092] {strides = array<i32>} : memref<512x100xi32, #tpu.memory_space<vmem>>, vector<1x16xi32>,
        %get3A_1094 = vector.shape_cast %get3A_1093 : vector<1x16xi32> to vector<16xi32>
        %add3A_1095 = arith.addi %get3A_1094, %get3A_1094 : vector<16xi32>
        %swap3A_1096 = arith.constant 0 : i32
        %swap3A_1097 = arith.index_cast %swap3A_1096 : i32 to index
        %swap3A_1098 = arith.constant 84 : index
        %swap3A_1099 = tpu.vector_load %arg6[%swap3A_1097, %swap3A_1098] {strides = array<i32>} : memref<8x100xi32, #tpu.memory_space<vmem>>, vector<1x16xi32>,
        %swap3A_1100 = vector.shape_cast %swap3A_1099 : vector<1x16xi32> to vector<16xi32>
        %swap3A_1101 = vector.shape_cast %add3A_1095 : vector<16xi32> to vector<1x16xi32>
        tpu.vector_store %arg6[%swap3A_1097, %swap3A_1098], %swap3A_1101 {strides = array<i32>} : memref<8x100xi32, #tpu.memory_space<vmem>>, vector<1x16xi32>,
        %add3A_1102 = arith.constant 8 : i32
        %add3A_1103 = arith.addi %add3A_882, %add3A_1102 : i32
        %dma_start3A_1104 = arith.constant 0 : i32
        %dma_start3A_1105 = arith.constant 0 : i32
        %dma_start3A_1106 = tpu.memref_slice %arg6[%dma_start3A_1104, %dma_start3A_1105] : memref<8x100xi32, #tpu.memory_space<vmem>> -> memref<1x100xi32, #tpu.memory_space<vmem>>
        %dma_start3A_1107 = tpu.memref_squeeze %dma_start3A_1106 : memref<1x100xi32, #tpu.memory_space<vmem>> -> memref<100xi32, #tpu.memory_space<vmem>>
        %dma_start3A_1108 = arith.constant 0 : i32
        %dma_start3A_1109 = arith.constant 0 : i32
        %dma_start3A_1110 = tpu.memref_slice %arg3[%dma_start3A_1108, %dma_start3A_1109] : memref<1000000x64xf32, #tpu.memory_space<hbm>> -> memref<1000000x64xf32, #tpu.memory_space<hbm>>
        tpu.enqueue_indirect_dma source(%dma_start3A_1110 : memref<1000000x64xf32, #tpu.memory_space<hbm>>) target(%arg7 : memref<100x64xf32, #tpu.memory_space<vmem>>) offsets(%dma_start3A_1107 : memref<100xi32, #tpu.memory_space<vmem>>) semaphore(%arg15 : memref<!tpu.dma_semaphore, #tpu.memory_space<semaphore_mem>>)
      } else {
      }
      %add3A_896 = arith.constant 1 : i32
      %add3A_897 = arith.addi %mul3A_737, %add3A_896 : i32
      %add3A_898 = arith.addi %mul3A_2, %add3A_897 : i32
      %dma_wait3A_899 = arith.constant 0 : i32
      %dma_wait3A_900 = arith.constant 0 : i32
      %dma_wait3A_901 = tpu.memref_slice %arg4[%add3A_898, %dma_wait3A_899, %dma_wait3A_900] : memref<16384x100x64xf32, #tpu.memory_space<hbm>> -> memref<1x100x64xf32, #tpu.memory_space<hbm>>
      %dma_wait3A_902 = tpu.memref_squeeze %dma_wait3A_901 : memref<1x100x64xf32, #tpu.memory_space<hbm>> -> memref<100x64xf32, #tpu.memory_space<hbm>>
      %dma_wait3A_903 = arith.constant 0 : i32
      %dma_wait3A_904 = arith.constant 0 : i32
      %dma_wait3A_905 = tpu.memref_slice %arg4[%add3A_898, %dma_wait3A_903, %dma_wait3A_904] : memref<16384x100x64xf32, #tpu.memory_space<hbm>> -> memref<1x100x64xf32, #tpu.memory_space<hbm>>
      %dma_wait3A_906 = tpu.memref_squeeze %dma_wait3A_905 : memref<1x100x64xf32, #tpu.memory_space<hbm>> -> memref<100x64xf32, #tpu.memory_space<hbm>>
      tpu.wait_dma2 semaphore(%arg24 : memref<!tpu.dma_semaphore, #tpu.memory_space<semaphore_mem>>) src(%arg8 : memref<100x64xf32, #tpu.memory_space<vmem>>) dst(%dma_wait3A_906 : memref<100x64xf32, #tpu.memory_space<hbm>>)
      %add3A_907 = arith.constant 1 : i32
      %add3A_908 = arith.addi %scan3A_734, %add3A_907 : i32
      %lt3A_909 = arith.constant 64 : i32
      %lt3A_910 = arith.cmpi slt, %add3A_908, %lt3A_909 : i32
      %convert_element_type3A_911 = arith.extui %lt3A_910 : i1 to i32
      %cond3A_912 = arith.constant 0 : i32
      %cond3A_913 = arith.cmpi ne, %convert_element_type3A_911, %cond3A_912 : i32
      scf.if %cond3A_913 {
        %add3A_1023 = arith.constant 8 : i32
        %add3A_1024 = arith.addi %add3A_897, %add3A_1023 : i32
        %get3A_1025 = arith.index_cast %add3A_1024 : i32 to index
        %get3A_1026 = arith.constant 0 : index
        %get3A_1027 = tpu.vector_load %arg5[%get3A_1025, %get3A_1026] {strides = array<i32>} : memref<512x100xi32, #tpu.memory_space<vmem>>, vector<1x16xi32>,
        %get3A_1028 = vector.shape_cast %get3A_1027 : vector<1x16xi32> to vector<16xi32>
        %add3A_1029 = arith.addi %get3A_1028, %get3A_1028 : vector<16xi32>
        %swap3A_1030 = arith.constant 1 : i32
        %swap3A_1031 = arith.index_cast %swap3A_1030 : i32 to index
        %swap3A_1032 = arith.constant 0 : index
        %swap3A_1033 = tpu.vector_load %arg6[%swap3A_1031, %swap3A_1032] {strides = array<i32>} : memref<8x100xi32, #tpu.memory_space<vmem>>, vector<1x16xi32>,
        %swap3A_1034 = vector.shape_cast %swap3A_1033 : vector<1x16xi32> to vector<16xi32>
        %swap3A_1035 = vector.shape_cast %add3A_1029 : vector<16xi32> to vector<1x16xi32>
        tpu.vector_store %arg6[%swap3A_1031, %swap3A_1032], %swap3A_1035 {strides = array<i32>} : memref<8x100xi32, #tpu.memory_space<vmem>>, vector<1x16xi32>,
        %get3A_1036 = arith.index_cast %add3A_1024 : i32 to index
        %get3A_1037 = arith.constant 16 : index
        %get3A_1038 = tpu.vector_load %arg5[%get3A_1036, %get3A_1037] {strides = array<i32>} : memref<512x100xi32, #tpu.memory_space<vmem>>, vector<1x16xi32>,
        %get3A_1039 = vector.shape_cast %get3A_1038 : vector<1x16xi32> to vector<16xi32>
        %add3A_1040 = arith.addi %get3A_1039, %get3A_1039 : vector<16xi32>
        %swap3A_1041 = arith.constant 1 : i32
        %swap3A_1042 = arith.index_cast %swap3A_1041 : i32 to index
        %swap3A_1043 = arith.constant 16 : index
        %swap3A_1044 = tpu.vector_load %arg6[%swap3A_1042, %swap3A_1043] {strides = array<i32>} : memref<8x100xi32, #tpu.memory_space<vmem>>, vector<1x16xi32>,
        %swap3A_1045 = vector.shape_cast %swap3A_1044 : vector<1x16xi32> to vector<16xi32>
        %swap3A_1046 = vector.shape_cast %add3A_1040 : vector<16xi32> to vector<1x16xi32>
        tpu.vector_store %arg6[%swap3A_1042, %swap3A_1043], %swap3A_1046 {strides = array<i32>} : memref<8x100xi32, #tpu.memory_space<vmem>>, vector<1x16xi32>,
        %get3A_1047 = arith.index_cast %add3A_1024 : i32 to index
        %get3A_1048 = arith.constant 32 : index
        %get3A_1049 = tpu.vector_load %arg5[%get3A_1047, %get3A_1048] {strides = array<i32>} : memref<512x100xi32, #tpu.memory_space<vmem>>, vector<1x16xi32>,
        %get3A_1050 = vector.shape_cast %get3A_1049 : vector<1x16xi32> to vector<16xi32>
        %add3A_1051 = arith.addi %get3A_1050, %get3A_1050 : vector<16xi32>
        %swap3A_1052 = arith.constant 1 : i32
        %swap3A_1053 = arith.index_cast %swap3A_1052 : i32 to index
        %swap3A_1054 = arith.constant 32 : index
        %swap3A_1055 = tpu.vector_load %arg6[%swap3A_1053, %swap3A_1054] {strides = array<i32>} : memref<8x100xi32, #tpu.memory_space<vmem>>, vector<1x16xi32>,
        %swap3A_1056 = vector.shape_cast %swap3A_1055 : vector<1x16xi32> to vector<16xi32>
        %swap3A_1057 = vector.shape_cast %add3A_1051 : vector<16xi32> to vector<1x16xi32>
        tpu.vector_store %arg6[%swap3A_1053, %swap3A_1054], %swap3A_1057 {strides = array<i32>} : memref<8x100xi32, #tpu.memory_space<vmem>>, vector<1x16xi32>,
        %get3A_1058 = arith.index_cast %add3A_1024 : i32 to index
        %get3A_1059 = arith.constant 48 : index
        %get3A_1060 = tpu.vector_load %arg5[%get3A_1058, %get3A_1059] {strides = array<i32>} : memref<512x100xi32, #tpu.memory_space<vmem>>, vector<1x16xi32>,
        %get3A_1061 = vector.shape_cast %get3A_1060 : vector<1x16xi32> to vector<16xi32>
        %add3A_1062 = arith.addi %get3A_1061, %get3A_1061 : vector<16xi32>
        %swap3A_1063 = arith.constant 1 : i32
        %swap3A_1064 = arith.index_cast %swap3A_1063 : i32 to index
        %swap3A_1065 = arith.constant 48 : index
        %swap3A_1066 = tpu.vector_load %arg6[%swap3A_1064, %swap3A_1065] {strides = array<i32>} : memref<8x100xi32, #tpu.memory_space<vmem>>, vector<1x16xi32>,
        %swap3A_1067 = vector.shape_cast %swap3A_1066 : vector<1x16xi32> to vector<16xi32>
        %swap3A_1068 = vector.shape_cast %add3A_1062 : vector<16xi32> to vector<1x16xi32>
        tpu.vector_store %arg6[%swap3A_1064, %swap3A_1065], %swap3A_1068 {strides = array<i32>} : memref<8x100xi32, #tpu.memory_space<vmem>>, vector<1x16xi32>,
        %get3A_1069 = arith.index_cast %add3A_1024 : i32 to index
        %get3A_1070 = arith.constant 64 : index
        %get3A_1071 = tpu.vector_load %arg5[%get3A_1069, %get3A_1070] {strides = array<i32>} : memref<512x100xi32, #tpu.memory_space<vmem>>, vector<1x16xi32>,
        %get3A_1072 = vector.shape_cast %get3A_1071 : vector<1x16xi32> to vector<16xi32>
        %add3A_1073 = arith.addi %get3A_1072, %get3A_1072 : vector<16xi32>
        %swap3A_1074 = arith.constant 1 : i32
        %swap3A_1075 = arith.index_cast %swap3A_1074 : i32 to index
        %swap3A_1076 = arith.constant 64 : index
        %swap3A_1077 = tpu.vector_load %arg6[%swap3A_1075, %swap3A_1076] {strides = array<i32>} : memref<8x100xi32, #tpu.memory_space<vmem>>, vector<1x16xi32>,
        %swap3A_1078 = vector.shape_cast %swap3A_1077 : vector<1x16xi32> to vector<16xi32>
        %swap3A_1079 = vector.shape_cast %add3A_1073 : vector<16xi32> to vector<1x16xi32>
        tpu.vector_store %arg6[%swap3A_1075, %swap3A_1076], %swap3A_1079 {strides = array<i32>} : memref<8x100xi32, #tpu.memory_space<vmem>>, vector<1x16xi32>,
        %get3A_1080 = arith.index_cast %add3A_1024 : i32 to index
        %get3A_1081 = arith.constant 80 : index
        %get3A_1082 = tpu.vector_load %arg5[%get3A_1080, %get3A_1081] {strides = array<i32>} : memref<512x100xi32, #tpu.memory_space<vmem>>, vector<1x16xi32>,
        %get3A_1083 = vector.shape_cast %get3A_1082 : vector<1x16xi32> to vector<16xi32>
        %add3A_1084 = arith.addi %get3A_1083, %get3A_1083 : vector<16xi32>
        %swap3A_1085 = arith.constant 1 : i32
        %swap3A_1086 = arith.index_cast %swap3A_1085 : i32 to index
        %swap3A_1087 = arith.constant 80 : index
        %swap3A_1088 = tpu.vector_load %arg6[%swap3A_1086, %swap3A_1087] {strides = array<i32>} : memref<8x100xi32, #tpu.memory_space<vmem>>, vector<1x16xi32>,
        %swap3A_1089 = vector.shape_cast %swap3A_1088 : vector<1x16xi32> to vector<16xi32>
        %swap3A_1090 = vector.shape_cast %add3A_1084 : vector<16xi32> to vector<1x16xi32>
        tpu.vector_store %arg6[%swap3A_1086, %swap3A_1087], %swap3A_1090 {strides = array<i32>} : memref<8x100xi32, #tpu.memory_space<vmem>>, vector<1x16xi32>,
        %get3A_1091 = arith.index_cast %add3A_1024 : i32 to index
        %get3A_1092 = arith.constant 84 : index
        %get3A_1093 = tpu.vector_load %arg5[%get3A_1091, %get3A_1092] {strides = array<i32>} : memref<512x100xi32, #tpu.memory_space<vmem>>, vector<1x16xi32>,
        %get3A_1094 = vector.shape_cast %get3A_1093 : vector<1x16xi32> to vector<16xi32>
        %add3A_1095 = arith.addi %get3A_1094, %get3A_1094 : vector<16xi32>
        %swap3A_1096 = arith.constant 1 : i32
        %swap3A_1097 = arith.index_cast %swap3A_1096 : i32 to index
        %swap3A_1098 = arith.constant 84 : index
        %swap3A_1099 = tpu.vector_load %arg6[%swap3A_1097, %swap3A_1098] {strides = array<i32>} : memref<8x100xi32, #tpu.memory_space<vmem>>, vector<1x16xi32>,
        %swap3A_1100 = vector.shape_cast %swap3A_1099 : vector<1x16xi32> to vector<16xi32>
        %swap3A_1101 = vector.shape_cast %add3A_1095 : vector<16xi32> to vector<1x16xi32>
        tpu.vector_store %arg6[%swap3A_1097, %swap3A_1098], %swap3A_1101 {strides = array<i32>} : memref<8x100xi32, #tpu.memory_space<vmem>>, vector<1x16xi32>,
        %add3A_1102 = arith.constant 8 : i32
        %add3A_1103 = arith.addi %add3A_897, %add3A_1102 : i32
        %dma_start3A_1104 = arith.constant 1 : i32
        %dma_start3A_1105 = arith.constant 0 : i32
        %dma_start3A_1106 = tpu.memref_slice %arg6[%dma_start3A_1104, %dma_start3A_1105] : memref<8x100xi32, #tpu.memory_space<vmem>> -> memref<1x100xi32, #tpu.memory_space<vmem>>
        %dma_start3A_1107 = tpu.memref_squeeze %dma_start3A_1106 : memref<1x100xi32, #tpu.memory_space<vmem>> -> memref<100xi32, #tpu.memory_space<vmem>>
        %dma_start3A_1108 = arith.constant 0 : i32
        %dma_start3A_1109 = arith.constant 0 : i32
        %dma_start3A_1110 = tpu.memref_slice %arg3[%dma_start3A_1108, %dma_start3A_1109] : memref<1000000x64xf32, #tpu.memory_space<hbm>> -> memref<1000000x64xf32, #tpu.memory_space<hbm>>
        tpu.enqueue_indirect_dma source(%dma_start3A_1110 : memref<1000000x64xf32, #tpu.memory_space<hbm>>) target(%arg8 : memref<100x64xf32, #tpu.memory_space<vmem>>) offsets(%dma_start3A_1107 : memref<100xi32, #tpu.memory_space<vmem>>) semaphore(%arg16 : memref<!tpu.dma_semaphore, #tpu.memory_space<semaphore_mem>>)
      } else {
      }
      %add3A_914 = arith.constant 2 : i32
      %add3A_915 = arith.addi %mul3A_737, %add3A_914 : i32
      %add3A_916 = arith.addi %mul3A_2, %add3A_915 : i32
      %dma_wait3A_917 = arith.constant 0 : i32
      %dma_wait3A_918 = arith.constant 0 : i32
      %dma_wait3A_919 = tpu.memref_slice %arg4[%add3A_916, %dma_wait3A_917, %dma_wait3A_918] : memref<16384x100x64xf32, #tpu.memory_space<hbm>> -> memref<1x100x64xf32, #tpu.memory_space<hbm>>
      %dma_wait3A_920 = tpu.memref_squeeze %dma_wait3A_919 : memref<1x100x64xf32, #tpu.memory_space<hbm>> -> memref<100x64xf32, #tpu.memory_space<hbm>>
      %dma_wait3A_921 = arith.constant 0 : i32
      %dma_wait3A_922 = arith.constant 0 : i32
      %dma_wait3A_923 = tpu.memref_slice %arg4[%add3A_916, %dma_wait3A_921, %dma_wait3A_922] : memref<16384x100x64xf32, #tpu.memory_space<hbm>> -> memref<1x100x64xf32, #tpu.memory_space<hbm>>
      %dma_wait3A_924 = tpu.memref_squeeze %dma_wait3A_923 : memref<1x100x64xf32, #tpu.memory_space<hbm>> -> memref<100x64xf32, #tpu.memory_space<hbm>>
      tpu.wait_dma2 semaphore(%arg25 : memref<!tpu.dma_semaphore, #tpu.memory_space<semaphore_mem>>) src(%arg9 : memref<100x64xf32, #tpu.memory_space<vmem>>) dst(%dma_wait3A_924 : memref<100x64xf32, #tpu.memory_space<hbm>>)
      %add3A_925 = arith.constant 1 : i32
      %add3A_926 = arith.addi %scan3A_734, %add3A_925 : i32
      %lt3A_927 = arith.constant 64 : i32
      %lt3A_928 = arith.cmpi slt, %add3A_926, %lt3A_927 : i32
      %convert_element_type3A_929 = arith.extui %lt3A_928 : i1 to i32
      %cond3A_930 = arith.constant 0 : i32
      %cond3A_931 = arith.cmpi ne, %convert_element_type3A_929, %cond3A_930 : i32
      scf.if %cond3A_931 {
        %add3A_1023 = arith.constant 8 : i32
        %add3A_1024 = arith.addi %add3A_915, %add3A_1023 : i32
        %get3A_1025 = arith.index_cast %add3A_1024 : i32 to index
        %get3A_1026 = arith.constant 0 : index
        %get3A_1027 = tpu.vector_load %arg5[%get3A_1025, %get3A_1026] {strides = array<i32>} : memref<512x100xi32, #tpu.memory_space<vmem>>, vector<1x16xi32>,
        %get3A_1028 = vector.shape_cast %get3A_1027 : vector<1x16xi32> to vector<16xi32>
        %add3A_1029 = arith.addi %get3A_1028, %get3A_1028 : vector<16xi32>
        %swap3A_1030 = arith.constant 2 : i32
        %swap3A_1031 = arith.index_cast %swap3A_1030 : i32 to index
        %swap3A_1032 = arith.constant 0 : index
        %swap3A_1033 = tpu.vector_load %arg6[%swap3A_1031, %swap3A_1032] {strides = array<i32>} : memref<8x100xi32, #tpu.memory_space<vmem>>, vector<1x16xi32>,
        %swap3A_1034 = vector.shape_cast %swap3A_1033 : vector<1x16xi32> to vector<16xi32>
        %swap3A_1035 = vector.shape_cast %add3A_1029 : vector<16xi32> to vector<1x16xi32>
        tpu.vector_store %arg6[%swap3A_1031, %swap3A_1032], %swap3A_1035 {strides = array<i32>} : memref<8x100xi32, #tpu.memory_space<vmem>>, vector<1x16xi32>,
        %get3A_1036 = arith.index_cast %add3A_1024 : i32 to index
        %get3A_1037 = arith.constant 16 : index
        %get3A_1038 = tpu.vector_load %arg5[%get3A_1036, %get3A_1037] {strides = array<i32>} : memref<512x100xi32, #tpu.memory_space<vmem>>, vector<1x16xi32>,
        %get3A_1039 = vector.shape_cast %get3A_1038 : vector<1x16xi32> to vector<16xi32>
        %add3A_1040 = arith.addi %get3A_1039, %get3A_1039 : vector<16xi32>
        %swap3A_1041 = arith.constant 2 : i32
        %swap3A_1042 = arith.index_cast %swap3A_1041 : i32 to index
        %swap3A_1043 = arith.constant 16 : index
        %swap3A_1044 = tpu.vector_load %arg6[%swap3A_1042, %swap3A_1043] {strides = array<i32>} : memref<8x100xi32, #tpu.memory_space<vmem>>, vector<1x16xi32>,
        %swap3A_1045 = vector.shape_cast %swap3A_1044 : vector<1x16xi32> to vector<16xi32>
        %swap3A_1046 = vector.shape_cast %add3A_1040 : vector<16xi32> to vector<1x16xi32>
        tpu.vector_store %arg6[%swap3A_1042, %swap3A_1043], %swap3A_1046 {strides = array<i32>} : memref<8x100xi32, #tpu.memory_space<vmem>>, vector<1x16xi32>,
        %get3A_1047 = arith.index_cast %add3A_1024 : i32 to index
        %get3A_1048 = arith.constant 32 : index
        %get3A_1049 = tpu.vector_load %arg5[%get3A_1047, %get3A_1048] {strides = array<i32>} : memref<512x100xi32, #tpu.memory_space<vmem>>, vector<1x16xi32>,
        %get3A_1050 = vector.shape_cast %get3A_1049 : vector<1x16xi32> to vector<16xi32>
        %add3A_1051 = arith.addi %get3A_1050, %get3A_1050 : vector<16xi32>
        %swap3A_1052 = arith.constant 2 : i32
        %swap3A_1053 = arith.index_cast %swap3A_1052 : i32 to index
        %swap3A_1054 = arith.constant 32 : index
        %swap3A_1055 = tpu.vector_load %arg6[%swap3A_1053, %swap3A_1054] {strides = array<i32>} : memref<8x100xi32, #tpu.memory_space<vmem>>, vector<1x16xi32>,
        %swap3A_1056 = vector.shape_cast %swap3A_1055 : vector<1x16xi32> to vector<16xi32>
        %swap3A_1057 = vector.shape_cast %add3A_1051 : vector<16xi32> to vector<1x16xi32>
        tpu.vector_store %arg6[%swap3A_1053, %swap3A_1054], %swap3A_1057 {strides = array<i32>} : memref<8x100xi32, #tpu.memory_space<vmem>>, vector<1x16xi32>,
        %get3A_1058 = arith.index_cast %add3A_1024 : i32 to index
        %get3A_1059 = arith.constant 48 : index
        %get3A_1060 = tpu.vector_load %arg5[%get3A_1058, %get3A_1059] {strides = array<i32>} : memref<512x100xi32, #tpu.memory_space<vmem>>, vector<1x16xi32>,
        %get3A_1061 = vector.shape_cast %get3A_1060 : vector<1x16xi32> to vector<16xi32>
        %add3A_1062 = arith.addi %get3A_1061, %get3A_1061 : vector<16xi32>
        %swap3A_1063 = arith.constant 2 : i32
        %swap3A_1064 = arith.index_cast %swap3A_1063 : i32 to index
        %swap3A_1065 = arith.constant 48 : index
        %swap3A_1066 = tpu.vector_load %arg6[%swap3A_1064, %swap3A_1065] {strides = array<i32>} : memref<8x100xi32, #tpu.memory_space<vmem>>, vector<1x16xi32>,
        %swap3A_1067 = vector.shape_cast %swap3A_1066 : vector<1x16xi32> to vector<16xi32>
        %swap3A_1068 = vector.shape_cast %add3A_1062 : vector<16xi32> to vector<1x16xi32>
        tpu.vector_store %arg6[%swap3A_1064, %swap3A_1065], %swap3A_1068 {strides = array<i32>} : memref<8x100xi32, #tpu.memory_space<vmem>>, vector<1x16xi32>,
        %get3A_1069 = arith.index_cast %add3A_1024 : i32 to index
        %get3A_1070 = arith.constant 64 : index
        %get3A_1071 = tpu.vector_load %arg5[%get3A_1069, %get3A_1070] {strides = array<i32>} : memref<512x100xi32, #tpu.memory_space<vmem>>, vector<1x16xi32>,
        %get3A_1072 = vector.shape_cast %get3A_1071 : vector<1x16xi32> to vector<16xi32>
        %add3A_1073 = arith.addi %get3A_1072, %get3A_1072 : vector<16xi32>
        %swap3A_1074 = arith.constant 2 : i32
        %swap3A_1075 = arith.index_cast %swap3A_1074 : i32 to index
        %swap3A_1076 = arith.constant 64 : index
        %swap3A_1077 = tpu.vector_load %arg6[%swap3A_1075, %swap3A_1076] {strides = array<i32>} : memref<8x100xi32, #tpu.memory_space<vmem>>, vector<1x16xi32>,
        %swap3A_1078 = vector.shape_cast %swap3A_1077 : vector<1x16xi32> to vector<16xi32>
        %swap3A_1079 = vector.shape_cast %add3A_1073 : vector<16xi32> to vector<1x16xi32>
        tpu.vector_store %arg6[%swap3A_1075, %swap3A_1076], %swap3A_1079 {strides = array<i32>} : memref<8x100xi32, #tpu.memory_space<vmem>>, vector<1x16xi32>,
        %get3A_1080 = arith.index_cast %add3A_1024 : i32 to index
        %get3A_1081 = arith.constant 80 : index
        %get3A_1082 = tpu.vector_load %arg5[%get3A_1080, %get3A_1081] {strides = array<i32>} : memref<512x100xi32, #tpu.memory_space<vmem>>, vector<1x16xi32>,
        %get3A_1083 = vector.shape_cast %get3A_1082 : vector<1x16xi32> to vector<16xi32>
        %add3A_1084 = arith.addi %get3A_1083, %get3A_1083 : vector<16xi32>
        %swap3A_1085 = arith.constant 2 : i32
        %swap3A_1086 = arith.index_cast %swap3A_1085 : i32 to index
        %swap3A_1087 = arith.constant 80 : index
        %swap3A_1088 = tpu.vector_load %arg6[%swap3A_1086, %swap3A_1087] {strides = array<i32>} : memref<8x100xi32, #tpu.memory_space<vmem>>, vector<1x16xi32>,
        %swap3A_1089 = vector.shape_cast %swap3A_1088 : vector<1x16xi32> to vector<16xi32>
        %swap3A_1090 = vector.shape_cast %add3A_1084 : vector<16xi32> to vector<1x16xi32>
        tpu.vector_store %arg6[%swap3A_1086, %swap3A_1087], %swap3A_1090 {strides = array<i32>} : memref<8x100xi32, #tpu.memory_space<vmem>>, vector<1x16xi32>,
        %get3A_1091 = arith.index_cast %add3A_1024 : i32 to index
        %get3A_1092 = arith.constant 84 : index
        %get3A_1093 = tpu.vector_load %arg5[%get3A_1091, %get3A_1092] {strides = array<i32>} : memref<512x100xi32, #tpu.memory_space<vmem>>, vector<1x16xi32>,
        %get3A_1094 = vector.shape_cast %get3A_1093 : vector<1x16xi32> to vector<16xi32>
        %add3A_1095 = arith.addi %get3A_1094, %get3A_1094 : vector<16xi32>
        %swap3A_1096 = arith.constant 2 : i32
        %swap3A_1097 = arith.index_cast %swap3A_1096 : i32 to index
        %swap3A_1098 = arith.constant 84 : index
        %swap3A_1099 = tpu.vector_load %arg6[%swap3A_1097, %swap3A_1098] {strides = array<i32>} : memref<8x100xi32, #tpu.memory_space<vmem>>, vector<1x16xi32>,
        %swap3A_1100 = vector.shape_cast %swap3A_1099 : vector<1x16xi32> to vector<16xi32>
        %swap3A_1101 = vector.shape_cast %add3A_1095 : vector<16xi32> to vector<1x16xi32>
        tpu.vector_store %arg6[%swap3A_1097, %swap3A_1098], %swap3A_1101 {strides = array<i32>} : memref<8x100xi32, #tpu.memory_space<vmem>>, vector<1x16xi32>,
        %add3A_1102 = arith.constant 8 : i32
        %add3A_1103 = arith.addi %add3A_915, %add3A_1102 : i32
        %dma_start3A_1104 = arith.constant 2 : i32
        %dma_start3A_1105 = arith.constant 0 : i32
        %dma_start3A_1106 = tpu.memref_slice %arg6[%dma_start3A_1104, %dma_start3A_1105] : memref<8x100xi32, #tpu.memory_space<vmem>> -> memref<1x100xi32, #tpu.memory_space<vmem>>
        %dma_start3A_1107 = tpu.memref_squeeze %dma_start3A_1106 : memref<1x100xi32, #tpu.memory_space<vmem>> -> memref<100xi32, #tpu.memory_space<vmem>>
        %dma_start3A_1108 = arith.constant 0 : i32
        %dma_start3A_1109 = arith.constant 0 : i32
        %dma_start3A_1110 = tpu.memref_slice %arg3[%dma_start3A_1108, %dma_start3A_1109] : memref<1000000x64xf32, #tpu.memory_space<hbm>> -> memref<1000000x64xf32, #tpu.memory_space<hbm>>
        tpu.enqueue_indirect_dma source(%dma_start3A_1110 : memref<1000000x64xf32, #tpu.memory_space<hbm>>) target(%arg9 : memref<100x64xf32, #tpu.memory_space<vmem>>) offsets(%dma_start3A_1107 : memref<100xi32, #tpu.memory_space<vmem>>) semaphore(%arg17 : memref<!tpu.dma_semaphore, #tpu.memory_space<semaphore_mem>>)
      } else {
      }
      %add3A_932 = arith.constant 3 : i32
      %add3A_933 = arith.addi %mul3A_737, %add3A_932 : i32
      %add3A_934 = arith.addi %mul3A_2, %add3A_933 : i32
      %dma_wait3A_935 = arith.constant 0 : i32
      %dma_wait3A_936 = arith.constant 0 : i32
      %dma_wait3A_937 = tpu.memref_slice %arg4[%add3A_934, %dma_wait3A_935, %dma_wait3A_936] : memref<16384x100x64xf32, #tpu.memory_space<hbm>> -> memref<1x100x64xf32, #tpu.memory_space<hbm>>
      %dma_wait3A_938 = tpu.memref_squeeze %dma_wait3A_937 : memref<1x100x64xf32, #tpu.memory_space<hbm>> -> memref<100x64xf32, #tpu.memory_space<hbm>>
      %dma_wait3A_939 = arith.constant 0 : i32
      %dma_wait3A_940 = arith.constant 0 : i32
      %dma_wait3A_941 = tpu.memref_slice %arg4[%add3A_934, %dma_wait3A_939, %dma_wait3A_940] : memref<16384x100x64xf32, #tpu.memory_space<hbm>> -> memref<1x100x64xf32, #tpu.memory_space<hbm>>
      %dma_wait3A_942 = tpu.memref_squeeze %dma_wait3A_941 : memref<1x100x64xf32, #tpu.memory_space<hbm>> -> memref<100x64xf32, #tpu.memory_space<hbm>>
      tpu.wait_dma2 semaphore(%arg26 : memref<!tpu.dma_semaphore, #tpu.memory_space<semaphore_mem>>) src(%arg10 : memref<100x64xf32, #tpu.memory_space<vmem>>) dst(%dma_wait3A_942 : memref<100x64xf32, #tpu.memory_space<hbm>>)
      %add3A_943 = arith.constant 1 : i32
      %add3A_944 = arith.addi %scan3A_734, %add3A_943 : i32
      %lt3A_945 = arith.constant 64 : i32
      %lt3A_946 = arith.cmpi slt, %add3A_944, %lt3A_945 : i32
      %convert_element_type3A_947 = arith.extui %lt3A_946 : i1 to i32
      %cond3A_948 = arith.constant 0 : i32
      %cond3A_949 = arith.cmpi ne, %convert_element_type3A_947, %cond3A_948 : i32
      scf.if %cond3A_949 {
        %add3A_1023 = arith.constant 8 : i32
        %add3A_1024 = arith.addi %add3A_933, %add3A_1023 : i32
        %get3A_1025 = arith.index_cast %add3A_1024 : i32 to index
        %get3A_1026 = arith.constant 0 : index
        %get3A_1027 = tpu.vector_load %arg5[%get3A_1025, %get3A_1026] {strides = array<i32>} : memref<512x100xi32, #tpu.memory_space<vmem>>, vector<1x16xi32>,
        %get3A_1028 = vector.shape_cast %get3A_1027 : vector<1x16xi32> to vector<16xi32>
        %add3A_1029 = arith.addi %get3A_1028, %get3A_1028 : vector<16xi32>
        %swap3A_1030 = arith.constant 3 : i32
        %swap3A_1031 = arith.index_cast %swap3A_1030 : i32 to index
        %swap3A_1032 = arith.constant 0 : index
        %swap3A_1033 = tpu.vector_load %arg6[%swap3A_1031, %swap3A_1032] {strides = array<i32>} : memref<8x100xi32, #tpu.memory_space<vmem>>, vector<1x16xi32>,
        %swap3A_1034 = vector.shape_cast %swap3A_1033 : vector<1x16xi32> to vector<16xi32>
        %swap3A_1035 = vector.shape_cast %add3A_1029 : vector<16xi32> to vector<1x16xi32>
        tpu.vector_store %arg6[%swap3A_1031, %swap3A_1032], %swap3A_1035 {strides = array<i32>} : memref<8x100xi32, #tpu.memory_space<vmem>>, vector<1x16xi32>,
        %get3A_1036 = arith.index_cast %add3A_1024 : i32 to index
        %get3A_1037 = arith.constant 16 : index
        %get3A_1038 = tpu.vector_load %arg5[%get3A_1036, %get3A_1037] {strides = array<i32>} : memref<512x100xi32, #tpu.memory_space<vmem>>, vector<1x16xi32>,
        %get3A_1039 = vector.shape_cast %get3A_1038 : vector<1x16xi32> to vector<16xi32>
        %add3A_1040 = arith.addi %get3A_1039, %get3A_1039 : vector<16xi32>
        %swap3A_1041 = arith.constant 3 : i32
        %swap3A_1042 = arith.index_cast %swap3A_1041 : i32 to index
        %swap3A_1043 = arith.constant 16 : index
        %swap3A_1044 = tpu.vector_load %arg6[%swap3A_1042, %swap3A_1043] {strides = array<i32>} : memref<8x100xi32, #tpu.memory_space<vmem>>, vector<1x16xi32>,
        %swap3A_1045 = vector.shape_cast %swap3A_1044 : vector<1x16xi32> to vector<16xi32>
        %swap3A_1046 = vector.shape_cast %add3A_1040 : vector<16xi32> to vector<1x16xi32>
        tpu.vector_store %arg6[%swap3A_1042, %swap3A_1043], %swap3A_1046 {strides = array<i32>} : memref<8x100xi32, #tpu.memory_space<vmem>>, vector<1x16xi32>,
        %get3A_1047 = arith.index_cast %add3A_1024 : i32 to index
        %get3A_1048 = arith.constant 32 : index
        %get3A_1049 = tpu.vector_load %arg5[%get3A_1047, %get3A_1048] {strides = array<i32>} : memref<512x100xi32, #tpu.memory_space<vmem>>, vector<1x16xi32>,
        %get3A_1050 = vector.shape_cast %get3A_1049 : vector<1x16xi32> to vector<16xi32>
        %add3A_1051 = arith.addi %get3A_1050, %get3A_1050 : vector<16xi32>
        %swap3A_1052 = arith.constant 3 : i32
        %swap3A_1053 = arith.index_cast %swap3A_1052 : i32 to index
        %swap3A_1054 = arith.constant 32 : index
        %swap3A_1055 = tpu.vector_load %arg6[%swap3A_1053, %swap3A_1054] {strides = array<i32>} : memref<8x100xi32, #tpu.memory_space<vmem>>, vector<1x16xi32>,
        %swap3A_1056 = vector.shape_cast %swap3A_1055 : vector<1x16xi32> to vector<16xi32>
        %swap3A_1057 = vector.shape_cast %add3A_1051 : vector<16xi32> to vector<1x16xi32>
        tpu.vector_store %arg6[%swap3A_1053, %swap3A_1054], %swap3A_1057 {strides = array<i32>} : memref<8x100xi32, #tpu.memory_space<vmem>>, vector<1x16xi32>,
        %get3A_1058 = arith.index_cast %add3A_1024 : i32 to index
        %get3A_1059 = arith.constant 48 : index
        %get3A_1060 = tpu.vector_load %arg5[%get3A_1058, %get3A_1059] {strides = array<i32>} : memref<512x100xi32, #tpu.memory_space<vmem>>, vector<1x16xi32>,
        %get3A_1061 = vector.shape_cast %get3A_1060 : vector<1x16xi32> to vector<16xi32>
        %add3A_1062 = arith.addi %get3A_1061, %get3A_1061 : vector<16xi32>
        %swap3A_1063 = arith.constant 3 : i32
        %swap3A_1064 = arith.index_cast %swap3A_1063 : i32 to index
        %swap3A_1065 = arith.constant 48 : index
        %swap3A_1066 = tpu.vector_load %arg6[%swap3A_1064, %swap3A_1065] {strides = array<i32>} : memref<8x100xi32, #tpu.memory_space<vmem>>, vector<1x16xi32>,
        %swap3A_1067 = vector.shape_cast %swap3A_1066 : vector<1x16xi32> to vector<16xi32>
        %swap3A_1068 = vector.shape_cast %add3A_1062 : vector<16xi32> to vector<1x16xi32>
        tpu.vector_store %arg6[%swap3A_1064, %swap3A_1065], %swap3A_1068 {strides = array<i32>} : memref<8x100xi32, #tpu.memory_space<vmem>>, vector<1x16xi32>,
        %get3A_1069 = arith.index_cast %add3A_1024 : i32 to index
        %get3A_1070 = arith.constant 64 : index
        %get3A_1071 = tpu.vector_load %arg5[%get3A_1069, %get3A_1070] {strides = array<i32>} : memref<512x100xi32, #tpu.memory_space<vmem>>, vector<1x16xi32>,
        %get3A_1072 = vector.shape_cast %get3A_1071 : vector<1x16xi32> to vector<16xi32>
        %add3A_1073 = arith.addi %get3A_1072, %get3A_1072 : vector<16xi32>
        %swap3A_1074 = arith.constant 3 : i32
        %swap3A_1075 = arith.index_cast %swap3A_1074 : i32 to index
        %swap3A_1076 = arith.constant 64 : index
        %swap3A_1077 = tpu.vector_load %arg6[%swap3A_1075, %swap3A_1076] {strides = array<i32>} : memref<8x100xi32, #tpu.memory_space<vmem>>, vector<1x16xi32>,
        %swap3A_1078 = vector.shape_cast %swap3A_1077 : vector<1x16xi32> to vector<16xi32>
        %swap3A_1079 = vector.shape_cast %add3A_1073 : vector<16xi32> to vector<1x16xi32>
        tpu.vector_store %arg6[%swap3A_1075, %swap3A_1076], %swap3A_1079 {strides = array<i32>} : memref<8x100xi32, #tpu.memory_space<vmem>>, vector<1x16xi32>,
        %get3A_1080 = arith.index_cast %add3A_1024 : i32 to index
        %get3A_1081 = arith.constant 80 : index
        %get3A_1082 = tpu.vector_load %arg5[%get3A_1080, %get3A_1081] {strides = array<i32>} : memref<512x100xi32, #tpu.memory_space<vmem>>, vector<1x16xi32>,
        %get3A_1083 = vector.shape_cast %get3A_1082 : vector<1x16xi32> to vector<16xi32>
        %add3A_1084 = arith.addi %get3A_1083, %get3A_1083 : vector<16xi32>
        %swap3A_1085 = arith.constant 3 : i32
        %swap3A_1086 = arith.index_cast %swap3A_1085 : i32 to index
        %swap3A_1087 = arith.constant 80 : index
        %swap3A_1088 = tpu.vector_load %arg6[%swap3A_1086, %swap3A_1087] {strides = array<i32>} : memref<8x100xi32, #tpu.memory_space<vmem>>, vector<1x16xi32>,
        %swap3A_1089 = vector.shape_cast %swap3A_1088 : vector<1x16xi32> to vector<16xi32>
        %swap3A_1090 = vector.shape_cast %add3A_1084 : vector<16xi32> to vector<1x16xi32>
        tpu.vector_store %arg6[%swap3A_1086, %swap3A_1087], %swap3A_1090 {strides = array<i32>} : memref<8x100xi32, #tpu.memory_space<vmem>>, vector<1x16xi32>,
        %get3A_1091 = arith.index_cast %add3A_1024 : i32 to index
        %get3A_1092 = arith.constant 84 : index
        %get3A_1093 = tpu.vector_load %arg5[%get3A_1091, %get3A_1092] {strides = array<i32>} : memref<512x100xi32, #tpu.memory_space<vmem>>, vector<1x16xi32>,
        %get3A_1094 = vector.shape_cast %get3A_1093 : vector<1x16xi32> to vector<16xi32>
        %add3A_1095 = arith.addi %get3A_1094, %get3A_1094 : vector<16xi32>
        %swap3A_1096 = arith.constant 3 : i32
        %swap3A_1097 = arith.index_cast %swap3A_1096 : i32 to index
        %swap3A_1098 = arith.constant 84 : index
        %swap3A_1099 = tpu.vector_load %arg6[%swap3A_1097, %swap3A_1098] {strides = array<i32>} : memref<8x100xi32, #tpu.memory_space<vmem>>, vector<1x16xi32>,
        %swap3A_1100 = vector.shape_cast %swap3A_1099 : vector<1x16xi32> to vector<16xi32>
        %swap3A_1101 = vector.shape_cast %add3A_1095 : vector<16xi32> to vector<1x16xi32>
        tpu.vector_store %arg6[%swap3A_1097, %swap3A_1098], %swap3A_1101 {strides = array<i32>} : memref<8x100xi32, #tpu.memory_space<vmem>>, vector<1x16xi32>,
        %add3A_1102 = arith.constant 8 : i32
        %add3A_1103 = arith.addi %add3A_933, %add3A_1102 : i32
        %dma_start3A_1104 = arith.constant 3 : i32
        %dma_start3A_1105 = arith.constant 0 : i32
        %dma_start3A_1106 = tpu.memref_slice %arg6[%dma_start3A_1104, %dma_start3A_1105] : memref<8x100xi32, #tpu.memory_space<vmem>> -> memref<1x100xi32, #tpu.memory_space<vmem>>
        %dma_start3A_1107 = tpu.memref_squeeze %dma_start3A_1106 : memref<1x100xi32, #tpu.memory_space<vmem>> -> memref<100xi32, #tpu.memory_space<vmem>>
        %dma_start3A_1108 = arith.constant 0 : i32
        %dma_start3A_1109 = arith.constant 0 : i32
        %dma_start3A_1110 = tpu.memref_slice %arg3[%dma_start3A_1108, %dma_start3A_1109] : memref<1000000x64xf32, #tpu.memory_space<hbm>> -> memref<1000000x64xf32, #tpu.memory_space<hbm>>
        tpu.enqueue_indirect_dma source(%dma_start3A_1110 : memref<1000000x64xf32, #tpu.memory_space<hbm>>) target(%arg10 : memref<100x64xf32, #tpu.memory_space<vmem>>) offsets(%dma_start3A_1107 : memref<100xi32, #tpu.memory_space<vmem>>) semaphore(%arg18 : memref<!tpu.dma_semaphore, #tpu.memory_space<semaphore_mem>>)
      } else {
      }
      %add3A_950 = arith.constant 4 : i32
      %add3A_951 = arith.addi %mul3A_737, %add3A_950 : i32
      %add3A_952 = arith.addi %mul3A_2, %add3A_951 : i32
      %dma_wait3A_953 = arith.constant 0 : i32
      %dma_wait3A_954 = arith.constant 0 : i32
      %dma_wait3A_955 = tpu.memref_slice %arg4[%add3A_952, %dma_wait3A_953, %dma_wait3A_954] : memref<16384x100x64xf32, #tpu.memory_space<hbm>> -> memref<1x100x64xf32, #tpu.memory_space<hbm>>
      %dma_wait3A_956 = tpu.memref_squeeze %dma_wait3A_955 : memref<1x100x64xf32, #tpu.memory_space<hbm>> -> memref<100x64xf32, #tpu.memory_space<hbm>>
      %dma_wait3A_957 = arith.constant 0 : i32
      %dma_wait3A_958 = arith.constant 0 : i32
      %dma_wait3A_959 = tpu.memref_slice %arg4[%add3A_952, %dma_wait3A_957, %dma_wait3A_958] : memref<16384x100x64xf32, #tpu.memory_space<hbm>> -> memref<1x100x64xf32, #tpu.memory_space<hbm>>
      %dma_wait3A_960 = tpu.memref_squeeze %dma_wait3A_959 : memref<1x100x64xf32, #tpu.memory_space<hbm>> -> memref<100x64xf32, #tpu.memory_space<hbm>>
      tpu.wait_dma2 semaphore(%arg27 : memref<!tpu.dma_semaphore, #tpu.memory_space<semaphore_mem>>) src(%arg11 : memref<100x64xf32, #tpu.memory_space<vmem>>) dst(%dma_wait3A_960 : memref<100x64xf32, #tpu.memory_space<hbm>>)
      %add3A_961 = arith.constant 1 : i32
      %add3A_962 = arith.addi %scan3A_734, %add3A_961 : i32
      %lt3A_963 = arith.constant 64 : i32
      %lt3A_964 = arith.cmpi slt, %add3A_962, %lt3A_963 : i32
      %convert_element_type3A_965 = arith.extui %lt3A_964 : i1 to i32
      %cond3A_966 = arith.constant 0 : i32
      %cond3A_967 = arith.cmpi ne, %convert_element_type3A_965, %cond3A_966 : i32
      scf.if %cond3A_967 {
        %add3A_1023 = arith.constant 8 : i32
        %add3A_1024 = arith.addi %add3A_951, %add3A_1023 : i32
        %get3A_1025 = arith.index_cast %add3A_1024 : i32 to index
        %get3A_1026 = arith.constant 0 : index
        %get3A_1027 = tpu.vector_load %arg5[%get3A_1025, %get3A_1026] {strides = array<i32>} : memref<512x100xi32, #tpu.memory_space<vmem>>, vector<1x16xi32>,
        %get3A_1028 = vector.shape_cast %get3A_1027 : vector<1x16xi32> to vector<16xi32>
        %add3A_1029 = arith.addi %get3A_1028, %get3A_1028 : vector<16xi32>
        %swap3A_1030 = arith.constant 4 : i32
        %swap3A_1031 = arith.index_cast %swap3A_1030 : i32 to index
        %swap3A_1032 = arith.constant 0 : index
        %swap3A_1033 = tpu.vector_load %arg6[%swap3A_1031, %swap3A_1032] {strides = array<i32>} : memref<8x100xi32, #tpu.memory_space<vmem>>, vector<1x16xi32>,
        %swap3A_1034 = vector.shape_cast %swap3A_1033 : vector<1x16xi32> to vector<16xi32>
        %swap3A_1035 = vector.shape_cast %add3A_1029 : vector<16xi32> to vector<1x16xi32>
        tpu.vector_store %arg6[%swap3A_1031, %swap3A_1032], %swap3A_1035 {strides = array<i32>} : memref<8x100xi32, #tpu.memory_space<vmem>>, vector<1x16xi32>,
        %get3A_1036 = arith.index_cast %add3A_1024 : i32 to index
        %get3A_1037 = arith.constant 16 : index
        %get3A_1038 = tpu.vector_load %arg5[%get3A_1036, %get3A_1037] {strides = array<i32>} : memref<512x100xi32, #tpu.memory_space<vmem>>, vector<1x16xi32>,
        %get3A_1039 = vector.shape_cast %get3A_1038 : vector<1x16xi32> to vector<16xi32>
        %add3A_1040 = arith.addi %get3A_1039, %get3A_1039 : vector<16xi32>
        %swap3A_1041 = arith.constant 4 : i32
        %swap3A_1042 = arith.index_cast %swap3A_1041 : i32 to index
        %swap3A_1043 = arith.constant 16 : index
        %swap3A_1044 = tpu.vector_load %arg6[%swap3A_1042, %swap3A_1043] {strides = array<i32>} : memref<8x100xi32, #tpu.memory_space<vmem>>, vector<1x16xi32>,
        %swap3A_1045 = vector.shape_cast %swap3A_1044 : vector<1x16xi32> to vector<16xi32>
        %swap3A_1046 = vector.shape_cast %add3A_1040 : vector<16xi32> to vector<1x16xi32>
        tpu.vector_store %arg6[%swap3A_1042, %swap3A_1043], %swap3A_1046 {strides = array<i32>} : memref<8x100xi32, #tpu.memory_space<vmem>>, vector<1x16xi32>,
        %get3A_1047 = arith.index_cast %add3A_1024 : i32 to index
        %get3A_1048 = arith.constant 32 : index
        %get3A_1049 = tpu.vector_load %arg5[%get3A_1047, %get3A_1048] {strides = array<i32>} : memref<512x100xi32, #tpu.memory_space<vmem>>, vector<1x16xi32>,
        %get3A_1050 = vector.shape_cast %get3A_1049 : vector<1x16xi32> to vector<16xi32>
        %add3A_1051 = arith.addi %get3A_1050, %get3A_1050 : vector<16xi32>
        %swap3A_1052 = arith.constant 4 : i32
        %swap3A_1053 = arith.index_cast %swap3A_1052 : i32 to index
        %swap3A_1054 = arith.constant 32 : index
        %swap3A_1055 = tpu.vector_load %arg6[%swap3A_1053, %swap3A_1054] {strides = array<i32>} : memref<8x100xi32, #tpu.memory_space<vmem>>, vector<1x16xi32>,
        %swap3A_1056 = vector.shape_cast %swap3A_1055 : vector<1x16xi32> to vector<16xi32>
        %swap3A_1057 = vector.shape_cast %add3A_1051 : vector<16xi32> to vector<1x16xi32>
        tpu.vector_store %arg6[%swap3A_1053, %swap3A_1054], %swap3A_1057 {strides = array<i32>} : memref<8x100xi32, #tpu.memory_space<vmem>>, vector<1x16xi32>,
        %get3A_1058 = arith.index_cast %add3A_1024 : i32 to index
        %get3A_1059 = arith.constant 48 : index
        %get3A_1060 = tpu.vector_load %arg5[%get3A_1058, %get3A_1059] {strides = array<i32>} : memref<512x100xi32, #tpu.memory_space<vmem>>, vector<1x16xi32>,
        %get3A_1061 = vector.shape_cast %get3A_1060 : vector<1x16xi32> to vector<16xi32>
        %add3A_1062 = arith.addi %get3A_1061, %get3A_1061 : vector<16xi32>
        %swap3A_1063 = arith.constant 4 : i32
        %swap3A_1064 = arith.index_cast %swap3A_1063 : i32 to index
        %swap3A_1065 = arith.constant 48 : index
        %swap3A_1066 = tpu.vector_load %arg6[%swap3A_1064, %swap3A_1065] {strides = array<i32>} : memref<8x100xi32, #tpu.memory_space<vmem>>, vector<1x16xi32>,
        %swap3A_1067 = vector.shape_cast %swap3A_1066 : vector<1x16xi32> to vector<16xi32>
        %swap3A_1068 = vector.shape_cast %add3A_1062 : vector<16xi32> to vector<1x16xi32>
        tpu.vector_store %arg6[%swap3A_1064, %swap3A_1065], %swap3A_1068 {strides = array<i32>} : memref<8x100xi32, #tpu.memory_space<vmem>>, vector<1x16xi32>,
        %get3A_1069 = arith.index_cast %add3A_1024 : i32 to index
        %get3A_1070 = arith.constant 64 : index
        %get3A_1071 = tpu.vector_load %arg5[%get3A_1069, %get3A_1070] {strides = array<i32>} : memref<512x100xi32, #tpu.memory_space<vmem>>, vector<1x16xi32>,
        %get3A_1072 = vector.shape_cast %get3A_1071 : vector<1x16xi32> to vector<16xi32>
        %add3A_1073 = arith.addi %get3A_1072, %get3A_1072 : vector<16xi32>
        %swap3A_1074 = arith.constant 4 : i32
        %swap3A_1075 = arith.index_cast %swap3A_1074 : i32 to index
        %swap3A_1076 = arith.constant 64 : index
        %swap3A_1077 = tpu.vector_load %arg6[%swap3A_1075, %swap3A_1076] {strides = array<i32>} : memref<8x100xi32, #tpu.memory_space<vmem>>, vector<1x16xi32>,
        %swap3A_1078 = vector.shape_cast %swap3A_1077 : vector<1x16xi32> to vector<16xi32>
        %swap3A_1079 = vector.shape_cast %add3A_1073 : vector<16xi32> to vector<1x16xi32>
        tpu.vector_store %arg6[%swap3A_1075, %swap3A_1076], %swap3A_1079 {strides = array<i32>} : memref<8x100xi32, #tpu.memory_space<vmem>>, vector<1x16xi32>,
        %get3A_1080 = arith.index_cast %add3A_1024 : i32 to index
        %get3A_1081 = arith.constant 80 : index
        %get3A_1082 = tpu.vector_load %arg5[%get3A_1080, %get3A_1081] {strides = array<i32>} : memref<512x100xi32, #tpu.memory_space<vmem>>, vector<1x16xi32>,
        %get3A_1083 = vector.shape_cast %get3A_1082 : vector<1x16xi32> to vector<16xi32>
        %add3A_1084 = arith.addi %get3A_1083, %get3A_1083 : vector<16xi32>
        %swap3A_1085 = arith.constant 4 : i32
        %swap3A_1086 = arith.index_cast %swap3A_1085 : i32 to index
        %swap3A_1087 = arith.constant 80 : index
        %swap3A_1088 = tpu.vector_load %arg6[%swap3A_1086, %swap3A_1087] {strides = array<i32>} : memref<8x100xi32, #tpu.memory_space<vmem>>, vector<1x16xi32>,
        %swap3A_1089 = vector.shape_cast %swap3A_1088 : vector<1x16xi32> to vector<16xi32>
        %swap3A_1090 = vector.shape_cast %add3A_1084 : vector<16xi32> to vector<1x16xi32>
        tpu.vector_store %arg6[%swap3A_1086, %swap3A_1087], %swap3A_1090 {strides = array<i32>} : memref<8x100xi32, #tpu.memory_space<vmem>>, vector<1x16xi32>,
        %get3A_1091 = arith.index_cast %add3A_1024 : i32 to index
        %get3A_1092 = arith.constant 84 : index
        %get3A_1093 = tpu.vector_load %arg5[%get3A_1091, %get3A_1092] {strides = array<i32>} : memref<512x100xi32, #tpu.memory_space<vmem>>, vector<1x16xi32>,
        %get3A_1094 = vector.shape_cast %get3A_1093 : vector<1x16xi32> to vector<16xi32>
        %add3A_1095 = arith.addi %get3A_1094, %get3A_1094 : vector<16xi32>
        %swap3A_1096 = arith.constant 4 : i32
        %swap3A_1097 = arith.index_cast %swap3A_1096 : i32 to index
        %swap3A_1098 = arith.constant 84 : index
        %swap3A_1099 = tpu.vector_load %arg6[%swap3A_1097, %swap3A_1098] {strides = array<i32>} : memref<8x100xi32, #tpu.memory_space<vmem>>, vector<1x16xi32>,
        %swap3A_1100 = vector.shape_cast %swap3A_1099 : vector<1x16xi32> to vector<16xi32>
        %swap3A_1101 = vector.shape_cast %add3A_1095 : vector<16xi32> to vector<1x16xi32>
        tpu.vector_store %arg6[%swap3A_1097, %swap3A_1098], %swap3A_1101 {strides = array<i32>} : memref<8x100xi32, #tpu.memory_space<vmem>>, vector<1x16xi32>,
        %add3A_1102 = arith.constant 8 : i32
        %add3A_1103 = arith.addi %add3A_951, %add3A_1102 : i32
        %dma_start3A_1104 = arith.constant 4 : i32
        %dma_start3A_1105 = arith.constant 0 : i32
        %dma_start3A_1106 = tpu.memref_slice %arg6[%dma_start3A_1104, %dma_start3A_1105] : memref<8x100xi32, #tpu.memory_space<vmem>> -> memref<1x100xi32, #tpu.memory_space<vmem>>
        %dma_start3A_1107 = tpu.memref_squeeze %dma_start3A_1106 : memref<1x100xi32, #tpu.memory_space<vmem>> -> memref<100xi32, #tpu.memory_space<vmem>>
        %dma_start3A_1108 = arith.constant 0 : i32
        %dma_start3A_1109 = arith.constant 0 : i32
        %dma_start3A_1110 = tpu.memref_slice %arg3[%dma_start3A_1108, %dma_start3A_1109] : memref<1000000x64xf32, #tpu.memory_space<hbm>> -> memref<1000000x64xf32, #tpu.memory_space<hbm>>
        tpu.enqueue_indirect_dma source(%dma_start3A_1110 : memref<1000000x64xf32, #tpu.memory_space<hbm>>) target(%arg11 : memref<100x64xf32, #tpu.memory_space<vmem>>) offsets(%dma_start3A_1107 : memref<100xi32, #tpu.memory_space<vmem>>) semaphore(%arg19 : memref<!tpu.dma_semaphore, #tpu.memory_space<semaphore_mem>>)
      } else {
      }
      %add3A_968 = arith.constant 5 : i32
      %add3A_969 = arith.addi %mul3A_737, %add3A_968 : i32
      %add3A_970 = arith.addi %mul3A_2, %add3A_969 : i32
      %dma_wait3A_971 = arith.constant 0 : i32
      %dma_wait3A_972 = arith.constant 0 : i32
      %dma_wait3A_973 = tpu.memref_slice %arg4[%add3A_970, %dma_wait3A_971, %dma_wait3A_972] : memref<16384x100x64xf32, #tpu.memory_space<hbm>> -> memref<1x100x64xf32, #tpu.memory_space<hbm>>
      %dma_wait3A_974 = tpu.memref_squeeze %dma_wait3A_973 : memref<1x100x64xf32, #tpu.memory_space<hbm>> -> memref<100x64xf32, #tpu.memory_space<hbm>>
      %dma_wait3A_975 = arith.constant 0 : i32
      %dma_wait3A_976 = arith.constant 0 : i32
      %dma_wait3A_977 = tpu.memref_slice %arg4[%add3A_970, %dma_wait3A_975, %dma_wait3A_976] : memref<16384x100x64xf32, #tpu.memory_space<hbm>> -> memref<1x100x64xf32, #tpu.memory_space<hbm>>
      %dma_wait3A_978 = tpu.memref_squeeze %dma_wait3A_977 : memref<1x100x64xf32, #tpu.memory_space<hbm>> -> memref<100x64xf32, #tpu.memory_space<hbm>>
      tpu.wait_dma2 semaphore(%arg28 : memref<!tpu.dma_semaphore, #tpu.memory_space<semaphore_mem>>) src(%arg12 : memref<100x64xf32, #tpu.memory_space<vmem>>) dst(%dma_wait3A_978 : memref<100x64xf32, #tpu.memory_space<hbm>>)
      %add3A_979 = arith.constant 1 : i32
      %add3A_980 = arith.addi %scan3A_734, %add3A_979 : i32
      %lt3A_981 = arith.constant 64 : i32
      %lt3A_982 = arith.cmpi slt, %add3A_980, %lt3A_981 : i32
      %convert_element_type3A_983 = arith.extui %lt3A_982 : i1 to i32
      %cond3A_984 = arith.constant 0 : i32
      %cond3A_985 = arith.cmpi ne, %convert_element_type3A_983, %cond3A_984 : i32
      scf.if %cond3A_985 {
        %add3A_1023 = arith.constant 8 : i32
        %add3A_1024 = arith.addi %add3A_969, %add3A_1023 : i32
        %get3A_1025 = arith.index_cast %add3A_1024 : i32 to index
        %get3A_1026 = arith.constant 0 : index
        %get3A_1027 = tpu.vector_load %arg5[%get3A_1025, %get3A_1026] {strides = array<i32>} : memref<512x100xi32, #tpu.memory_space<vmem>>, vector<1x16xi32>,
        %get3A_1028 = vector.shape_cast %get3A_1027 : vector<1x16xi32> to vector<16xi32>
        %add3A_1029 = arith.addi %get3A_1028, %get3A_1028 : vector<16xi32>
        %swap3A_1030 = arith.constant 5 : i32
        %swap3A_1031 = arith.index_cast %swap3A_1030 : i32 to index
        %swap3A_1032 = arith.constant 0 : index
        %swap3A_1033 = tpu.vector_load %arg6[%swap3A_1031, %swap3A_1032] {strides = array<i32>} : memref<8x100xi32, #tpu.memory_space<vmem>>, vector<1x16xi32>,
        %swap3A_1034 = vector.shape_cast %swap3A_1033 : vector<1x16xi32> to vector<16xi32>
        %swap3A_1035 = vector.shape_cast %add3A_1029 : vector<16xi32> to vector<1x16xi32>
        tpu.vector_store %arg6[%swap3A_1031, %swap3A_1032], %swap3A_1035 {strides = array<i32>} : memref<8x100xi32, #tpu.memory_space<vmem>>, vector<1x16xi32>,
        %get3A_1036 = arith.index_cast %add3A_1024 : i32 to index
        %get3A_1037 = arith.constant 16 : index
        %get3A_1038 = tpu.vector_load %arg5[%get3A_1036, %get3A_1037] {strides = array<i32>} : memref<512x100xi32, #tpu.memory_space<vmem>>, vector<1x16xi32>,
        %get3A_1039 = vector.shape_cast %get3A_1038 : vector<1x16xi32> to vector<16xi32>
        %add3A_1040 = arith.addi %get3A_1039, %get3A_1039 : vector<16xi32>
        %swap3A_1041 = arith.constant 5 : i32
        %swap3A_1042 = arith.index_cast %swap3A_1041 : i32 to index
        %swap3A_1043 = arith.constant 16 : index
        %swap3A_1044 = tpu.vector_load %arg6[%swap3A_1042, %swap3A_1043] {strides = array<i32>} : memref<8x100xi32, #tpu.memory_space<vmem>>, vector<1x16xi32>,
        %swap3A_1045 = vector.shape_cast %swap3A_1044 : vector<1x16xi32> to vector<16xi32>
        %swap3A_1046 = vector.shape_cast %add3A_1040 : vector<16xi32> to vector<1x16xi32>
        tpu.vector_store %arg6[%swap3A_1042, %swap3A_1043], %swap3A_1046 {strides = array<i32>} : memref<8x100xi32, #tpu.memory_space<vmem>>, vector<1x16xi32>,
        %get3A_1047 = arith.index_cast %add3A_1024 : i32 to index
        %get3A_1048 = arith.constant 32 : index
        %get3A_1049 = tpu.vector_load %arg5[%get3A_1047, %get3A_1048] {strides = array<i32>} : memref<512x100xi32, #tpu.memory_space<vmem>>, vector<1x16xi32>,
        %get3A_1050 = vector.shape_cast %get3A_1049 : vector<1x16xi32> to vector<16xi32>
        %add3A_1051 = arith.addi %get3A_1050, %get3A_1050 : vector<16xi32>
        %swap3A_1052 = arith.constant 5 : i32
        %swap3A_1053 = arith.index_cast %swap3A_1052 : i32 to index
        %swap3A_1054 = arith.constant 32 : index
        %swap3A_1055 = tpu.vector_load %arg6[%swap3A_1053, %swap3A_1054] {strides = array<i32>} : memref<8x100xi32, #tpu.memory_space<vmem>>, vector<1x16xi32>,
        %swap3A_1056 = vector.shape_cast %swap3A_1055 : vector<1x16xi32> to vector<16xi32>
        %swap3A_1057 = vector.shape_cast %add3A_1051 : vector<16xi32> to vector<1x16xi32>
        tpu.vector_store %arg6[%swap3A_1053, %swap3A_1054], %swap3A_1057 {strides = array<i32>} : memref<8x100xi32, #tpu.memory_space<vmem>>, vector<1x16xi32>,
        %get3A_1058 = arith.index_cast %add3A_1024 : i32 to index
        %get3A_1059 = arith.constant 48 : index
        %get3A_1060 = tpu.vector_load %arg5[%get3A_1058, %get3A_1059] {strides = array<i32>} : memref<512x100xi32, #tpu.memory_space<vmem>>, vector<1x16xi32>,
        %get3A_1061 = vector.shape_cast %get3A_1060 : vector<1x16xi32> to vector<16xi32>
        %add3A_1062 = arith.addi %get3A_1061, %get3A_1061 : vector<16xi32>
        %swap3A_1063 = arith.constant 5 : i32
        %swap3A_1064 = arith.index_cast %swap3A_1063 : i32 to index
        %swap3A_1065 = arith.constant 48 : index
        %swap3A_1066 = tpu.vector_load %arg6[%swap3A_1064, %swap3A_1065] {strides = array<i32>} : memref<8x100xi32, #tpu.memory_space<vmem>>, vector<1x16xi32>,
        %swap3A_1067 = vector.shape_cast %swap3A_1066 : vector<1x16xi32> to vector<16xi32>
        %swap3A_1068 = vector.shape_cast %add3A_1062 : vector<16xi32> to vector<1x16xi32>
        tpu.vector_store %arg6[%swap3A_1064, %swap3A_1065], %swap3A_1068 {strides = array<i32>} : memref<8x100xi32, #tpu.memory_space<vmem>>, vector<1x16xi32>,
        %get3A_1069 = arith.index_cast %add3A_1024 : i32 to index
        %get3A_1070 = arith.constant 64 : index
        %get3A_1071 = tpu.vector_load %arg5[%get3A_1069, %get3A_1070] {strides = array<i32>} : memref<512x100xi32, #tpu.memory_space<vmem>>, vector<1x16xi32>,
        %get3A_1072 = vector.shape_cast %get3A_1071 : vector<1x16xi32> to vector<16xi32>
        %add3A_1073 = arith.addi %get3A_1072, %get3A_1072 : vector<16xi32>
        %swap3A_1074 = arith.constant 5 : i32
        %swap3A_1075 = arith.index_cast %swap3A_1074 : i32 to index
        %swap3A_1076 = arith.constant 64 : index
        %swap3A_1077 = tpu.vector_load %arg6[%swap3A_1075, %swap3A_1076] {strides = array<i32>} : memref<8x100xi32, #tpu.memory_space<vmem>>, vector<1x16xi32>,
        %swap3A_1078 = vector.shape_cast %swap3A_1077 : vector<1x16xi32> to vector<16xi32>
        %swap3A_1079 = vector.shape_cast %add3A_1073 : vector<16xi32> to vector<1x16xi32>
        tpu.vector_store %arg6[%swap3A_1075, %swap3A_1076], %swap3A_1079 {strides = array<i32>} : memref<8x100xi32, #tpu.memory_space<vmem>>, vector<1x16xi32>,
        %get3A_1080 = arith.index_cast %add3A_1024 : i32 to index
        %get3A_1081 = arith.constant 80 : index
        %get3A_1082 = tpu.vector_load %arg5[%get3A_1080, %get3A_1081] {strides = array<i32>} : memref<512x100xi32, #tpu.memory_space<vmem>>, vector<1x16xi32>,
        %get3A_1083 = vector.shape_cast %get3A_1082 : vector<1x16xi32> to vector<16xi32>
        %add3A_1084 = arith.addi %get3A_1083, %get3A_1083 : vector<16xi32>
        %swap3A_1085 = arith.constant 5 : i32
        %swap3A_1086 = arith.index_cast %swap3A_1085 : i32 to index
        %swap3A_1087 = arith.constant 80 : index
        %swap3A_1088 = tpu.vector_load %arg6[%swap3A_1086, %swap3A_1087] {strides = array<i32>} : memref<8x100xi32, #tpu.memory_space<vmem>>, vector<1x16xi32>,
        %swap3A_1089 = vector.shape_cast %swap3A_1088 : vector<1x16xi32> to vector<16xi32>
        %swap3A_1090 = vector.shape_cast %add3A_1084 : vector<16xi32> to vector<1x16xi32>
        tpu.vector_store %arg6[%swap3A_1086, %swap3A_1087], %swap3A_1090 {strides = array<i32>} : memref<8x100xi32, #tpu.memory_space<vmem>>, vector<1x16xi32>,
        %get3A_1091 = arith.index_cast %add3A_1024 : i32 to index
        %get3A_1092 = arith.constant 84 : index
        %get3A_1093 = tpu.vector_load %arg5[%get3A_1091, %get3A_1092] {strides = array<i32>} : memref<512x100xi32, #tpu.memory_space<vmem>>, vector<1x16xi32>,
        %get3A_1094 = vector.shape_cast %get3A_1093 : vector<1x16xi32> to vector<16xi32>
        %add3A_1095 = arith.addi %get3A_1094, %get3A_1094 : vector<16xi32>
        %swap3A_1096 = arith.constant 5 : i32
        %swap3A_1097 = arith.index_cast %swap3A_1096 : i32 to index
        %swap3A_1098 = arith.constant 84 : index
        %swap3A_1099 = tpu.vector_load %arg6[%swap3A_1097, %swap3A_1098] {strides = array<i32>} : memref<8x100xi32, #tpu.memory_space<vmem>>, vector<1x16xi32>,
        %swap3A_1100 = vector.shape_cast %swap3A_1099 : vector<1x16xi32> to vector<16xi32>
        %swap3A_1101 = vector.shape_cast %add3A_1095 : vector<16xi32> to vector<1x16xi32>
        tpu.vector_store %arg6[%swap3A_1097, %swap3A_1098], %swap3A_1101 {strides = array<i32>} : memref<8x100xi32, #tpu.memory_space<vmem>>, vector<1x16xi32>,
        %add3A_1102 = arith.constant 8 : i32
        %add3A_1103 = arith.addi %add3A_969, %add3A_1102 : i32
        %dma_start3A_1104 = arith.constant 5 : i32
        %dma_start3A_1105 = arith.constant 0 : i32
        %dma_start3A_1106 = tpu.memref_slice %arg6[%dma_start3A_1104, %dma_start3A_1105] : memref<8x100xi32, #tpu.memory_space<vmem>> -> memref<1x100xi32, #tpu.memory_space<vmem>>
        %dma_start3A_1107 = tpu.memref_squeeze %dma_start3A_1106 : memref<1x100xi32, #tpu.memory_space<vmem>> -> memref<100xi32, #tpu.memory_space<vmem>>
        %dma_start3A_1108 = arith.constant 0 : i32
        %dma_start3A_1109 = arith.constant 0 : i32
        %dma_start3A_1110 = tpu.memref_slice %arg3[%dma_start3A_1108, %dma_start3A_1109] : memref<1000000x64xf32, #tpu.memory_space<hbm>> -> memref<1000000x64xf32, #tpu.memory_space<hbm>>
        tpu.enqueue_indirect_dma source(%dma_start3A_1110 : memref<1000000x64xf32, #tpu.memory_space<hbm>>) target(%arg12 : memref<100x64xf32, #tpu.memory_space<vmem>>) offsets(%dma_start3A_1107 : memref<100xi32, #tpu.memory_space<vmem>>) semaphore(%arg20 : memref<!tpu.dma_semaphore, #tpu.memory_space<semaphore_mem>>)
      } else {
      }
      %add3A_986 = arith.constant 6 : i32
      %add3A_987 = arith.addi %mul3A_737, %add3A_986 : i32
      %add3A_988 = arith.addi %mul3A_2, %add3A_987 : i32
      %dma_wait3A_989 = arith.constant 0 : i32
      %dma_wait3A_990 = arith.constant 0 : i32
      %dma_wait3A_991 = tpu.memref_slice %arg4[%add3A_988, %dma_wait3A_989, %dma_wait3A_990] : memref<16384x100x64xf32, #tpu.memory_space<hbm>> -> memref<1x100x64xf32, #tpu.memory_space<hbm>>
      %dma_wait3A_992 = tpu.memref_squeeze %dma_wait3A_991 : memref<1x100x64xf32, #tpu.memory_space<hbm>> -> memref<100x64xf32, #tpu.memory_space<hbm>>
      %dma_wait3A_993 = arith.constant 0 : i32
      %dma_wait3A_994 = arith.constant 0 : i32
      %dma_wait3A_995 = tpu.memref_slice %arg4[%add3A_988, %dma_wait3A_993, %dma_wait3A_994] : memref<16384x100x64xf32, #tpu.memory_space<hbm>> -> memref<1x100x64xf32, #tpu.memory_space<hbm>>
      %dma_wait3A_996 = tpu.memref_squeeze %dma_wait3A_995 : memref<1x100x64xf32, #tpu.memory_space<hbm>> -> memref<100x64xf32, #tpu.memory_space<hbm>>
      tpu.wait_dma2 semaphore(%arg29 : memref<!tpu.dma_semaphore, #tpu.memory_space<semaphore_mem>>) src(%arg13 : memref<100x64xf32, #tpu.memory_space<vmem>>) dst(%dma_wait3A_996 : memref<100x64xf32, #tpu.memory_space<hbm>>)
      %add3A_997 = arith.constant 1 : i32
      %add3A_998 = arith.addi %scan3A_734, %add3A_997 : i32
      %lt3A_999 = arith.constant 64 : i32
      %lt3A_1000 = arith.cmpi slt, %add3A_998, %lt3A_999 : i32
      %convert_element_type3A_1001 = arith.extui %lt3A_1000 : i1 to i32
      %cond3A_1002 = arith.constant 0 : i32
      %cond3A_1003 = arith.cmpi ne, %convert_element_type3A_1001, %cond3A_1002 : i32
      scf.if %cond3A_1003 {
        %add3A_1023 = arith.constant 8 : i32
        %add3A_1024 = arith.addi %add3A_987, %add3A_1023 : i32
        %get3A_1025 = arith.index_cast %add3A_1024 : i32 to index
        %get3A_1026 = arith.constant 0 : index
        %get3A_1027 = tpu.vector_load %arg5[%get3A_1025, %get3A_1026] {strides = array<i32>} : memref<512x100xi32, #tpu.memory_space<vmem>>, vector<1x16xi32>,
        %get3A_1028 = vector.shape_cast %get3A_1027 : vector<1x16xi32> to vector<16xi32>
        %add3A_1029 = arith.addi %get3A_1028, %get3A_1028 : vector<16xi32>
        %swap3A_1030 = arith.constant 6 : i32
        %swap3A_1031 = arith.index_cast %swap3A_1030 : i32 to index
        %swap3A_1032 = arith.constant 0 : index
        %swap3A_1033 = tpu.vector_load %arg6[%swap3A_1031, %swap3A_1032] {strides = array<i32>} : memref<8x100xi32, #tpu.memory_space<vmem>>, vector<1x16xi32>,
        %swap3A_1034 = vector.shape_cast %swap3A_1033 : vector<1x16xi32> to vector<16xi32>
        %swap3A_1035 = vector.shape_cast %add3A_1029 : vector<16xi32> to vector<1x16xi32>
        tpu.vector_store %arg6[%swap3A_1031, %swap3A_1032], %swap3A_1035 {strides = array<i32>} : memref<8x100xi32, #tpu.memory_space<vmem>>, vector<1x16xi32>,
        %get3A_1036 = arith.index_cast %add3A_1024 : i32 to index
        %get3A_1037 = arith.constant 16 : index
        %get3A_1038 = tpu.vector_load %arg5[%get3A_1036, %get3A_1037] {strides = array<i32>} : memref<512x100xi32, #tpu.memory_space<vmem>>, vector<1x16xi32>,
        %get3A_1039 = vector.shape_cast %get3A_1038 : vector<1x16xi32> to vector<16xi32>
        %add3A_1040 = arith.addi %get3A_1039, %get3A_1039 : vector<16xi32>
        %swap3A_1041 = arith.constant 6 : i32
        %swap3A_1042 = arith.index_cast %swap3A_1041 : i32 to index
        %swap3A_1043 = arith.constant 16 : index
        %swap3A_1044 = tpu.vector_load %arg6[%swap3A_1042, %swap3A_1043] {strides = array<i32>} : memref<8x100xi32, #tpu.memory_space<vmem>>, vector<1x16xi32>,
        %swap3A_1045 = vector.shape_cast %swap3A_1044 : vector<1x16xi32> to vector<16xi32>
        %swap3A_1046 = vector.shape_cast %add3A_1040 : vector<16xi32> to vector<1x16xi32>
        tpu.vector_store %arg6[%swap3A_1042, %swap3A_1043], %swap3A_1046 {strides = array<i32>} : memref<8x100xi32, #tpu.memory_space<vmem>>, vector<1x16xi32>,
        %get3A_1047 = arith.index_cast %add3A_1024 : i32 to index
        %get3A_1048 = arith.constant 32 : index
        %get3A_1049 = tpu.vector_load %arg5[%get3A_1047, %get3A_1048] {strides = array<i32>} : memref<512x100xi32, #tpu.memory_space<vmem>>, vector<1x16xi32>,
        %get3A_1050 = vector.shape_cast %get3A_1049 : vector<1x16xi32> to vector<16xi32>
        %add3A_1051 = arith.addi %get3A_1050, %get3A_1050 : vector<16xi32>
        %swap3A_1052 = arith.constant 6 : i32
        %swap3A_1053 = arith.index_cast %swap3A_1052 : i32 to index
        %swap3A_1054 = arith.constant 32 : index
        %swap3A_1055 = tpu.vector_load %arg6[%swap3A_1053, %swap3A_1054] {strides = array<i32>} : memref<8x100xi32, #tpu.memory_space<vmem>>, vector<1x16xi32>,
        %swap3A_1056 = vector.shape_cast %swap3A_1055 : vector<1x16xi32> to vector<16xi32>
        %swap3A_1057 = vector.shape_cast %add3A_1051 : vector<16xi32> to vector<1x16xi32>
        tpu.vector_store %arg6[%swap3A_1053, %swap3A_1054], %swap3A_1057 {strides = array<i32>} : memref<8x100xi32, #tpu.memory_space<vmem>>, vector<1x16xi32>,
        %get3A_1058 = arith.index_cast %add3A_1024 : i32 to index
        %get3A_1059 = arith.constant 48 : index
        %get3A_1060 = tpu.vector_load %arg5[%get3A_1058, %get3A_1059] {strides = array<i32>} : memref<512x100xi32, #tpu.memory_space<vmem>>, vector<1x16xi32>,
        %get3A_1061 = vector.shape_cast %get3A_1060 : vector<1x16xi32> to vector<16xi32>
        %add3A_1062 = arith.addi %get3A_1061, %get3A_1061 : vector<16xi32>
        %swap3A_1063 = arith.constant 6 : i32
        %swap3A_1064 = arith.index_cast %swap3A_1063 : i32 to index
        %swap3A_1065 = arith.constant 48 : index
        %swap3A_1066 = tpu.vector_load %arg6[%swap3A_1064, %swap3A_1065] {strides = array<i32>} : memref<8x100xi32, #tpu.memory_space<vmem>>, vector<1x16xi32>,
        %swap3A_1067 = vector.shape_cast %swap3A_1066 : vector<1x16xi32> to vector<16xi32>
        %swap3A_1068 = vector.shape_cast %add3A_1062 : vector<16xi32> to vector<1x16xi32>
        tpu.vector_store %arg6[%swap3A_1064, %swap3A_1065], %swap3A_1068 {strides = array<i32>} : memref<8x100xi32, #tpu.memory_space<vmem>>, vector<1x16xi32>,
        %get3A_1069 = arith.index_cast %add3A_1024 : i32 to index
        %get3A_1070 = arith.constant 64 : index
        %get3A_1071 = tpu.vector_load %arg5[%get3A_1069, %get3A_1070] {strides = array<i32>} : memref<512x100xi32, #tpu.memory_space<vmem>>, vector<1x16xi32>,
        %get3A_1072 = vector.shape_cast %get3A_1071 : vector<1x16xi32> to vector<16xi32>
        %add3A_1073 = arith.addi %get3A_1072, %get3A_1072 : vector<16xi32>
        %swap3A_1074 = arith.constant 6 : i32
        %swap3A_1075 = arith.index_cast %swap3A_1074 : i32 to index
        %swap3A_1076 = arith.constant 64 : index
        %swap3A_1077 = tpu.vector_load %arg6[%swap3A_1075, %swap3A_1076] {strides = array<i32>} : memref<8x100xi32, #tpu.memory_space<vmem>>, vector<1x16xi32>,
        %swap3A_1078 = vector.shape_cast %swap3A_1077 : vector<1x16xi32> to vector<16xi32>
        %swap3A_1079 = vector.shape_cast %add3A_1073 : vector<16xi32> to vector<1x16xi32>
        tpu.vector_store %arg6[%swap3A_1075, %swap3A_1076], %swap3A_1079 {strides = array<i32>} : memref<8x100xi32, #tpu.memory_space<vmem>>, vector<1x16xi32>,
        %get3A_1080 = arith.index_cast %add3A_1024 : i32 to index
        %get3A_1081 = arith.constant 80 : index
        %get3A_1082 = tpu.vector_load %arg5[%get3A_1080, %get3A_1081] {strides = array<i32>} : memref<512x100xi32, #tpu.memory_space<vmem>>, vector<1x16xi32>,
        %get3A_1083 = vector.shape_cast %get3A_1082 : vector<1x16xi32> to vector<16xi32>
        %add3A_1084 = arith.addi %get3A_1083, %get3A_1083 : vector<16xi32>
        %swap3A_1085 = arith.constant 6 : i32
        %swap3A_1086 = arith.index_cast %swap3A_1085 : i32 to index
        %swap3A_1087 = arith.constant 80 : index
        %swap3A_1088 = tpu.vector_load %arg6[%swap3A_1086, %swap3A_1087] {strides = array<i32>} : memref<8x100xi32, #tpu.memory_space<vmem>>, vector<1x16xi32>,
        %swap3A_1089 = vector.shape_cast %swap3A_1088 : vector<1x16xi32> to vector<16xi32>
        %swap3A_1090 = vector.shape_cast %add3A_1084 : vector<16xi32> to vector<1x16xi32>
        tpu.vector_store %arg6[%swap3A_1086, %swap3A_1087], %swap3A_1090 {strides = array<i32>} : memref<8x100xi32, #tpu.memory_space<vmem>>, vector<1x16xi32>,
        %get3A_1091 = arith.index_cast %add3A_1024 : i32 to index
        %get3A_1092 = arith.constant 84 : index
        %get3A_1093 = tpu.vector_load %arg5[%get3A_1091, %get3A_1092] {strides = array<i32>} : memref<512x100xi32, #tpu.memory_space<vmem>>, vector<1x16xi32>,
        %get3A_1094 = vector.shape_cast %get3A_1093 : vector<1x16xi32> to vector<16xi32>
        %add3A_1095 = arith.addi %get3A_1094, %get3A_1094 : vector<16xi32>
        %swap3A_1096 = arith.constant 6 : i32
        %swap3A_1097 = arith.index_cast %swap3A_1096 : i32 to index
        %swap3A_1098 = arith.constant 84 : index
        %swap3A_1099 = tpu.vector_load %arg6[%swap3A_1097, %swap3A_1098] {strides = array<i32>} : memref<8x100xi32, #tpu.memory_space<vmem>>, vector<1x16xi32>,
        %swap3A_1100 = vector.shape_cast %swap3A_1099 : vector<1x16xi32> to vector<16xi32>
        %swap3A_1101 = vector.shape_cast %add3A_1095 : vector<16xi32> to vector<1x16xi32>
        tpu.vector_store %arg6[%swap3A_1097, %swap3A_1098], %swap3A_1101 {strides = array<i32>} : memref<8x100xi32, #tpu.memory_space<vmem>>, vector<1x16xi32>,
        %add3A_1102 = arith.constant 8 : i32
        %add3A_1103 = arith.addi %add3A_987, %add3A_1102 : i32
        %dma_start3A_1104 = arith.constant 6 : i32
        %dma_start3A_1105 = arith.constant 0 : i32
        %dma_start3A_1106 = tpu.memref_slice %arg6[%dma_start3A_1104, %dma_start3A_1105] : memref<8x100xi32, #tpu.memory_space<vmem>> -> memref<1x100xi32, #tpu.memory_space<vmem>>
        %dma_start3A_1107 = tpu.memref_squeeze %dma_start3A_1106 : memref<1x100xi32, #tpu.memory_space<vmem>> -> memref<100xi32, #tpu.memory_space<vmem>>
        %dma_start3A_1108 = arith.constant 0 : i32
        %dma_start3A_1109 = arith.constant 0 : i32
        %dma_start3A_1110 = tpu.memref_slice %arg3[%dma_start3A_1108, %dma_start3A_1109] : memref<1000000x64xf32, #tpu.memory_space<hbm>> -> memref<1000000x64xf32, #tpu.memory_space<hbm>>
        tpu.enqueue_indirect_dma source(%dma_start3A_1110 : memref<1000000x64xf32, #tpu.memory_space<hbm>>) target(%arg13 : memref<100x64xf32, #tpu.memory_space<vmem>>) offsets(%dma_start3A_1107 : memref<100xi32, #tpu.memory_space<vmem>>) semaphore(%arg21 : memref<!tpu.dma_semaphore, #tpu.memory_space<semaphore_mem>>)
      } else {
      }
      %add3A_1004 = arith.constant 7 : i32
      %add3A_1005 = arith.addi %mul3A_737, %add3A_1004 : i32
      %add3A_1006 = arith.addi %mul3A_2, %add3A_1005 : i32
      %dma_wait3A_1007 = arith.constant 0 : i32
      %dma_wait3A_1008 = arith.constant 0 : i32
      %dma_wait3A_1009 = tpu.memref_slice %arg4[%add3A_1006, %dma_wait3A_1007, %dma_wait3A_1008] : memref<16384x100x64xf32, #tpu.memory_space<hbm>> -> memref<1x100x64xf32, #tpu.memory_space<hbm>>
      %dma_wait3A_1010 = tpu.memref_squeeze %dma_wait3A_1009 : memref<1x100x64xf32, #tpu.memory_space<hbm>> -> memref<100x64xf32, #tpu.memory_space<hbm>>
      %dma_wait3A_1011 = arith.constant 0 : i32
      %dma_wait3A_1012 = arith.constant 0 : i32
      %dma_wait3A_1013 = tpu.memref_slice %arg4[%add3A_1006, %dma_wait3A_1011, %dma_wait3A_1012] : memref<16384x100x64xf32, #tpu.memory_space<hbm>> -> memref<1x100x64xf32, #tpu.memory_space<hbm>>
      %dma_wait3A_1014 = tpu.memref_squeeze %dma_wait3A_1013 : memref<1x100x64xf32, #tpu.memory_space<hbm>> -> memref<100x64xf32, #tpu.memory_space<hbm>>
      tpu.wait_dma2 semaphore(%arg30 : memref<!tpu.dma_semaphore, #tpu.memory_space<semaphore_mem>>) src(%arg14 : memref<100x64xf32, #tpu.memory_space<vmem>>) dst(%dma_wait3A_1014 : memref<100x64xf32, #tpu.memory_space<hbm>>)
      %add3A_1015 = arith.constant 1 : i32
      %add3A_1016 = arith.addi %scan3A_734, %add3A_1015 : i32
      %lt3A_1017 = arith.constant 64 : i32
      %lt3A_1018 = arith.cmpi slt, %add3A_1016, %lt3A_1017 : i32
      %convert_element_type3A_1019 = arith.extui %lt3A_1018 : i1 to i32
      %cond3A_1020 = arith.constant 0 : i32
      %cond3A_1021 = arith.cmpi ne, %convert_element_type3A_1019, %cond3A_1020 : i32
      scf.if %cond3A_1021 {
        %add3A_1023 = arith.constant 8 : i32
        %add3A_1024 = arith.addi %add3A_1005, %add3A_1023 : i32
        %get3A_1025 = arith.index_cast %add3A_1024 : i32 to index
        %get3A_1026 = arith.constant 0 : index
        %get3A_1027 = tpu.vector_load %arg5[%get3A_1025, %get3A_1026] {strides = array<i32>} : memref<512x100xi32, #tpu.memory_space<vmem>>, vector<1x16xi32>,
        %get3A_1028 = vector.shape_cast %get3A_1027 : vector<1x16xi32> to vector<16xi32>
        %add3A_1029 = arith.addi %get3A_1028, %get3A_1028 : vector<16xi32>
        %swap3A_1030 = arith.constant 7 : i32
        %swap3A_1031 = arith.index_cast %swap3A_1030 : i32 to index
        %swap3A_1032 = arith.constant 0 : index
        %swap3A_1033 = tpu.vector_load %arg6[%swap3A_1031, %swap3A_1032] {strides = array<i32>} : memref<8x100xi32, #tpu.memory_space<vmem>>, vector<1x16xi32>,
        %swap3A_1034 = vector.shape_cast %swap3A_1033 : vector<1x16xi32> to vector<16xi32>
        %swap3A_1035 = vector.shape_cast %add3A_1029 : vector<16xi32> to vector<1x16xi32>
        tpu.vector_store %arg6[%swap3A_1031, %swap3A_1032], %swap3A_1035 {strides = array<i32>} : memref<8x100xi32, #tpu.memory_space<vmem>>, vector<1x16xi32>,
        %get3A_1036 = arith.index_cast %add3A_1024 : i32 to index
        %get3A_1037 = arith.constant 16 : index
        %get3A_1038 = tpu.vector_load %arg5[%get3A_1036, %get3A_1037] {strides = array<i32>} : memref<512x100xi32, #tpu.memory_space<vmem>>, vector<1x16xi32>,
        %get3A_1039 = vector.shape_cast %get3A_1038 : vector<1x16xi32> to vector<16xi32>
        %add3A_1040 = arith.addi %get3A_1039, %get3A_1039 : vector<16xi32>
        %swap3A_1041 = arith.constant 7 : i32
        %swap3A_1042 = arith.index_cast %swap3A_1041 : i32 to index
        %swap3A_1043 = arith.constant 16 : index
        %swap3A_1044 = tpu.vector_load %arg6[%swap3A_1042, %swap3A_1043] {strides = array<i32>} : memref<8x100xi32, #tpu.memory_space<vmem>>, vector<1x16xi32>,
        %swap3A_1045 = vector.shape_cast %swap3A_1044 : vector<1x16xi32> to vector<16xi32>
        %swap3A_1046 = vector.shape_cast %add3A_1040 : vector<16xi32> to vector<1x16xi32>
        tpu.vector_store %arg6[%swap3A_1042, %swap3A_1043], %swap3A_1046 {strides = array<i32>} : memref<8x100xi32, #tpu.memory_space<vmem>>, vector<1x16xi32>,
        %get3A_1047 = arith.index_cast %add3A_1024 : i32 to index
        %get3A_1048 = arith.constant 32 : index
        %get3A_1049 = tpu.vector_load %arg5[%get3A_1047, %get3A_1048] {strides = array<i32>} : memref<512x100xi32, #tpu.memory_space<vmem>>, vector<1x16xi32>,
        %get3A_1050 = vector.shape_cast %get3A_1049 : vector<1x16xi32> to vector<16xi32>
        %add3A_1051 = arith.addi %get3A_1050, %get3A_1050 : vector<16xi32>
        %swap3A_1052 = arith.constant 7 : i32
        %swap3A_1053 = arith.index_cast %swap3A_1052 : i32 to index
        %swap3A_1054 = arith.constant 32 : index
        %swap3A_1055 = tpu.vector_load %arg6[%swap3A_1053, %swap3A_1054] {strides = array<i32>} : memref<8x100xi32, #tpu.memory_space<vmem>>, vector<1x16xi32>,
        %swap3A_1056 = vector.shape_cast %swap3A_1055 : vector<1x16xi32> to vector<16xi32>
        %swap3A_1057 = vector.shape_cast %add3A_1051 : vector<16xi32> to vector<1x16xi32>
        tpu.vector_store %arg6[%swap3A_1053, %swap3A_1054], %swap3A_1057 {strides = array<i32>} : memref<8x100xi32, #tpu.memory_space<vmem>>, vector<1x16xi32>,
        %get3A_1058 = arith.index_cast %add3A_1024 : i32 to index
        %get3A_1059 = arith.constant 48 : index
        %get3A_1060 = tpu.vector_load %arg5[%get3A_1058, %get3A_1059] {strides = array<i32>} : memref<512x100xi32, #tpu.memory_space<vmem>>, vector<1x16xi32>,
        %get3A_1061 = vector.shape_cast %get3A_1060 : vector<1x16xi32> to vector<16xi32>
        %add3A_1062 = arith.addi %get3A_1061, %get3A_1061 : vector<16xi32>
        %swap3A_1063 = arith.constant 7 : i32
        %swap3A_1064 = arith.index_cast %swap3A_1063 : i32 to index
        %swap3A_1065 = arith.constant 48 : index
        %swap3A_1066 = tpu.vector_load %arg6[%swap3A_1064, %swap3A_1065] {strides = array<i32>} : memref<8x100xi32, #tpu.memory_space<vmem>>, vector<1x16xi32>,
        %swap3A_1067 = vector.shape_cast %swap3A_1066 : vector<1x16xi32> to vector<16xi32>
        %swap3A_1068 = vector.shape_cast %add3A_1062 : vector<16xi32> to vector<1x16xi32>
        tpu.vector_store %arg6[%swap3A_1064, %swap3A_1065], %swap3A_1068 {strides = array<i32>} : memref<8x100xi32, #tpu.memory_space<vmem>>, vector<1x16xi32>,
        %get3A_1069 = arith.index_cast %add3A_1024 : i32 to index
        %get3A_1070 = arith.constant 64 : index
        %get3A_1071 = tpu.vector_load %arg5[%get3A_1069, %get3A_1070] {strides = array<i32>} : memref<512x100xi32, #tpu.memory_space<vmem>>, vector<1x16xi32>,
        %get3A_1072 = vector.shape_cast %get3A_1071 : vector<1x16xi32> to vector<16xi32>
        %add3A_1073 = arith.addi %get3A_1072, %get3A_1072 : vector<16xi32>
        %swap3A_1074 = arith.constant 7 : i32
        %swap3A_1075 = arith.index_cast %swap3A_1074 : i32 to index
        %swap3A_1076 = arith.constant 64 : index
        %swap3A_1077 = tpu.vector_load %arg6[%swap3A_1075, %swap3A_1076] {strides = array<i32>} : memref<8x100xi32, #tpu.memory_space<vmem>>, vector<1x16xi32>,
        %swap3A_1078 = vector.shape_cast %swap3A_1077 : vector<1x16xi32> to vector<16xi32>
        %swap3A_1079 = vector.shape_cast %add3A_1073 : vector<16xi32> to vector<1x16xi32>
        tpu.vector_store %arg6[%swap3A_1075, %swap3A_1076], %swap3A_1079 {strides = array<i32>} : memref<8x100xi32, #tpu.memory_space<vmem>>, vector<1x16xi32>,
        %get3A_1080 = arith.index_cast %add3A_1024 : i32 to index
        %get3A_1081 = arith.constant 80 : index
        %get3A_1082 = tpu.vector_load %arg5[%get3A_1080, %get3A_1081] {strides = array<i32>} : memref<512x100xi32, #tpu.memory_space<vmem>>, vector<1x16xi32>,
        %get3A_1083 = vector.shape_cast %get3A_1082 : vector<1x16xi32> to vector<16xi32>
        %add3A_1084 = arith.addi %get3A_1083, %get3A_1083 : vector<16xi32>
        %swap3A_1085 = arith.constant 7 : i32
        %swap3A_1086 = arith.index_cast %swap3A_1085 : i32 to index
        %swap3A_1087 = arith.constant 80 : index
        %swap3A_1088 = tpu.vector_load %arg6[%swap3A_1086, %swap3A_1087] {strides = array<i32>} : memref<8x100xi32, #tpu.memory_space<vmem>>, vector<1x16xi32>,
        %swap3A_1089 = vector.shape_cast %swap3A_1088 : vector<1x16xi32> to vector<16xi32>
        %swap3A_1090 = vector.shape_cast %add3A_1084 : vector<16xi32> to vector<1x16xi32>
        tpu.vector_store %arg6[%swap3A_1086, %swap3A_1087], %swap3A_1090 {strides = array<i32>} : memref<8x100xi32, #tpu.memory_space<vmem>>, vector<1x16xi32>,
        %get3A_1091 = arith.index_cast %add3A_1024 : i32 to index
        %get3A_1092 = arith.constant 84 : index
        %get3A_1093 = tpu.vector_load %arg5[%get3A_1091, %get3A_1092] {strides = array<i32>} : memref<512x100xi32, #tpu.memory_space<vmem>>, vector<1x16xi32>,
        %get3A_1094 = vector.shape_cast %get3A_1093 : vector<1x16xi32> to vector<16xi32>
        %add3A_1095 = arith.addi %get3A_1094, %get3A_1094 : vector<16xi32>
        %swap3A_1096 = arith.constant 7 : i32
        %swap3A_1097 = arith.index_cast %swap3A_1096 : i32 to index
        %swap3A_1098 = arith.constant 84 : index
        %swap3A_1099 = tpu.vector_load %arg6[%swap3A_1097, %swap3A_1098] {strides = array<i32>} : memref<8x100xi32, #tpu.memory_space<vmem>>, vector<1x16xi32>,
        %swap3A_1100 = vector.shape_cast %swap3A_1099 : vector<1x16xi32> to vector<16xi32>
        %swap3A_1101 = vector.shape_cast %add3A_1095 : vector<16xi32> to vector<1x16xi32>
        tpu.vector_store %arg6[%swap3A_1097, %swap3A_1098], %swap3A_1101 {strides = array<i32>} : memref<8x100xi32, #tpu.memory_space<vmem>>, vector<1x16xi32>,
        %add3A_1102 = arith.constant 8 : i32
        %add3A_1103 = arith.addi %add3A_1005, %add3A_1102 : i32
        %dma_start3A_1104 = arith.constant 7 : i32
        %dma_start3A_1105 = arith.constant 0 : i32
        %dma_start3A_1106 = tpu.memref_slice %arg6[%dma_start3A_1104, %dma_start3A_1105] : memref<8x100xi32, #tpu.memory_space<vmem>> -> memref<1x100xi32, #tpu.memory_space<vmem>>
        %dma_start3A_1107 = tpu.memref_squeeze %dma_start3A_1106 : memref<1x100xi32, #tpu.memory_space<vmem>> -> memref<100xi32, #tpu.memory_space<vmem>>
        %dma_start3A_1108 = arith.constant 0 : i32
        %dma_start3A_1109 = arith.constant 0 : i32
        %dma_start3A_1110 = tpu.memref_slice %arg3[%dma_start3A_1108, %dma_start3A_1109] : memref<1000000x64xf32, #tpu.memory_space<hbm>> -> memref<1000000x64xf32, #tpu.memory_space<hbm>>
        tpu.enqueue_indirect_dma source(%dma_start3A_1110 : memref<1000000x64xf32, #tpu.memory_space<hbm>>) target(%arg14 : memref<100x64xf32, #tpu.memory_space<vmem>>) offsets(%dma_start3A_1107 : memref<100xi32, #tpu.memory_space<vmem>>) semaphore(%arg22 : memref<!tpu.dma_semaphore, #tpu.memory_space<semaphore_mem>>)
      } else {
      }
      %scan3A_1022 = arith.constant 0 : i32
      scf.yield %scan3A_1022 : i32
    }
    %scan3A_733 = arith.constant 64 : i32
    return
  }
}

</mosaic_0001>

<sc_bundles>
// kernel: kernel.3.cloned.1.call-start
scs
__scs_entry_jumppad:
0x0: {  	(pc) =	sbr.rel $0x88, $3  }
0x1: {  	(tag) =	ssettag $0x0;
	lr =	simm.s32 $0x1  }
0x2: {  	[smem:$0x3F9F] =	sst lr;
	_ =	strace $0xD0000000  }
0x3: {  	_ = 	snop  }
0x4: {  	_ = 	snop  }
0x5: {  	_ = 	snop  }
0x6: {  	_ = 	snop  }
0x7: {  	_ = 	snop  }
__scs_overlays_trampoline_lowered:
0x8: {  	[smem:$0x3FAE] =	sst s0  }
0x9: {  	[smem:$0x3FAF] =	sst s1  }
0xa: {  	[smem:$0x3FB0] =	sst s2  }
0xb: {  	[smem:$0x3FB1] =	sst s3  }
0xc: {  	[smem:$0x3FB2] =	sst s4  }
0xd: {  	[smem:$0x3FB3] =	sst s5  }
0xe: {  	[smem:$0x3FB4] =	sst s6  }
0xf: {  	[smem:$0x3FB5] =	sst s7  }
0x10: {  	[smem:$0x3FB6] =	sst s8  }
0x11: {  	[smem:$0x3FB7] =	sst s9;
	s0 =	simm.s32 @!p0 $0x0  }
0x12: {  	s1 =	sld [smem:$0x3F9D];
	s0 =	simm.s32 @p0 $0x1  }
0x13: {  	[smem:$0x3FB8] =	sst s0;
	s0 =	simm.s32 @!p1 $0x0  }
0x14: {  	s2 =	sld [smem:$0x3F9C];
	s0 =	simm.s32 @p1 $0x1  }
0x15: {  	[smem:$0x3FB9] =	sst s0;
	s0 =	simm.s32 @!p2 $0x0  }
0x16: {  	s3 =	sld [smem:$0x3FDB];
	s0 =	simm.s32 @p2 $0x1  }
0x17: {  	s4 =	simm.s32 $0x1BF5;
	[smem:$0x3FBB] =	sst s0  }
0x18: {  	s0 =	sld [smem:$0x3F9E];
	_ =	swait.ge [sflag:s4], $0x0  }
0x19: {  	s7 =	sld [smem:$0x3F9F]  }
0x1a: {  	s8 =	sadd.s32 $0xFFFFE003, lr  }
0x1b: {  	s9 =	sadd.s32 $0xFFFFFEF7, lr;
	s5 =	simm.s32 $0xFFFFFFFF;
	p2 =	slt.u32 s8, $0xFFFFF086  }
0x1c: {  	p1 =	slt.u32 s9, $0xF7A;
	s5 =	simm.s32 @!p2 $0x0  }
0x1d: {  	s5 =	simm.s32 @p1 $0x1;
	p0 =	seq.s32 s7, s2  }
0x1e: {  	s7 =	smul.u32 @!p0 $0xF7A, s2;
	p2 =	seq.s32 @!p0 s5, $0x0  }
0x1f: {  	s9 =	smul.u32 $0xF7A, s1;
	s8 =	simm.s32 @!p0 $0x1BF5;
	p2 =	por !p2, p0  }
0x20: {  	[sflag:s8] =	ssyncset.s32 @!p0 $0xFFFFF086;
	s6 =	sadd.s32 @!p0 s3, s7;
	s7 =	simm.s32 @!p0 $0x108  }
0x21: {  	s3 =	sadd.s32 s3, s9;
	s6 =	sadd.s32 @!p0 $0x88, s6;
	s7 =	simm.s32 @p2 $0x1082  }
0x22: {  	[simem:s7], [sflag:s8] =	dma.local @!p0 [hbm:s6], $0xF7A  }
0x23: {  	s9 =	sor.u32 $0xD0000000, s2;
	s6 =	simm.s32 $0x108;
	_ =	swait.ge @!p0 [sflag:s8], $0x0  }
0x24: {  	s3 =	sadd.s32 $0x88, s3;
	s6 =	simm.s32 @!p1 $0x1082;
	[sflag:s4] =	ssyncset.s32 $0xFFFFF086  }
0x25: {  	[simem:s6], [sflag:s4] =	dma.local [hbm:s3], $0xF7A  }
0x26: {  	[smem:$0x3F9F] =	sst s1;
	(tag) =	ssettag s2;
	_ =	strace s9  }
0x27: {  	s1 =	sld [smem:$0x3FAF]  }
0x28: {  	s2 =	sld [smem:$0x3FB0]  }
0x29: {  	s4 =	sld [smem:$0x3FB2]  }
0x2a: {  	p0 =	seq.s32 s5, $0x0;
	s5 =	sld [smem:$0x3FB3]  }
0x2b: {  	s6 =	sld [smem:$0x3FB4]  }
0x2c: {  	s7 =	sld [smem:$0x3FB5]  }
0x2d: {  	s3 =	simm.s32 $0x108;
	s8 =	sld [smem:$0x3FB6]  }
0x2e: {  	s3 =	simm.s32 @!p0 $0x1082;
	s9 =	sld [smem:$0x3FB7]  }
0x2f: {  	lr =	sadd.s32 s0, s3;
	s0 =	sld [smem:$0x3FAE]  }
0x30: {  	s3 =	sld [smem:$0x3FB1]  }
0x31: {  	[smem:$0x3FBA] =	sst s10  }
0x32: {  	s10 =	sld [smem:$0x3FB8];
	_ =	sdelay $0x3  }
0x33: {  	p0 =	seq.s32 s10, $0x1;
	s10 =	sld [smem:$0x3FBA];
	_ =	sdelay $0x3  }
0x34: {  	[smem:$0x3FBA] =	sst s10  }
0x35: {  	s10 =	sld [smem:$0x3FB9];
	_ =	sdelay $0x3  }
0x36: {  	p1 =	seq.s32 s10, $0x1;
	s10 =	sld [smem:$0x3FBA];
	_ =	sdelay $0x3  }
0x37: {  	[smem:$0x3FBA] =	sst s10  }
0x38: {  	s10 =	sld [smem:$0x3FBB]  }
0x39: {  	_ = 	snop;
	(pc) =	sbr.ind lr, $3  }
0x3a: {  	_ = 	snop  }
0x3b: {  	_ = 	snop  }
0x3c: {  	p2 =	seq.s32 s10, $0x1;
	s10 =	sld [smem:$0x3FBA]  }
0x3d: {  	_ =	shalt  }
0x3e: {  	_ =	shalt  }
0x3f: {  	_ =	shalt  }
0x40: {  	_ =	shalt  }
0x41: {  	_ =	shalt  }
0x42: {  	_ =	shalt  }
0x43: {  	_ =	shalt  }
0x44: {  	_ =	shalt  }
0x45: {  	_ =	shalt  }
0x46: {  	_ =	shalt  }
0x47: {  	_ =	shalt  }
0x48: {  	_ =	shalt  }
0x49: {  	_ =	shalt  }
0x4a: {  	_ =	shalt  }
0x4b: {  	_ =	shalt  }
0x4c: {  	_ =	shalt  }
0x4d: {  	_ =	shalt  }
0x4e: {  	_ =	shalt  }
0x4f: {  	_ =	shalt  }
0x50: {  	_ =	shalt  }
0x51: {  	_ =	shalt  }
0x52: {  	_ =	shalt  }
0x53: {  	_ =	shalt  }
0x54: {  	_ =	shalt  }
0x55: {  	_ =	shalt  }
0x56: {  	_ =	shalt  }
0x57: {  	_ =	shalt  }
0x58: {  	_ =	shalt  }
0x59: {  	_ =	shalt  }
0x5a: {  	_ =	shalt  }
0x5b: {  	_ =	shalt  }
0x5c: {  	_ =	shalt  }
0x5d: {  	_ =	shalt  }
0x5e: {  	_ =	shalt  }
0x5f: {  	_ =	shalt  }
0x60: {  	_ =	shalt  }
0x61: {  	_ =	shalt  }
0x62: {  	_ =	shalt  }
0x63: {  	_ =	shalt  }
0x64: {  	_ =	shalt  }
0x65: {  	_ =	shalt  }
0x66: {  	_ =	shalt  }
0x67: {  	_ =	shalt  }
0x68: {  	_ =	shalt  }
0x69: {  	_ =	shalt  }
0x6a: {  	_ =	shalt  }
0x6b: {  	_ =	shalt  }
0x6c: {  	_ =	shalt  }
0x6d: {  	_ =	shalt  }
0x6e: {  	_ =	shalt  }
0x6f: {  	_ =	shalt  }
0x70: {  	_ =	shalt  }
0x71: {  	_ =	shalt  }
0x72: {  	_ =	shalt  }
0x73: {  	_ =	shalt  }
0x74: {  	_ =	shalt  }
0x75: {  	_ =	shalt  }
0x76: {  	_ =	shalt  }
0x77: {  	_ =	shalt  }
0x78: {  	_ =	shalt  }
0x79: {  	_ =	shalt  }
0x7a: {  	_ =	shalt  }
0x7b: {  	_ =	shalt  }
0x7c: {  	_ =	shalt  }
0x7d: {  	_ =	shalt  }
0x7e: {  	_ =	shalt  }
0x7f: {  	_ =	shalt  }
0x80: {  	_ =	shalt  }
0x81: {  	_ =	shalt  }
0x82: {  	_ =	shalt  }
0x83: {  	_ =	shalt  }
0x84: {  	_ =	shalt  }
0x85: {  	_ =	shalt  }
0x86: {  	_ =	shalt  }
0x87: {  	_ =	shalt  }
.Lfunc_end0:
.L_simem_size_0:
called_computation.1_lowered:
.L_overlay_start_0:
0x88: {  	s2 =	sld [smem:$0x3FD9]  }
0x89: {  	s3 =	sld [smem:$0x3FFE];
	_ =	sdelay $0x1  }
0x8a: {  	s1 =	srdreg.scid  }
0x8b: {  	s0 =	sand.u32 $0x1, s1  }
0x8c: {  	s17 =	sshll.u32 s0, $0xA;
	s2 =	sadd.s32 s3, s2  }
0x8d: {  	s2 =	sadd.s32 s2, s17  }
0x8e: {  	[smem:$0x3FC6] =	sst s2  }
0x8f: {  	_ = 	snop  }
0x90: {  	s2 =	sld [smem:$0x3FD0];
	(tm) =	ssettm $0x1  }
0x91: {  	s18 =	sld [smem:$0x3FFB];
	_ =	sdelay $0x3  }
0x92: {  	_ =	strace s18  }
0x93: {  	s3 =	sld [smem:$0x3FFC];
	_ =	sdelay $0x3  }
0x94: {  	_ =	strace s3  }
0x95: {  	s3 =	sld [smem:$0x3FFD];
	_ =	sdelay $0x3  }
0x96: {  	_ =	strace s3  }
0x97: {  	_ =	strace $0x8FFFFFFF  }
0x98: {  	s19 =	sld [smem:$0x3FDB];
	_ =	sdelay $0x1  }
0x99: {  	s4 =	simm.s32 $_scs_section_size  }
0x9a: {  	s5 =	simm.s32 $_size__tile_overlayer_lowered;
	s6 =	simm.s32 $_tile_overlayer_lowered  }
0x9b: {  	s22 =	simm.s32 $0x1BFF;
	s21 =	sshll.u32 s6, $0x1;
	s3 =	sadd.s32 s4, s19  }
0x9c: {  	s7 =	simm.s32 $0x0;
	s20 =	sshll.u32 s5, $0x1;
	s5 =	sadd.s32 s21, s3  }
0x9d: {  	[timem:s7], [sflag:s22] =	dma.local [hbm:s5], s20  }
0x9e: {  	_ =	swait.ge [sflag:s22], s20  }
0x9f: {  	s4 =	ssub.s32 $0x0, s20;
	[sflag:s22] =	ssyncset.done $0x0  }
0xa0: {  	[sflag:s22] =	ssyncadd.s32 s4;
	_ =	sdelay $0x1  }
0xa1: {  	s23 =	simm.s32 $0x1B8B  }
0xa2: {  	_ =	swait.ge [sflag:s23], $0x1  }
0xa3: {  	[sflag:s23] =	ssyncset.done $0x0  }
0xa4: {  	s25 =	simm.s32 $0x1B8E;
	s24 =	sld [smem:$0x3FFE];
	[sflag:s23] =	ssyncadd.s32 $0xFFFFFFFF  }
0xa5: {  	s26 =	simm.s32 $execute0_lowered;
	[smem:$0x3FD2] =	sst s25  }
0xa6: {  	s5 =	sshll.u32 s26, $0x1;
	_ =	strace $0x80000046;
	[dreg:$0x1] =	wrdreg $0xFFFFFFFF  }
0xa7: {  	s28 =	simm.s32 $_size_execute0_lowered;
	s3 =	sadd.s32 s3, s5;
	[dreg:$0x0] =	wrdreg $0x0  }
0xa8: {  	s5 =	sshll.u32 s28, $0x1;
	[dreg:$0x2] =	wrdreg s3  }
0xa9: {  	[dreg:$0x3] =	wrdreg s5  }
0xaa: {  	[dreg:$0x4] =	wrdreg $0xC0  }
0xab: {  	_ =	task [dreg:s7], $0x5FFFF  }
0xac: {  	[dreg:$0x1] =	wrdreg $0xFFFFFFFF  }
0xad: {  	[dreg:$0x0] =	wrdreg $0x60  }
0xae: {  	[dreg:$0x2] =	wrdreg s24  }
0xaf: {  	[dreg:$0x3] =	wrdreg s2  }
0xb0: {  	[dreg:$0x4] =	wrdreg $0x9  }
0xb1: {  	_ =	task.clear_ibuf [dreg:s7], $0x5FFFF;
	_ =	strace $0x90000046  }
0xb2: {  	s29 =	simm.s32 $0x9;
	_ =	strace $0x80000048  }
0xb3: {  	_ =	swait.ge [sflag:s29], $0x1  }
0xb4: {  	[sflag:s29] =	ssyncadd.s32 $0xFFFFFFFF  }
0xb5: {  	_ =	strace $0x90000048  }
0xb6: {  	_ =	sfence  }
0xb7: {  	s30 =	sld [smem:$0x0];
	_ =	sdelay $0x2  }
0xb8: {  	s31 =	sshll.u32 s1, $0xD;
	s1 =	sshrl.u32 s1, $0x2  }
0xb9: {  	s3 =	sand.u32 $0x4000, s31;
	s1 =	sadd.s32 s1, s30  }
0xba: {  	s0 =	sor.u32 s3, s0;
	s1 =	sshll.u32 s1, $0x11  }
0xbb: {  	s0 =	sor.u32 s1, s0  }
0xbc: {  	s0 =	sadd.s32 $0x8F2B, s0  }
0xbd: {  	[sflag:s0] =	ssyncadd.remote.s32 $0x1  }
0xbe: {  	_ =	sfence.sel $0xFFFF  }
0xbf: {  	[dreg:$0x0] =	wrdreg $0xFFFFFFFF;
	(pc) =	sbr.abs _section_cstart, $3  }
0xc0: {  	[dreg:$0x1] =	wrdreg $0xFFFFFFFF  }
0xc1: {  	_ =	task.clear_ibuf [dreg:s7], $0x2FFFF;
	_ =	strace $0x9FFFFFFF  }
0xc2: {  	(tm) =	ssettm $0x7FFFFFFF  }
0xc3: {  	_ =	shalt  }
tec
execute0_lowered:
.L_overlay_start_1:
0x0: {  	(tag) =	ssettag $0x1  }
0x1: {  	s0 =	rddreg [dreg:$0x0];
	s1 =	srdreg.scid  }
0x2: {  	s8 =	stileid.u32;
	s4 =	rddreg [dreg:$0x1]  }
0x3: {  	s2 =	simm.s32 $0x0;
	s10 =	simm.s32 $0xD340;
	s12 =	simm.s32 $0xEC40  }
0x4: {  	s14 =	simm.s32 $0x10540;
	s16 =	simm.s32 $0x11E40;
	s18 =	simm.s32 $0x13740  }
0x5: {  	s20 =	simm.s32 $0x15040;
	s22 =	simm.s32 $0x16940;
	s28 =	simm.s32 $0x3  }
0x6: {  	s29 =	simm.s32 $0x4;
	s30 =	simm.s32 $0x5;
	s31 =	simm.s32 $0x6  }
0x7: {  	s9 =	simm.s32 $0xC;
	s11 =	simm.s32 $0xD;
	s13 =	simm.s32 $0xE  }
0x8: {  	s15 =	simm.s32 $0xF;
	s17 =	simm.s32 $0x10;
	s1 =	sand.u32 $0x1, s1  }
0x9: {  	s3 =	sshll.u32 s8, $0x1;
	[smem:$0x7FF] =	sst s2;
	s8 =	smul.u32 $0xC8000, s8  }
0xa: {  	s3 =	sor.u32 s1, s3;
	s5 =	ssub.s32 $0x2, s1;
	s1 =	smul.u32 $0x64000, s1  }
0xb: {  	s19 =	simm.s32 $0x0;
	_ =	strace $0x80000047;
	s3 =	smul.u32 $0x1A00, s3  }
0xc: {  	s7 =	sshrl.u32 s5, $0x1;
	s26 =	sadd.s32 s8, s4;
	s8 =	simm.s32 $0x64  }
0xd: {  	s4 =	simm.s32 $0x9;
	s24 =	ssub.s32 s5, s7;
	s5 =	simm.s32 $0xA  }
.Ltmp0:
0xe: {  	s7 =	simm.s32 $0xB;
	s6 =	sadd.s32 s3, s0;
	(pc) =	sbr.rel .LBB2_1-.Ltmp0, $4  }
0xf: {  	s3 =	sadd.s32 $0xF76C00, s0;
	s0 =	smax.u32 s24, $0x1;
	s24 =	simm.s32 $0x18240  }
0x10: {  	s25 =	sadd.s32 $0x800, s6;
	[dreg:$0x4] =	wrdreg s0;
	s0 =	sadd.s32 s1, s26  }
0x11: {  	s26 =	simm.s32 $0x2;
	s1 =	simm.s32 $0x7;
	[dreg:$0x3] =	wrdreg s25  }
0x12: {  	[dreg:$0x5] =	wrdreg s0;
	s25 =	simm.s32 $0x1;
	s0 =	simm.s32 $0x8  }
.LBB2_3:
0x13: {  	_ =	swait.ge [sflag:s5], $0x1900  }
0x14: {  	[sflag:s5] =	ssyncset.done $0x0  }
0x15: {  	[sflag:s5] =	ssyncadd.s32 $0xFFFFE700  }
0x16: {  	_ =	swait.ge [sflag:s7], $0x1900  }
0x17: {  	[sflag:s7] =	ssyncset.done $0x0  }
0x18: {  	[sflag:s7] =	ssyncadd.s32 $0xFFFFE700  }
0x19: {  	_ =	swait.ge [sflag:s9], $0x1900  }
0x1a: {  	[sflag:s9] =	ssyncset.done $0x0  }
0x1b: {  	[sflag:s9] =	ssyncadd.s32 $0xFFFFE700  }
0x1c: {  	_ =	swait.ge [sflag:s11], $0x1900  }
0x1d: {  	[sflag:s11] =	ssyncset.done $0x0  }
0x1e: {  	[sflag:s11] =	ssyncadd.s32 $0xFFFFE700  }
0x1f: {  	_ =	swait.ge [sflag:s13], $0x1900  }
0x20: {  	[sflag:s13] =	ssyncset.done $0x0  }
0x21: {  	[sflag:s13] =	ssyncadd.s32 $0xFFFFE700  }
0x22: {  	_ =	swait.ge [sflag:s15], $0x1900  }
0x23: {  	[sflag:s15] =	ssyncset.done $0x0  }
0x24: {  	[sflag:s15] =	ssyncadd.s32 $0xFFFFE700  }
0x25: {  	_ =	swait.ge [sflag:s17], $0x1900  }
0x26: {  	[sflag:s17] =	ssyncset.done $0x0  }
0x27: {  	[sflag:s17] =	ssyncadd.s32 $0xFFFFE700  }
.LBB2_5:
0x28: {  	s19 =	rddreg [dreg:$0x6]  }
0x29: {  	s6 =	rddreg [dreg:$0x4];
	s19 =	sadd.s32 $0x1, s19  }
0x2a: {  	p0 =	sne.s32 s19, s6  }
.Ltmp1:
0x2b: {  	_ = 	snop;
	(pc) =	sbr.rel @!p0 .LBB2_6-.Ltmp1, $1  }
0x2c: {  	_ =	sdelay $0x3  }
.LBB2_1:
0x2d: {  	[dreg:$0x6] =	wrdreg s19  }
0x2e: {  	s6 =	rddreg [dreg:$0x3];
	s19 =	simm.s32 $0x11  }
0x2f: {  	[tilespmem:s2], [sflag:$0x11] =	stream.linear.gather [hbm4b:s6+s2], $0xD000, $0x38;
	[tilespmem:$0x19B40] =	vst v63  }
0x30: {  	_ =	swait.ge [sflag:s19], $0xD000  }
0x31: {  	[sflag:s19] =	ssyncset.done $0x0  }
0x32: {  	[sflag:s19] =	ssyncadd.s32 $0xFFFF3000  }
0x33: {  	v0 =	vld [tilespmem:$0x0]  }
0x34: {  	v1 =	vld [tilespmem:$0x10]  }
0x35: {  	v2 =	vld [tilespmem:$0x20]  }
0x36: {  	v3 =	vld [tilespmem:$0x30]  }
0x37: {  	v4 =	vld [tilespmem:$0x40]  }
0x38: {  	v5 =	vld [tilespmem:$0x50];
	v0 =	vshll.u32 v0, $0x1  }
0x39: {  	v25 =	vld [tilespmem:$0x54];
	v24 =	vshll.u32 v1, $0x1;
	[tilespmem:$0xD000] =	vst v0  }
0x3a: {  	v26 =	vshll.u32 v2, $0x1;
	[tilespmem:$0xD010] =	vst v24  }
0x3b: {  	v27 =	vshll.u32 v3, $0x1;
	[tilespmem:$0xD020] =	vst v26  }
0x3c: {  	v28 =	vshll.u32 v4, $0x1;
	[tilespmem:$0xD030] =	vst v27  }
0x3d: {  	v29 =	vshll.u32 v5, $0x1;
	[tilespmem:$0xD040] =	vst v28  }
0x3e: {  	v30 =	vshll.u32 v25, $0x1;
	[tilespmem:$0xD050] =	vst v29  }
0x3f: {  	s21 =	simm.s32 $0xD000;
	[tilespmem:$0xD054] =	vst v30  }
0x40: {  	[tilespmem:s10], [sflag:$0x1] =	stream.indirect.gather [hbm4b:s3+s8], $0x40, s21, s8, $0xb8;
	[tilespmem:$0x19B40] =	vst v63  }
0x41: {  	v31 =	vld [tilespmem:$0x68]  }
0x42: {  	v32 =	vld [tilespmem:$0x78]  }
0x43: {  	v33 =	vld [tilespmem:$0x88]  }
0x44: {  	v34 =	vld [tilespmem:$0x98]  }
0x45: {  	v35 =	vld [tilespmem:$0xA8]  }
0x46: {  	v36 =	vld [tilespmem:$0xB8];
	v0 =	vshll.u32 v31, $0x1  }
0x47: {  	v38 =	vld [tilespmem:$0xBC];
	v37 =	vshll.u32 v32, $0x1;
	[tilespmem:$0xD068] =	vst v0  }
0x48: {  	v39 =	vshll.u32 v33, $0x1;
	[tilespmem:$0xD078] =	vst v37  }
0x49: {  	v40 =	vshll.u32 v34, $0x1;
	[tilespmem:$0xD088] =	vst v39  }
0x4a: {  	v41 =	vshll.u32 v35, $0x1;
	[tilespmem:$0xD098] =	vst v40  }
0x4b: {  	v42 =	vshll.u32 v36, $0x1;
	[tilespmem:$0xD0A8] =	vst v41  }
0x4c: {  	v43 =	vshll.u32 v38, $0x1;
	[tilespmem:$0xD0B8] =	vst v42  }
0x4d: {  	s23 =	simm.s32 $0xD068;
	[tilespmem:$0xD0BC] =	vst v43  }
0x4e: {  	[tilespmem:s12], [sflag:$0x2] =	stream.indirect.gather [hbm4b:s3+s8], $0x40, s23, s8, $0xb8;
	[tilespmem:$0x19B40] =	vst v63  }
0x4f: {  	v44 =	vld [tilespmem:$0xD0]  }
0x50: {  	v45 =	vld [tilespmem:$0xE0]  }
0x51: {  	v46 =	vld [tilespmem:$0xF0]  }
0x52: {  	v47 =	vld [tilespmem:$0x100]  }
0x53: {  	v48 =	vld [tilespmem:$0x110]  }
0x54: {  	v49 =	vld [tilespmem:$0x120];
	v0 =	vshll.u32 v44, $0x1  }
0x55: {  	v51 =	vld [tilespmem:$0x124];
	v50 =	vshll.u32 v45, $0x1;
	[tilespmem:$0xD0D0] =	vst v0  }
0x56: {  	v52 =	vshll.u32 v46, $0x1;
	[tilespmem:$0xD0E0] =	vst v50  }
0x57: {  	v53 =	vshll.u32 v47, $0x1;
	[tilespmem:$0xD0F0] =	vst v52  }
0x58: {  	v54 =	vshll.u32 v48, $0x1;
	[tilespmem:$0xD100] =	vst v53  }
0x59: {  	v55 =	vshll.u32 v49, $0x1;
	[tilespmem:$0xD110] =	vst v54  }
0x5a: {  	v56 =	vshll.u32 v51, $0x1;
	[tilespmem:$0xD120] =	vst v55  }
0x5b: {  	s19 =	simm.s32 $0xD0D0;
	[tilespmem:$0xD124] =	vst v56  }
0x5c: {  	[tilespmem:s14], [sflag:$0x3] =	stream.indirect.gather [hbm4b:s3+s8], $0x40, s19, s8, $0xb8;
	[tilespmem:$0x19B40] =	vst v63  }
0x5d: {  	v57 =	vld [tilespmem:$0x138]  }
0x5e: {  	v58 =	vld [tilespmem:$0x148]  }
0x5f: {  	v59 =	vld [tilespmem:$0x158]  }
0x60: {  	v60 =	vld [tilespmem:$0x168]  }
0x61: {  	v61 =	vld [tilespmem:$0x178]  }
0x62: {  	v62 =	vld [tilespmem:$0x188];
	v0 =	vshll.u32 v57, $0x1  }
0x63: {  	v6 =	vld [tilespmem:$0x18C];
	v63 =	vshll.u32 v58, $0x1;
	[tilespmem:$0xD138] =	vst v0  }
0x64: {  	v7 =	vshll.u32 v59, $0x1;
	[tilespmem:$0xD148] =	vst v63  }
0x65: {  	v8 =	vshll.u32 v60, $0x1;
	[tilespmem:$0xD158] =	vst v7  }
0x66: {  	v9 =	vshll.u32 v61, $0x1;
	[tilespmem:$0xD168] =	vst v8  }
0x67: {  	v10 =	vshll.u32 v62, $0x1;
	[tilespmem:$0xD178] =	vst v9  }
0x68: {  	v11 =	vshll.u32 v6, $0x1;
	[tilespmem:$0xD188] =	vst v10  }
0x69: {  	s21 =	simm.s32 $0xD138;
	[tilespmem:$0xD18C] =	vst v11  }
0x6a: {  	[tilespmem:s16], [sflag:$0x4] =	stream.indirect.gather [hbm4b:s3+s8], $0x40, s21, s8, $0xb8;
	[tilespmem:$0x19B40] =	vst v63  }
0x6b: {  	v12 =	vld [tilespmem:$0x1A0]  }
0x6c: {  	v13 =	vld [tilespmem:$0x1B0]  }
0x6d: {  	v14 =	vld [tilespmem:$0x1C0]  }
0x6e: {  	v15 =	vld [tilespmem:$0x1D0]  }
0x6f: {  	v16 =	vld [tilespmem:$0x1E0]  }
0x70: {  	v17 =	vld [tilespmem:$0x1F0];
	v0 =	vshll.u32 v12, $0x1  }
0x71: {  	v19 =	vld [tilespmem:$0x1F4];
	v18 =	vshll.u32 v13, $0x1;
	[tilespmem:$0xD1A0] =	vst v0  }
0x72: {  	v20 =	vshll.u32 v14, $0x1;
	[tilespmem:$0xD1B0] =	vst v18  }
0x73: {  	v21 =	vshll.u32 v15, $0x1;
	[tilespmem:$0xD1C0] =	vst v20  }
0x74: {  	v22 =	vshll.u32 v16, $0x1;
	[tilespmem:$0xD1D0] =	vst v21  }
0x75: {  	v23 =	vshll.u32 v17, $0x1;
	[tilespmem:$0xD1E0] =	vst v22  }
0x76: {  	v24 =	vshll.u32 v19, $0x1;
	[tilespmem:$0xD1F0] =	vst v23  }
0x77: {  	s23 =	simm.s32 $0xD1A0;
	[tilespmem:$0xD1F4] =	vst v24  }
0x78: {  	[tilespmem:s18], [sflag:$0x5] =	stream.indirect.gather [hbm4b:s3+s8], $0x40, s23, s8, $0xb8;
	[tilespmem:$0x19B40] =	vst v63  }
0x79: {  	v25 =	vld [tilespmem:$0x208]  }
0x7a: {  	v26 =	vld [tilespmem:$0x218]  }
0x7b: {  	v27 =	vld [tilespmem:$0x228]  }
0x7c: {  	v28 =	vld [tilespmem:$0x238]  }
0x7d: {  	v29 =	vld [tilespmem:$0x248]  }
0x7e: {  	v30 =	vld [tilespmem:$0x258];
	v0 =	vshll.u32 v25, $0x1  }
0x7f: {  	v32 =	vld [tilespmem:$0x25C];
	v31 =	vshll.u32 v26, $0x1;
	[tilespmem:$0xD208] =	vst v0  }
0x80: {  	v33 =	vshll.u32 v27, $0x1;
	[tilespmem:$0xD218] =	vst v31  }
0x81: {  	v34 =	vshll.u32 v28, $0x1;
	[tilespmem:$0xD228] =	vst v33  }
0x82: {  	v35 =	vshll.u32 v29, $0x1;
	[tilespmem:$0xD238] =	vst v34  }
0x83: {  	v36 =	vshll.u32 v30, $0x1;
	[tilespmem:$0xD248] =	vst v35  }
0x84: {  	v37 =	vshll.u32 v32, $0x1;
	[tilespmem:$0xD258] =	vst v36  }
0x85: {  	s19 =	simm.s32 $0xD208;
	[tilespmem:$0xD25C] =	vst v37  }
0x86: {  	[tilespmem:s20], [sflag:$0x6] =	stream.indirect.gather [hbm4b:s3+s8], $0x40, s19, s8, $0xb8;
	[tilespmem:$0x19B40] =	vst v63  }
0x87: {  	v38 =	vld [tilespmem:$0x270]  }
0x88: {  	v39 =	vld [tilespmem:$0x280]  }
0x89: {  	v40 =	vld [tilespmem:$0x290]  }
0x8a: {  	v41 =	vld [tilespmem:$0x2A0]  }
0x8b: {  	v42 =	vld [tilespmem:$0x2B0]  }
0x8c: {  	v43 =	vld [tilespmem:$0x2C0];
	v0 =	vshll.u32 v38, $0x1  }
0x8d: {  	v45 =	vld [tilespmem:$0x2C4];
	v44 =	vshll.u32 v39, $0x1;
	[tilespmem:$0xD270] =	vst v0  }
0x8e: {  	v46 =	vshll.u32 v40, $0x1;
	[tilespmem:$0xD280] =	vst v44  }
0x8f: {  	v47 =	vshll.u32 v41, $0x1;
	[tilespmem:$0xD290] =	vst v46  }
0x90: {  	v48 =	vshll.u32 v42, $0x1;
	[tilespmem:$0xD2A0] =	vst v47  }
0x91: {  	v49 =	vshll.u32 v43, $0x1;
	[tilespmem:$0xD2B0] =	vst v48  }
0x92: {  	v50 =	vshll.u32 v45, $0x1;
	[tilespmem:$0xD2C0] =	vst v49  }
0x93: {  	s21 =	simm.s32 $0xD270;
	[tilespmem:$0xD2C4] =	vst v50  }
0x94: {  	[tilespmem:s22], [sflag:$0x7] =	stream.indirect.gather [hbm4b:s3+s8], $0x40, s21, s8, $0xb8;
	[tilespmem:$0x19B40] =	vst v63  }
0x95: {  	v51 =	vld [tilespmem:$0x2D8]  }
0x96: {  	v52 =	vld [tilespmem:$0x2E8]  }
0x97: {  	v53 =	vld [tilespmem:$0x2F8]  }
0x98: {  	v54 =	vld [tilespmem:$0x308]  }
0x99: {  	v55 =	vld [tilespmem:$0x318]  }
0x9a: {  	v56 =	vld [tilespmem:$0x328];
	v0 =	vshll.u32 v51, $0x1  }
0x9b: {  	v58 =	vld [tilespmem:$0x32C];
	v57 =	vshll.u32 v52, $0x1;
	[tilespmem:$0xD2D8] =	vst v0  }
0x9c: {  	v59 =	vshll.u32 v53, $0x1;
	[tilespmem:$0xD2E8] =	vst v57  }
0x9d: {  	v60 =	vshll.u32 v54, $0x1;
	[tilespmem:$0xD2F8] =	vst v59  }
0x9e: {  	v61 =	vshll.u32 v55, $0x1;
	[tilespmem:$0xD308] =	vst v60  }
0x9f: {  	v62 =	vshll.u32 v56, $0x1;
	[tilespmem:$0xD318] =	vst v61  }
0xa0: {  	v63 =	vshll.u32 v58, $0x1;
	[tilespmem:$0xD328] =	vst v62  }
0xa1: {  	s23 =	simm.s32 $0xD2D8;
	s19 =	simm.s32 $0x66C;
	s21 =	simm.s32 $0x0;
	[tilespmem:$0xD32C] =	vst v63  }
0xa2: {  	[tilespmem:s24], [sflag:$0x8] =	stream.indirect.gather [hbm4b:s3+s8], $0x40, s23, s8, $0xb8;
	[tilespmem:$0x19B40] =	vst v63  }
.LBB2_2:
0xa3: {  	_ =	swait.ge [sflag:s25], $0x1900  }
0xa4: {  	[sflag:s25] =	ssyncset.done $0x0;
	s6 =	rddreg [dreg:$0x5]  }
0xa5: {  	[sflag:s25] =	ssyncadd.s32 $0xFFFFE700;
	s23 =	sadd.s32 s21, s6  }
0xa6: {  	[hbm4b:s23+s2] =	stream.linear.scatter [tilespmem:s10], [sflag:$0x9], $0x1900, $0x38;
	[tilespmem:$0x19B40] =	vst v63  }
0xa7: {  	_ =	swait.ge [sflag:s26], $0x1900  }
0xa8: {  	[sflag:s26] =	ssyncset.done $0x0  }
0xa9: {  	s6 =	sadd.s32 $0x320, s23;
	[sflag:s26] =	ssyncadd.s32 $0xFFFFE700  }
0xaa: {  	[hbm4b:s6+s2] =	stream.linear.scatter [tilespmem:s12], [sflag:$0xA], $0x1900, $0x38;
	[tilespmem:$0x19B40] =	vst v63  }
0xab: {  	_ =	swait.ge [sflag:s28], $0x1900  }
0xac: {  	[sflag:s28] =	ssyncset.done $0x0  }
0xad: {  	s6 =	sadd.s32 $0x640, s23;
	[sflag:s28] =	ssyncadd.s32 $0xFFFFE700  }
0xae: {  	[hbm4b:s6+s2] =	stream.linear.scatter [tilespmem:s14], [sflag:$0xB], $0x1900, $0x38;
	[tilespmem:$0x19B40] =	vst v63  }
0xaf: {  	_ =	swait.ge [sflag:s29], $0x1900  }
0xb0: {  	[sflag:s29] =	ssyncset.done $0x0  }
0xb1: {  	s6 =	sadd.s32 $0x960, s23;
	[sflag:s29] =	ssyncadd.s32 $0xFFFFE700  }
0xb2: {  	[hbm4b:s6+s2] =	stream.linear.scatter [tilespmem:s16], [sflag:$0xC], $0x1900, $0x38;
	[tilespmem:$0x19B40] =	vst v63  }
0xb3: {  	_ =	swait.ge [sflag:s30], $0x1900  }
0xb4: {  	[sflag:s30] =	ssyncset.done $0x0  }
0xb5: {  	s6 =	sadd.s32 $0xC80, s23;
	[sflag:s30] =	ssyncadd.s32 $0xFFFFE700  }
0xb6: {  	[hbm4b:s6+s2] =	stream.linear.scatter [tilespmem:s18], [sflag:$0xD], $0x1900, $0x38;
	[tilespmem:$0x19B40] =	vst v63  }
0xb7: {  	_ =	swait.ge [sflag:s31], $0x1900  }
0xb8: {  	[sflag:s31] =	ssyncset.done $0x0  }
0xb9: {  	s6 =	sadd.s32 $0xFA0, s23;
	[sflag:s31] =	ssyncadd.s32 $0xFFFFE700  }
0xba: {  	[hbm4b:s6+s2] =	stream.linear.scatter [tilespmem:s20], [sflag:$0xE], $0x1900, $0x38;
	[tilespmem:$0x19B40] =	vst v63  }
0xbb: {  	_ =	swait.ge [sflag:s1], $0x1900  }
0xbc: {  	[sflag:s1] =	ssyncset.done $0x0  }
0xbd: {  	s6 =	sadd.s32 $0x12C0, s23;
	[sflag:s1] =	ssyncadd.s32 $0xFFFFE700  }
0xbe: {  	[hbm4b:s6+s2] =	stream.linear.scatter [tilespmem:s22], [sflag:$0xF], $0x1900, $0x38;
	[tilespmem:$0x19B40] =	vst v63  }
0xbf: {  	_ =	swait.ge [sflag:s0], $0x1900  }
0xc0: {  	p0 =	sne.s32 s21, $0x62700;
	[sflag:s0] =	ssyncset.done $0x0  }
.Ltmp2:
0xc1: {  	s23 =	sadd.s32 $0x15E0, s23;
	[sflag:s0] =	ssyncadd.s32 $0xFFFFE700;
	(pc) =	sbr.rel @!p0 .LBB2_3-.Ltmp2, $4  }
0xc2: {  	[hbm4b:s23+s2] =	stream.linear.scatter [tilespmem:s24], [sflag:$0x10], $0x1900, $0x38;
	[tilespmem:$0x19B40] =	vst v63  }
0xc3: {  	_ =	swait.ge [sflag:s4], $0x1900  }
0xc4: {  	[sflag:s4] =	ssyncset.done $0x0  }
0xc5: {  	[sflag:s4] =	ssyncadd.s32 $0xFFFFE700  }
0xc6: {  	v0 =	vld [tilespmem:s19+$0xFFFFFCD4];
	_ =	sdelay $0x4  }
0xc7: {  	v0 =	vshll.u32 v0, $0x1  }
0xc8: {  	[tilespmem:$0xD000] =	vst v0  }
0xc9: {  	v0 =	vld [tilespmem:s19+$0xFFFFFCE4];
	_ =	sdelay $0x4  }
0xca: {  	v0 =	vshll.u32 v0, $0x1  }
0xcb: {  	[tilespmem:$0xD010] =	vst v0  }
0xcc: {  	v0 =	vld [tilespmem:s19+$0xFFFFFCF4];
	_ =	sdelay $0x4  }
0xcd: {  	v0 =	vshll.u32 v0, $0x1  }
0xce: {  	[tilespmem:$0xD020] =	vst v0  }
0xcf: {  	v0 =	vld [tilespmem:s19+$0xFFFFFD04];
	_ =	sdelay $0x4  }
0xd0: {  	v0 =	vshll.u32 v0, $0x1  }
0xd1: {  	[tilespmem:$0xD030] =	vst v0  }
0xd2: {  	v0 =	vld [tilespmem:s19+$0xFFFFFD14];
	_ =	sdelay $0x4  }
0xd3: {  	v0 =	vshll.u32 v0, $0x1  }
0xd4: {  	[tilespmem:$0xD040] =	vst v0  }
0xd5: {  	v0 =	vld [tilespmem:s19+$0xFFFFFD24];
	_ =	sdelay $0x4  }
0xd6: {  	v0 =	vshll.u32 v0, $0x1  }
0xd7: {  	[tilespmem:$0xD050] =	vst v0  }
0xd8: {  	v0 =	vld [tilespmem:s19+$0xFFFFFD28];
	_ =	sdelay $0x4  }
0xd9: {  	v0 =	vshll.u32 v0, $0x1  }
0xda: {  	s6 =	simm.s32 $0xD000;
	[tilespmem:$0xD054] =	vst v0  }
0xdb: {  	[tilespmem:s10], [sflag:$0x1] =	stream.indirect.gather [hbm4b:s3+s8], $0x40, s6, s8, $0xb8;
	[tilespmem:$0x19B40] =	vst v63  }
0xdc: {  	_ =	swait.ge [sflag:s5], $0x1900  }
0xdd: {  	[sflag:s5] =	ssyncset.done $0x0  }
0xde: {  	[sflag:s5] =	ssyncadd.s32 $0xFFFFE700  }
0xdf: {  	v57 =	vld [tilespmem:s19+$0xFFFFFD3C];
	_ =	sdelay $0x4  }
0xe0: {  	v0 =	vshll.u32 v57, $0x1  }
0xe1: {  	[tilespmem:$0xD068] =	vst v0  }
0xe2: {  	v0 =	vld [tilespmem:s19+$0xFFFFFD4C];
	_ =	sdelay $0x4  }
0xe3: {  	v0 =	vshll.u32 v0, $0x1  }
0xe4: {  	[tilespmem:$0xD078] =	vst v0  }
0xe5: {  	v0 =	vld [tilespmem:s19+$0xFFFFFD5C];
	_ =	sdelay $0x4  }
0xe6: {  	v0 =	vshll.u32 v0, $0x1  }
0xe7: {  	[tilespmem:$0xD088] =	vst v0  }
0xe8: {  	v0 =	vld [tilespmem:s19+$0xFFFFFD6C];
	_ =	sdelay $0x4  }
0xe9: {  	v0 =	vshll.u32 v0, $0x1  }
0xea: {  	[tilespmem:$0xD098] =	vst v0  }
0xeb: {  	v0 =	vld [tilespmem:s19+$0xFFFFFD7C];
	_ =	sdelay $0x4  }
0xec: {  	v0 =	vshll.u32 v0, $0x1  }
0xed: {  	[tilespmem:$0xD0A8] =	vst v0  }
0xee: {  	v0 =	vld [tilespmem:s19+$0xFFFFFD8C];
	_ =	sdelay $0x4  }
0xef: {  	v0 =	vshll.u32 v0, $0x1  }
0xf0: {  	[tilespmem:$0xD0B8] =	vst v0  }
0xf1: {  	v0 =	vld [tilespmem:s19+$0xFFFFFD90];
	_ =	sdelay $0x4  }
0xf2: {  	v0 =	vshll.u32 v0, $0x1  }
0xf3: {  	s23 =	simm.s32 $0xD068;
	[tilespmem:$0xD0BC] =	vst v0  }
0xf4: {  	[tilespmem:s12], [sflag:$0x2] =	stream.indirect.gather [hbm4b:s3+s8], $0x40, s23, s8, $0xb8;
	[tilespmem:$0x19B40] =	vst v63  }
0xf5: {  	_ =	swait.ge [sflag:s7], $0x1900  }
0xf6: {  	[sflag:s7] =	ssyncset.done $0x0  }
0xf7: {  	[sflag:s7] =	ssyncadd.s32 $0xFFFFE700  }
0xf8: {  	v58 =	vld [tilespmem:s19+$0xFFFFFDA4];
	_ =	sdelay $0x4  }
0xf9: {  	v0 =	vshll.u32 v58, $0x1  }
0xfa: {  	[tilespmem:$0xD0D0] =	vst v0  }
0xfb: {  	v0 =	vld [tilespmem:s19+$0xFFFFFDB4];
	_ =	sdelay $0x4  }
0xfc: {  	v0 =	vshll.u32 v0, $0x1  }
0xfd: {  	[tilespmem:$0xD0E0] =	vst v0  }
0xfe: {  	v0 =	vld [tilespmem:s19+$0xFFFFFDC4];
	_ =	sdelay $0x4  }
0xff: {  	v0 =	vshll.u32 v0, $0x1  }
0x100: {  	[tilespmem:$0xD0F0] =	vst v0  }
0x101: {  	v0 =	vld [tilespmem:s19+$0xFFFFFDD4];
	_ =	sdelay $0x4  }
0x102: {  	v0 =	vshll.u32 v0, $0x1  }
0x103: {  	[tilespmem:$0xD100] =	vst v0  }
0x104: {  	v0 =	vld [tilespmem:s19+$0xFFFFFDE4];
	_ =	sdelay $0x4  }
0x105: {  	v0 =	vshll.u32 v0, $0x1  }
0x106: {  	[tilespmem:$0xD110] =	vst v0  }
0x107: {  	v0 =	vld [tilespmem:s19+$0xFFFFFDF4];
	_ =	sdelay $0x4  }
0x108: {  	v0 =	vshll.u32 v0, $0x1  }
0x109: {  	[tilespmem:$0xD120] =	vst v0  }
0x10a: {  	v0 =	vld [tilespmem:s19+$0xFFFFFDF8];
	_ =	sdelay $0x4  }
0x10b: {  	v0 =	vshll.u32 v0, $0x1  }
0x10c: {  	s23 =	simm.s32 $0xD0D0;
	[tilespmem:$0xD124] =	vst v0  }
0x10d: {  	[tilespmem:s14], [sflag:$0x3] =	stream.indirect.gather [hbm4b:s3+s8], $0x40, s23, s8, $0xb8;
	[tilespmem:$0x19B40] =	vst v63  }
0x10e: {  	_ =	swait.ge [sflag:s9], $0x1900  }
0x10f: {  	[sflag:s9] =	ssyncset.done $0x0  }
0x110: {  	[sflag:s9] =	ssyncadd.s32 $0xFFFFE700  }
0x111: {  	v59 =	vld [tilespmem:s19+$0xFFFFFE0C];
	_ =	sdelay $0x4  }
0x112: {  	v0 =	vshll.u32 v59, $0x1  }
0x113: {  	[tilespmem:$0xD138] =	vst v0  }
0x114: {  	v0 =	vld [tilespmem:s19+$0xFFFFFE1C];
	_ =	sdelay $0x4  }
0x115: {  	v0 =	vshll.u32 v0, $0x1  }
0x116: {  	[tilespmem:$0xD148] =	vst v0  }
0x117: {  	v0 =	vld [tilespmem:s19+$0xFFFFFE2C];
	_ =	sdelay $0x4  }
0x118: {  	v0 =	vshll.u32 v0, $0x1  }
0x119: {  	[tilespmem:$0xD158] =	vst v0  }
0x11a: {  	v0 =	vld [tilespmem:s19+$0xFFFFFE3C];
	_ =	sdelay $0x4  }
0x11b: {  	v0 =	vshll.u32 v0, $0x1  }
0x11c: {  	[tilespmem:$0xD168] =	vst v0  }
0x11d: {  	v0 =	vld [tilespmem:s19+$0xFFFFFE4C];
	_ =	sdelay $0x4  }
0x11e: {  	v0 =	vshll.u32 v0, $0x1  }
0x11f: {  	[tilespmem:$0xD178] =	vst v0  }
0x120: {  	v0 =	vld [tilespmem:s19+$0xFFFFFE5C];
	_ =	sdelay $0x4  }
0x121: {  	v0 =	vshll.u32 v0, $0x1  }
0x122: {  	[tilespmem:$0xD188] =	vst v0  }
0x123: {  	v0 =	vld [tilespmem:s19+$0xFFFFFE60];
	_ =	sdelay $0x4  }
0x124: {  	v0 =	vshll.u32 v0, $0x1  }
0x125: {  	s23 =	simm.s32 $0xD138;
	[tilespmem:$0xD18C] =	vst v0  }
0x126: {  	[tilespmem:s16], [sflag:$0x4] =	stream.indirect.gather [hbm4b:s3+s8], $0x40, s23, s8, $0xb8;
	[tilespmem:$0x19B40] =	vst v63  }
0x127: {  	_ =	swait.ge [sflag:s11], $0x1900  }
0x128: {  	[sflag:s11] =	ssyncset.done $0x0  }
0x129: {  	[sflag:s11] =	ssyncadd.s32 $0xFFFFE700  }
0x12a: {  	v60 =	vld [tilespmem:s19+$0xFFFFFE74];
	_ =	sdelay $0x4  }
0x12b: {  	v0 =	vshll.u32 v60, $0x1  }
0x12c: {  	[tilespmem:$0xD1A0] =	vst v0  }
0x12d: {  	v0 =	vld [tilespmem:s19+$0xFFFFFE84];
	_ =	sdelay $0x4  }
0x12e: {  	v0 =	vshll.u32 v0, $0x1  }
0x12f: {  	[tilespmem:$0xD1B0] =	vst v0  }
0x130: {  	v0 =	vld [tilespmem:s19+$0xFFFFFE94];
	_ =	sdelay $0x4  }
0x131: {  	v0 =	vshll.u32 v0, $0x1  }
0x132: {  	[tilespmem:$0xD1C0] =	vst v0  }
0x133: {  	v0 =	vld [tilespmem:s19+$0xFFFFFEA4];
	_ =	sdelay $0x4  }
0x134: {  	v0 =	vshll.u32 v0, $0x1  }
0x135: {  	[tilespmem:$0xD1D0] =	vst v0  }
0x136: {  	v0 =	vld [tilespmem:s19+$0xFFFFFEB4];
	_ =	sdelay $0x4  }
0x137: {  	v0 =	vshll.u32 v0, $0x1  }
0x138: {  	[tilespmem:$0xD1E0] =	vst v0  }
0x139: {  	v0 =	vld [tilespmem:s19+$0xFFFFFEC4];
	_ =	sdelay $0x4  }
0x13a: {  	v0 =	vshll.u32 v0, $0x1  }
0x13b: {  	[tilespmem:$0xD1F0] =	vst v0  }
0x13c: {  	v0 =	vld [tilespmem:s19+$0xFFFFFEC8];
	_ =	sdelay $0x4  }
0x13d: {  	v0 =	vshll.u32 v0, $0x1  }
0x13e: {  	s23 =	simm.s32 $0xD1A0;
	[tilespmem:$0xD1F4] =	vst v0  }
0x13f: {  	[tilespmem:s18], [sflag:$0x5] =	stream.indirect.gather [hbm4b:s3+s8], $0x40, s23, s8, $0xb8;
	[tilespmem:$0x19B40] =	vst v63  }
0x140: {  	_ =	swait.ge [sflag:s13], $0x1900  }
0x141: {  	[sflag:s13] =	ssyncset.done $0x0  }
0x142: {  	[sflag:s13] =	ssyncadd.s32 $0xFFFFE700  }
0x143: {  	v61 =	vld [tilespmem:s19+$0xFFFFFEDC];
	_ =	sdelay $0x4  }
0x144: {  	v0 =	vshll.u32 v61, $0x1  }
0x145: {  	[tilespmem:$0xD208] =	vst v0  }
0x146: {  	v0 =	vld [tilespmem:s19+$0xFFFFFEEC];
	_ =	sdelay $0x4  }
0x147: {  	v0 =	vshll.u32 v0, $0x1  }
0x148: {  	[tilespmem:$0xD218] =	vst v0  }
0x149: {  	v0 =	vld [tilespmem:s19+$0xFFFFFEFC];
	_ =	sdelay $0x4  }
0x14a: {  	v0 =	vshll.u32 v0, $0x1  }
0x14b: {  	[tilespmem:$0xD228] =	vst v0  }
0x14c: {  	v0 =	vld [tilespmem:s19+$0xFFFFFF0C];
	_ =	sdelay $0x4  }
0x14d: {  	v0 =	vshll.u32 v0, $0x1  }
0x14e: {  	[tilespmem:$0xD238] =	vst v0  }
0x14f: {  	v0 =	vld [tilespmem:s19+$0xFFFFFF1C];
	_ =	sdelay $0x4  }
0x150: {  	v0 =	vshll.u32 v0, $0x1  }
0x151: {  	[tilespmem:$0xD248] =	vst v0  }
0x152: {  	v0 =	vld [tilespmem:s19+$0xFFFFFF2C];
	_ =	sdelay $0x4  }
0x153: {  	v0 =	vshll.u32 v0, $0x1  }
0x154: {  	[tilespmem:$0xD258] =	vst v0  }
0x155: {  	v0 =	vld [tilespmem:s19+$0xFFFFFF30];
	_ =	sdelay $0x4  }
0x156: {  	v0 =	vshll.u32 v0, $0x1  }
0x157: {  	s23 =	simm.s32 $0xD208;
	[tilespmem:$0xD25C] =	vst v0  }
0x158: {  	[tilespmem:s20], [sflag:$0x6] =	stream.indirect.gather [hbm4b:s3+s8], $0x40, s23, s8, $0xb8;
	[tilespmem:$0x19B40] =	vst v63  }
0x159: {  	_ =	swait.ge [sflag:s15], $0x1900  }
0x15a: {  	[sflag:s15] =	ssyncset.done $0x0  }
0x15b: {  	[sflag:s15] =	ssyncadd.s32 $0xFFFFE700  }
0x15c: {  	v62 =	vld [tilespmem:s19+$0xFFFFFF44];
	_ =	sdelay $0x4  }
0x15d: {  	v0 =	vshll.u32 v62, $0x1  }
0x15e: {  	[tilespmem:$0xD270] =	vst v0  }
0x15f: {  	v0 =	vld [tilespmem:s19+$0xFFFFFF54];
	_ =	sdelay $0x4  }
0x160: {  	v0 =	vshll.u32 v0, $0x1  }
0x161: {  	[tilespmem:$0xD280] =	vst v0  }
0x162: {  	v0 =	vld [tilespmem:s19+$0xFFFFFF64];
	_ =	sdelay $0x4  }
0x163: {  	v0 =	vshll.u32 v0, $0x1  }
0x164: {  	[tilespmem:$0xD290] =	vst v0  }
0x165: {  	v0 =	vld [tilespmem:s19+$0xFFFFFF74];
	_ =	sdelay $0x4  }
0x166: {  	v0 =	vshll.u32 v0, $0x1  }
0x167: {  	[tilespmem:$0xD2A0] =	vst v0  }
0x168: {  	v0 =	vld [tilespmem:s19+$0xFFFFFF84];
	_ =	sdelay $0x4  }
0x169: {  	v0 =	vshll.u32 v0, $0x1  }
0x16a: {  	[tilespmem:$0xD2B0] =	vst v0  }
0x16b: {  	v0 =	vld [tilespmem:s19+$0xFFFFFF94];
	_ =	sdelay $0x4  }
0x16c: {  	v0 =	vshll.u32 v0, $0x1  }
0x16d: {  	[tilespmem:$0xD2C0] =	vst v0  }
0x16e: {  	v0 =	vld [tilespmem:s19+$0xFFFFFF98];
	_ =	sdelay $0x4  }
0x16f: {  	v0 =	vshll.u32 v0, $0x1  }
0x170: {  	s23 =	simm.s32 $0xD270;
	[tilespmem:$0xD2C4] =	vst v0  }
0x171: {  	[tilespmem:s22], [sflag:$0x7] =	stream.indirect.gather [hbm4b:s3+s8], $0x40, s23, s8, $0xb8;
	[tilespmem:$0x19B40] =	vst v63  }
0x172: {  	_ =	swait.ge [sflag:s17], $0x1900  }
0x173: {  	[sflag:s17] =	ssyncset.done $0x0  }
0x174: {  	[sflag:s17] =	ssyncadd.s32 $0xFFFFE700  }
0x175: {  	v63 =	vld [tilespmem:s19+$0xFFFFFFAC];
	_ =	sdelay $0x4  }
0x176: {  	v0 =	vshll.u32 v63, $0x1  }
0x177: {  	[tilespmem:$0xD2D8] =	vst v0  }
0x178: {  	v0 =	vld [tilespmem:s19+$0xFFFFFFBC];
	_ =	sdelay $0x4  }
0x179: {  	v0 =	vshll.u32 v0, $0x1  }
0x17a: {  	[tilespmem:$0xD2E8] =	vst v0  }
0x17b: {  	v0 =	vld [tilespmem:s19+$0xFFFFFFCC];
	_ =	sdelay $0x4  }
0x17c: {  	v0 =	vshll.u32 v0, $0x1  }
0x17d: {  	[tilespmem:$0xD2F8] =	vst v0  }
0x17e: {  	v0 =	vld [tilespmem:s19+$0xFFFFFFDC];
	_ =	sdelay $0x4  }
0x17f: {  	v0 =	vshll.u32 v0, $0x1  }
0x180: {  	[tilespmem:$0xD308] =	vst v0  }
0x181: {  	v0 =	vld [tilespmem:s19+$0xFFFFFFEC];
	_ =	sdelay $0x4  }
0x182: {  	v0 =	vshll.u32 v0, $0x1  }
0x183: {  	[tilespmem:$0xD318] =	vst v0  }
0x184: {  	v0 =	vld [tilespmem:s19+$0xFFFFFFFC];
	_ =	sdelay $0x4  }
0x185: {  	v0 =	vshll.u32 v0, $0x1  }
0x186: {  	[tilespmem:$0xD328] =	vst v0  }
0x187: {  	v0 =	vld [tilespmem:s19+$0x0]  }
0x188: {  	s21 =	sadd.s32 $0x1900, s21  }
0x189: {  	p0 =	sne.s32 s21, $0x64000  }
.Ltmp3:
0x18a: {  	_ = 	snop;
	(pc) =	sbr.rel @p0 .LBB2_2-.Ltmp3, $4  }
.Ltmp4:
0x18b: {  	_ = 	snop;
	(pc) =	sbr.rel @!p0 .LBB2_5-.Ltmp4, $4  }
0x18c: {  	v0 =	vshll.u32 v0, $0x1  }
0x18d: {  	s23 =	simm.s32 $0xD2D8;
	s19 =	sadd.s32 $0x340, s19;
	[tilespmem:$0xD32C] =	vst v0  }
0x18e: {  	[tilespmem:s24], [sflag:$0x8] =	stream.indirect.gather [hbm4b:s3+s8], $0x40, s23, s8, $0xb8;
	[tilespmem:$0x19B40] =	vst v63  }
0x18f: {  	_ = 	snop  }
.LBB2_6:
0x190: {  	_ =	sfence.sel $0x180000  }
0x191: {  	[bflag:$0x0] =	sbarrier.arrive $0xFFFF  }
0x192: {  	_ =	strace $0x90000047  }
0x193: {  	s0 =	stileid.u32;
	[bflag:$0x2] =	sbarrier.arrive $0xFFFF  }
0x194: {  	p0 =	sne.s32 s0, $0x0;
	s0 =	rddreg [dreg:$0x2]  }
0x195: {  	s0 =	sadd.s32 @!p0 $0x100000, s0  }
0x196: {  	[sflag:s0] =	ssyncadd.tile.s32 @!p0 $0x1;
	_ =	shalt  }
.Lfunc_end2:
_tile_overlayer_lowered:
.L_overlay_start_2:
0x197: {  	(tag) =	ssettag $0x2  }
0x198: {  	s0 =	rddreg [dreg:$0x0];
	s2 =	stileid.u32  }
0x199: {  	s1 =	rddreg [dreg:$0x1];
	p0 =	sne.s32 s2, $0x0  }
0x19a: {  	s3 =	rddreg [dreg:$0x2];
	[bflag:$0x3] =	sbarrier.arrive $0xFFFF;
	s2 =	simm.s32 @!p0 $0x1C11  }
0x19b: {  	[timem:s3], [sflag:s2] =	dma.local @!p0 [hbm:s0], s1  }
0x19c: {  	s0 =	simm.s32 @!p0 $0x11  }
0x19d: {  	_ =	swait.ge @!p0 [sflag:s0], s1  }
0x19e: {  	s1 =	ssub.s32 @!p0 $0x0, s1;
	[sflag:s0] =	ssyncset.done @!p0 $0x0  }
0x19f: {  	[sflag:s0] =	ssyncadd.s32 @!p0 s1  }
0x1a0: {  	[bflag:$0x3] =	sbarrier.arrive $0xFFFF  }
0x1a1: {  	_ =	shalt  }

// kernel: sparse-core-data-format-call.cloned.1.call-start
scs
called_computation_lowered:
.L_overlay_start_0:
0x0: {  	s2 =	sld [smem:$0x3FD9]  }
0x1: {  	s3 =	sld [smem:$0x3FFE];
	_ =	sdelay $0x1  }
0x2: {  	s1 =	srdreg.scid  }
0x3: {  	s0 =	sand.u32 $0x1, s1  }
0x4: {  	s18 =	sshll.u32 s0, $0xA;
	s2 =	sadd.s32 s3, s2  }
0x5: {  	s2 =	sadd.s32 s2, s18  }
0x6: {  	[smem:$0x3FC6] =	sst s2  }
0x7: {  	_ = 	snop  }
0x8: {  	s2 =	sld [smem:$0x3FD0];
	(tm) =	ssettm $0x1  }
0x9: {  	s19 =	sld [smem:$0x3FFB];
	_ =	sdelay $0x3  }
0xa: {  	_ =	strace s19  }
0xb: {  	s3 =	sld [smem:$0x3FFC];
	_ =	sdelay $0x3  }
0xc: {  	_ =	strace s3  }
0xd: {  	s3 =	sld [smem:$0x3FFD];
	_ =	sdelay $0x3  }
0xe: {  	_ =	strace s3  }
0xf: {  	_ =	strace $0x8FFFFFFF  }
0x10: {  	s20 =	sld [smem:$0x3FDB];
	_ =	sdelay $0x1  }
0x11: {  	s4 =	simm.s32 $_scs_section_size  }
0x12: {  	s5 =	simm.s32 $_size__tile_overlayer_lowered;
	s6 =	simm.s32 $_tile_overlayer_lowered  }
0x13: {  	s23 =	simm.s32 $0x1BFF;
	s22 =	sshll.u32 s6, $0x1;
	s3 =	sadd.s32 s4, s20  }
0x14: {  	s7 =	simm.s32 $0x0;
	s21 =	sshll.u32 s5, $0x1;
	s5 =	sadd.s32 s22, s3  }
0x15: {  	[timem:s7], [sflag:s23] =	dma.local [hbm:s5], s21  }
0x16: {  	_ =	swait.ge [sflag:s23], s21  }
0x17: {  	s4 =	ssub.s32 $0x0, s21;
	[sflag:s23] =	ssyncset.done $0x0  }
0x18: {  	[sflag:s23] =	ssyncadd.s32 s4;
	_ =	sdelay $0x1  }
0x19: {  	s24 =	simm.s32 $0x1B8B  }
0x1a: {  	_ =	swait.ge [sflag:s24], $0x1  }
0x1b: {  	[sflag:s24] =	ssyncset.done $0x0  }
0x1c: {  	s26 =	simm.s32 $0x1B8E;
	s25 =	sld [smem:$0x3FFE];
	[sflag:s24] =	ssyncadd.s32 $0xFFFFFFFF  }
0x1d: {  	s27 =	simm.s32 $execute0_lowered;
	[smem:$0x3FD2] =	sst s26  }
0x1e: {  	s5 =	sshll.u32 s27, $0x1;
	_ =	strace $0x80000049;
	[dreg:$0x1] =	wrdreg $0xFFFFFFFF  }
0x1f: {  	s28 =	simm.s32 $_size_execute0_lowered;
	s3 =	sadd.s32 s3, s5;
	[dreg:$0x0] =	wrdreg $0x0  }
0x20: {  	s5 =	sshll.u32 s28, $0x1;
	[dreg:$0x2] =	wrdreg s3  }
0x21: {  	[dreg:$0x3] =	wrdreg s5  }
0x22: {  	[dreg:$0x4] =	wrdreg $0xC0  }
0x23: {  	_ =	task [dreg:s7], $0x5FFFF  }
0x24: {  	[dreg:$0x1] =	wrdreg $0xFFFFFFFF  }
0x25: {  	[dreg:$0x0] =	wrdreg $0x60  }
0x26: {  	[dreg:$0x2] =	wrdreg s25  }
0x27: {  	[dreg:$0x3] =	wrdreg s2  }
0x28: {  	[dreg:$0x4] =	wrdreg $0x9  }
0x29: {  	_ =	task.clear_ibuf [dreg:s7], $0x5FFFF;
	_ =	strace $0x90000049  }
0x2a: {  	s29 =	simm.s32 $0x9;
	_ =	strace $0x8000004B  }
0x2b: {  	_ =	swait.ge [sflag:s29], $0x1  }
0x2c: {  	[sflag:s29] =	ssyncadd.s32 $0xFFFFFFFF  }
0x2d: {  	_ =	strace $0x9000004B  }
0x2e: {  	_ =	sfence  }
0x2f: {  	s30 =	sld [smem:$0x0];
	_ =	sdelay $0x2  }
0x30: {  	s31 =	sshll.u32 s1, $0xD;
	s1 =	sshrl.u32 s1, $0x2  }
0x31: {  	s3 =	sand.u32 $0x4000, s31;
	s1 =	sadd.s32 s1, s30  }
0x32: {  	s0 =	sor.u32 s3, s0;
	s1 =	sshll.u32 s1, $0x11  }
0x33: {  	s0 =	sor.u32 s1, s0  }
0x34: {  	s0 =	sadd.s32 $0x8F2B, s0  }
0x35: {  	[sflag:s0] =	ssyncadd.remote.s32 $0x1  }
0x36: {  	_ =	sfence.sel $0xFFFF  }
0x37: {  	[dreg:$0x0] =	wrdreg $0xFFFFFFFF;
	(pc) =	sbr.abs _section_cstart, $3  }
0x38: {  	[dreg:$0x1] =	wrdreg $0xFFFFFFFF  }
0x39: {  	_ =	task.clear_ibuf [dreg:s7], $0x2FFFF;
	_ =	strace $0x9FFFFFFF  }
0x3a: {  	(tm) =	ssettm $0x7FFFFFFF  }
0x3b: {  	_ =	shalt  }
tec
execute0_lowered:
.L_overlay_start_1:
0x0: {  	(tag) =	ssettag $0x1  }
0x1: {  	s0 =	srdreg.scid  }
0x2: {  	s1 =	sshll.u32 s0, $0x4  }
0x3: {  	s0 =	stileid.u32;
	s1 =	sand.u32 $0x10, s1  }
0x4: {  	s1 =	sor.u32 s0, s1  }
0x5: {  	s6 =	rddreg [dreg:$0x0];
	s4 =	simm.s32 $0x1;
	s2 =	sshll.u32 s1, $0x7  }
0x6: {  	s7 =	simm.s32 $0x2;
	s12 =	simm.s32 $0x0;
	s1 =	ssub.s32 $0x4000, s2  }
0x7: {  	s8 =	simm.s32 $0x20000;
	s13 =	simm.s32 $0x0;
	s3 =	sand.u32 $0xF80, s1  }
0x8: {  	s9 =	simm.s32 $0x0;
	s5 =	sshrl.u32 s1, $0xC;
	p0 =	sne.s32 s3, $0x0  }
.Ltmp0:
0x9: {  	s1 =	rddreg [dreg:$0x2];
	s4 =	simm.s32 @!p0 $0x0;
	(pc) =	sbr.rel .LBB1_1-.Ltmp0, $4  }
0xa: {  	s11 =	simm.s32 $0x0;
	s3 =	rddreg [dreg:$0x1];
	s5 =	sadd.s32 s4, s5  }
0xb: {  	_ =	strace $0x8000004A;
	s4 =	simm.s32 $0x1;
	s5 =	smul.u32 $0x64, s5  }
0xc: {  	s6 =	sadd.s32 $0x800, s6;
	s10 =	smov.u32 s2;
	[sflag:s4] =	ssyncpa.u1 $0x0  }
0xd: {  	p0 =	por $0x0, $0x0;
	[sflag:s7] =	ssyncpa.u1 $0x0;
	s7 =	sor.u32 $0x1, s5  }
.LBB1_4:
0xe: {  	s16 =	sshll.u32 s13, $0x3;
	s17 =	sand.u32 $0x78, s13  }
0xf: {  	s30 =	sand.u32 $0x1F800, s13;
	s12 =	sshll.u32 s12, $0x11;
	s16 =	sand.u32 $0x3C00, s16  }
0x10: {  	[tilespmem:s15+$0x810 ss:$0x81] =	vst.msk $0xffff, v2;
	s31 =	sand.u32 $0x7, s13;
	s16 =	sor.u32 s17, s16;
	s17 =	sadd.s32 s3, s30  }
0x11: {  	[tilespmem:s15+$0x1020 ss:$0x81] =	vst.msk $0xffff, v0;
	s13 =	sshll.u32 s31, $0x12;
	s12 =	sadd.s32 s12, s17;
	s16 =	sshrl.u32 s16, $0x3  }
0x12: {  	[tilespmem:s15+$0x0 ss:$0x81] =	vst.msk $0xffff, v1;
	s13 =	sor.u32 $0x400, s13;
	s12 =	sadd.s32 s16, s12  }
0x13: {  	[hbm4b:s12+s13] =	stream.strided.scatter [tilespmem:s14], [sflag:$0x2], $0x2000, s8, s13, $0x20;
	[tilespmem:$0x8080] =	vst v63  }
.LBB1_5:
0x14: {  	s14 =	sadd.s32 $0x1, s9  }
0x15: {  	s12 =	sadd.s32 $0x1000, s10;
	s16 =	smov.u32 s10;
	p2 =	sgt.s32 s14, $0x63  }
0x16: {  	s16 =	smov.u32 @p2 s12  }
0x17: {  	s14 =	simm.s32 @p2 $0x0;
	p2 =	sgt.s32 s16, $0x3FFF  }
0x18: {  	s16 =	smov.u32 @p2 s2;
	p2 =	sne.s32 s11, s7  }
.Ltmp1:
0x19: {  	p1 =	slt.u32 s11, $0x2;
	(pc) =	sbr.rel @!p2 .LBB1_6-.Ltmp1, $4  }
0x1a: {  	s15 =	simm.s32 @!p1 $0x2  }
0x1b: {  	s13 =	smov.u32 s10;
	p0 =	por !p0, !p0;
	_ =	swait.ge @!p1 [sflag:s15], $0x2000  }
0x1c: {  	s12 =	smov.u32 s9;
	[sflag:s15] =	ssyncset.done @!p1 $0x0;
	s9 =	smov.u32 s14  }
0x1d: {  	s11 =	sadd.s32 $0x1, s11;
	[sflag:s15] =	ssyncadd.s32 @!p1 $0xFFFFE000;
	s10 =	smov.u32 s16  }
.LBB1_1:
0x1e: {  	p1 =	sge.u32 s11, s5  }
0x1f: {  	s14 =	sand.u32 @!p1 $0x1FFFFFF, s9  }
0x20: {  	s15 =	smulhi.u32 @!p1 $0x2762763, s14;
	_ =	sdelay $0x1  }
0x21: {  	s15 =	smul.u32 @!p1 $0x68, s15  }
0x22: {  	s16 =	sxor.u32 @!p1 $0xFFFFFFFF, s11;
	s17 =	smul.u32 @!p1 $0x680, s10  }
0x23: {  	s31 =	sadd.s32 $0xFFFFFFFF, s11;
	s16 =	sshll.u32 @!p1 s16, $0xD;
	s14 =	ssub.s32 @!p1 s14, s15  }
0x24: {  	s15 =	sand.u32 @!p1 $0x2000, s16;
	s16 =	sadd.s32 @!p1 s6, s17;
	s14 =	sshll.u32 @!p1 s14, $0x4  }
0x25: {  	s17 =	simm.s32 @!p1 $0x3400;
	s14 =	sadd.s32 @!p1 s14, s16;
	s16 =	simm.s32 @!p1 $0x40  }
0x26: {  	[tilespmem:s15], [sflag:$0x1] =	stream.strided.gather @!p1 [hbm4b:s14+s16], $0x2000, s17, s16, $0x38;
	[tilespmem:$0x8080] =	vst v63  }
0x27: {  	p1 =	sge.u32 s31, s5  }
.Ltmp2:
0x28: {  	_ = 	snop;
	(pc) =	sbr.rel @p1 .LBB1_5-.Ltmp2, $1  }
0x29: {  	_ =	sdelay $0x3  }
0x2a: {  	s14 =	simm.s32 $0x1  }
0x2b: {  	_ =	swait.ge [sflag:s4], $0x2000;
	s14 =	simm.s32 @!p0 $0x0  }
0x2c: {  	[sflag:s4] =	ssyncset.done $0x0;
	s15 =	sshll.u32 s14, $0xD  }
0x2d: {  	[sflag:s4] =	ssyncadd.s32 $0xFFFFE000;
	s18 =	sor.u32 $0x20, s15  }
0x2e: {  	s14 =	smul.u32 $0x8100, s14;
	v3 =	vld [tilespmem:s18+$0x10]  }
0x2f: {  	s30 =	sand.u32 $0x1, s11;
	v2 =	vld [tilespmem:s18+$0xFFFFFFF0]  }
0x30: {  	s15 =	smul.u32 $0x8100, s30;
	s14 =	sshrl.u32 s14, $0x2;
	v0 =	vld [tilespmem:s18+$0x0]  }
0x31: {  	v1 =	vld [tilespmem:s18+$0xFFFFFFE0];
	s16 =	sor.u32 $0x4000, s14  }
0x32: {  	s31 =	sshrl.u32 s15, $0x2;
	s15 =	sadd.s32 $0x0, s16  }
0x33: {  	s17 =	simm.s32 $0x4;
	s18 =	sadd.s32 $0x40, s18;
	s14 =	sor.u32 $0x4000, s31;
	[tilespmem:s15+$0x1830 ss:$0x81] =	vst.msk $0xffff, v3  }
.LBB1_3:
0x34: {  	v3 =	vld [tilespmem:s18+$0x10];
	p1 =	sne.s32 s17, $0x1FC;
	[tilespmem:s15+$0x810 ss:$0x81] =	vst.msk $0xffff, v2;
	s19 =	smov.u32 s17;
	s17 =	sadd.s32 $0x4, s17  }
.Ltmp3:
0x35: {  	v2 =	vld [tilespmem:s18+$0xFFFFFFF0];
	[tilespmem:s15+$0x1020 ss:$0x81] =	vst.msk $0xffff, v0;
	(pc) =	sbr.rel @p1 .LBB1_3-.Ltmp3, $4  }
0x36: {  	v0 =	vld [tilespmem:s18+$0x0];
	[tilespmem:s15+$0x0 ss:$0x81] =	vst.msk $0xffff, v1  }
0x37: {  	s15 =	sshra.s32 s19, $0x2;
	v1 =	vld [tilespmem:s18+$0xFFFFFFE0]  }
0x38: {  	s15 =	sadd.s32 s15, s16  }
0x39: {  	s18 =	sadd.s32 $0x40, s18;
	[tilespmem:s15+$0x1830 ss:$0x81] =	vst.msk $0xffff, v3  }
.Ltmp4:
0x3a: {  	_ = 	snop;
	(pc) =	sbr.rel .LBB1_4-.Ltmp4, $1  }
0x3b: {  	_ =	sdelay $0x3  }
.LBB1_6:
0x3c: {  	_ =	sfence.sel $0x180000  }
0x3d: {  	s2 =	simm.s32 $0x1;
	[bflag:$0x0] =	sbarrier.arrive $0xFFFF  }
0x3e: {  	s31 =	simm.s32 $0x2;
	[sflag:s2] =	ssyncpa.u1 $0x1  }
0x3f: {  	[sflag:s31] =	ssyncpa.u1 $0x1  }
0x40: {  	p0 =	sne.s32 s0, $0x0;
	_ =	strace $0x9000004A  }
0x41: {  	s0 =	sadd.s32 @!p0 $0x100000, s1;
	[bflag:$0x2] =	sbarrier.arrive $0xFFFF  }
0x42: {  	[sflag:s0] =	ssyncadd.tile.s32 @!p0 $0x1;
	_ =	shalt  }
.Lfunc_end1:
_tile_overlayer_lowered:
.L_overlay_start_2:
0x43: {  	(tag) =	ssettag $0x2  }
0x44: {  	s0 =	rddreg [dreg:$0x0];
	s2 =	stileid.u32  }
0x45: {  	s1 =	rddreg [dreg:$0x1];
	p0 =	sne.s32 s2, $0x0  }
0x46: {  	s3 =	rddreg [dreg:$0x2];
	[bflag:$0x3] =	sbarrier.arrive $0xFFFF;
	s2 =	simm.s32 @!p0 $0x1C01  }
0x47: {  	[timem:s3], [sflag:s2] =	dma.local @!p0 [hbm:s0], s1  }
0x48: {  	s0 =	simm.s32 @!p0 $0x1  }
0x49: {  	_ =	swait.ge @!p0 [sflag:s0], s1  }
0x4a: {  	s1 =	ssub.s32 @!p0 $0x0, s1;
	[sflag:s0] =	ssyncset.done @!p0 $0x0  }
0x4b: {  	[sflag:s0] =	ssyncadd.s32 @!p0 s1  }
0x4c: {  	[bflag:$0x3] =	sbarrier.arrive $0xFFFF  }
0x4d: {  	_ =	shalt  }

</sc_bundles>
